<compile_context>
chip_gen: v7x
topology: tpu7x:2x2x1
jax: 0.10.2.dev20260603
libtpu: 0.0.44.dev20260713+nightly
codegen_flags: <defaults>
</compile_context>

<pallas_src>
import functools

import jax
import jax.numpy as jnp
from jax import lax
from jax.experimental import pallas as pl
from jax.experimental.pallas import tpu as pltpu
from jax.experimental.pallas import tpu_sc as plsc

_IN_DIM = 101
_D = 64
_BATCH = 16384
_HIST = 200
_MAX_NORM = 1.0

_NC = 2
_NS = 16
_NW = _NC * _NS
_L = 16

_BT = _BATCH // 128
_CT = _D // 8
_BG = _BT // 8
_PAIRS = _HIST * _BG
_P_PW = _PAIRS // _NW

def _norm_body(tab_ref, out_ref):
    t = tab_ref[...]
    norms = jnp.sqrt(jnp.sum(t * t, axis=1, keepdims=True))
    scale = jnp.where(norms > _MAX_NORM, _MAX_NORM / (norms + 1e-7), 1.0)
    s = t * scale
    out_ref[...] = jnp.concatenate(
        [jnp.transpose(s), jnp.zeros((_D, 128 - _IN_DIM), jnp.float32)], axis=1
    )


def _normalize_table_t(table):
    return pl.pallas_call(
        _norm_body,
        out_shape=jax.ShapeDtypeStruct((_D, 128), jnp.float32),
    )(table)


def _gather_body(tab_hbm, xt_hbm, out_hbm, tab_v, xh0, xh1, blk0, blk1, sems):
    isem0, isem1, ssem0, ssem1 = sems
    pltpu.sync_copy(tab_hbm, tab_v)

    wid = lax.axis_index("s") * _NC + lax.axis_index("c")
    p_base = wid * _P_PW
    step128 = jnp.full((_L,), 128, jnp.int32)

    def xh_start(p, xh, isem):
        pp = lax.min(p_base + p, _PAIRS - 1)
        h = pp // _BG
        b0 = (pp % _BG) * 1024
        pltpu.async_copy(xt_hbm.at[h, pl.ds(b0, 1024)], xh, isem)

    def xh_wait(xh, isem):
        pltpu.make_async_copy(xt_hbm.at[0, pl.ds(0, 1024)], xh, isem).wait()

    def store_wait(blk, ssem):
        pltpu.make_async_copy(
            blk, out_hbm.at[0, 0, pl.ds(0, 8)], ssem
        ).wait()

    def gen_block(ct, xh, blk):
        base = jnp.full((_L,), ct * 1024, jnp.int32)

        @plsc.parallel_loop(0, 64, step=1, unroll=8)
        def _(g):
            bt = g // 8
            j16 = (g % 8) * _L
            xv = xh[pl.ds(g * _L, _L)]
            addr = xv + base
            for c8 in range(8):
                blk[bt, c8, pl.ds(j16, _L)] = plsc.load_gather(tab_v, [addr])
                if c8 != 7:
                    addr = addr + step128

    def phase(p, cp, ph, xh, blk, ssem):
        ct = cp * 2 + ph
        pp = p_base + p
        h = pp // _BG
        bt0 = (pp % _BG) * 8

        @pl.when(jnp.logical_or(p > 0, cp > 0))
        def _():
            store_wait(blk, ssem)

        gen_block(ct, xh, blk)
        pltpu.async_copy(blk, out_hbm.at[h, ct, pl.ds(bt0, 8)], ssem)

    def pair_work(p, xh):
        def cp_body(cp, carry):
            phase(p, cp, 0, xh, blk0, ssem0)
            phase(p, cp, 1, xh, blk1, ssem1)
            return carry

        lax.fori_loop(0, _CT // 2, cp_body, 0)

    xh_start(0, xh0, isem0)

    def p_body(p, carry):
        @pl.when(lax.rem(p, 2) == 0)
        def _():
            xh_wait(xh0, isem0)
            xh_start(p + 1, xh1, isem1)
            pair_work(p, xh0)

        @pl.when(lax.rem(p, 2) == 1)
        def _():
            xh_wait(xh1, isem1)
            xh_start(p + 1, xh0, isem0)
            pair_work(p, xh1)

        return carry

    lax.fori_loop(0, _P_PW, p_body, 0)

    store_wait(blk0, ssem0)
    store_wait(blk1, ssem1)
    xh_wait(xh0, isem0)


@functools.partial(
    pl.kernel,
    out_type=jax.ShapeDtypeStruct((_HIST, _CT, _BT, 8, 128), jnp.float32),
    mesh=plsc.VectorSubcoreMesh(core_axis_name="c", subcore_axis_name="s"),
    scratch_types=[
        pltpu.VMEM((_D * 128,), jnp.float32),
        pltpu.VMEM((1024,), jnp.int32),
        pltpu.VMEM((1024,), jnp.int32),
        pltpu.VMEM((8, 8, 128), jnp.float32),
        pltpu.VMEM((8, 8, 128), jnp.float32),
        pltpu.SemaphoreType.DMA,
        pltpu.SemaphoreType.DMA,
        pltpu.SemaphoreType.DMA,
        pltpu.SemaphoreType.DMA,
    ],
    compiler_params=pltpu.CompilerParams(
        use_tc_tiling_on_sc=False, needs_layout_passes=False
    ),
)
def _sc_gather(tab_hbm, xt_hbm, out_hbm, tab_v, xh0, xh1, blk0, blk1, *sems):
    _gather_body(tab_hbm, xt_hbm, out_hbm, tab_v, xh0, xh1, blk0, blk1, sems)


def kernel(x, table):
    tab_t = _normalize_table_t(table).reshape(_D * 128)
    out5 = _sc_gather(tab_t, x.T)
    return out5.transpose(2, 4, 0, 1, 3).reshape(_BATCH, _HIST, _D)

# --- scband reference (transcript-rebuilt; emitter-appended) ---
"""Pipeline reference for scband-linear-model-12987981103134 (READ-ONLY COPY).

The authoritative reference and input builder live on the scoring server;
editing this copy changes nothing except your own understanding.
"""

import jax, jax.numpy as jnp
import numpy as np

INPUT_DIM = 101
OUTPUT_DIM = 64
BATCH = 16384
HIST = 200
MAX_NORM = 1.0


def setup_inputs(seed: int = 0) -> dict:
    key = jax.random.key(seed)
    k1, k2 = jax.random.split(key)
    x = jax.random.randint(k1, (BATCH, HIST), 0, INPUT_DIM, dtype=jnp.int32)
    # Embedding weight initialized (stand-in for the dirichlet superv map copy)
    table = jax.random.normal(k2, (INPUT_DIM, OUTPUT_DIM), dtype=jnp.float32)
    return {"x": x, "table": table}


def reference(x, table):
    # nn.Embedding(input_dim, output_dim, max_norm=1): rows looked up are
    # renormalized so that their L2 norm does not exceed max_norm, then gathered.
    rows = jnp.take(table, x, axis=0)
    norms = jnp.linalg.norm(rows, axis=-1, keepdims=True)
    scale = jnp.where(norms > MAX_NORM, MAX_NORM / (norms + 1e-7), 1.0)
    return rows * scale

if __name__ == "__main__":
    import jax
    _d = setup_inputs()
    print(jax.jit(kernel)(*tuple(_d.values())))

</pallas_src>

<mosaic_0001>
#map = affine_map<(d0, d1) -> (0)>
#map1 = affine_map<(d0, d1) -> (0, 0)>
#map2 = affine_map<(d0, d1) -> (0, 0, 0, 0, 0)>
module attributes {stable_mosaic.version = 14 : i64} {
  func.func @_sc_gather(%arg0: i32, %arg1: i32, %arg2: memref<8192xf32, #tpu.memory_space<hbm>>, %arg3: memref<200x16384xi32, #tpu.memory_space<hbm>>, %arg4: memref<200x8x128x8x128xf32, #tpu.memory_space<hbm>>, %arg5: memref<8192xf32, #tpu.memory_space<vmem>>, %arg6: memref<1024xi32, #tpu.memory_space<vmem>>, %arg7: memref<1024xi32, #tpu.memory_space<vmem>>, %arg8: memref<8x8x128xf32, #tpu.memory_space<vmem>>, %arg9: memref<8x8x128xf32, #tpu.memory_space<vmem>>, %arg10: memref<!tpu.dma_semaphore, #tpu.memory_space<semaphore_mem>>, %arg11: memref<!tpu.dma_semaphore, #tpu.memory_space<semaphore_mem>>, %arg12: memref<!tpu.dma_semaphore, #tpu.memory_space<semaphore_mem>>, %arg13: memref<!tpu.dma_semaphore, #tpu.memory_space<semaphore_mem>>) attributes {dimension_semantics = [#tpu.dimension_semantics<core_parallel>, #tpu.dimension_semantics<subcore_parallel>], iteration_bounds = array<i64: 2, 16>, scalar_prefetch = 0 : i64, scratch_operands = 9 : i64, tpu.core_type = #tpu.core_type<sc_vector_subcore>, window_params = [{transform_indices = #map}, {transform_indices = #map1}, {transform_indices = #map2}]} {
    "tpu.region"() ({
      %run_scoped3A = tpu.sem_alloc : memref<!tpu.dma_semaphore, #tpu.memory_space<semaphore_mem>>
      tpu.enqueue_dma source(%arg2 : memref<8192xf32, #tpu.memory_space<hbm>>) target(%arg5 : memref<8192xf32, #tpu.memory_space<vmem>>) target_semaphore(%run_scoped3A : memref<!tpu.dma_semaphore, #tpu.memory_space<semaphore_mem>>)
      tpu.wait_dma2 semaphore(%run_scoped3A : memref<!tpu.dma_semaphore, #tpu.memory_space<semaphore_mem>>) src(%arg2 : memref<8192xf32, #tpu.memory_space<hbm>>) dst(%arg5 : memref<8192xf32, #tpu.memory_space<vmem>>)
      tpu.yield
    }) : () -> ()
    %mul3A = arith.constant 2 : i32
    %mul3A_0 = arith.muli %arg1, %mul3A : i32
    %add3A = arith.addi %mul3A_0, %arg0 : i32
    %mul3A_1 = arith.constant 100 : i32
    %mul3A_2 = arith.muli %add3A, %mul3A_1 : i32
    %broadcast_in_dim3A = arith.constant 128 : i32
    %broadcast_in_dim3A_3 = vector.broadcast %broadcast_in_dim3A : i32 to vector<16xi32>
    %add3A_4 = arith.constant 0 : i32
    %add3A_5 = arith.addi %mul3A_2, %add3A_4 : i32
    %min3A = arith.constant 3199 : i32
    %min3A_6 = arith.minsi %add3A_5, %min3A : i32
    %jit3A = arith.constant 16 : i32
    %div3A = arith.divsi %min3A_6, %jit3A : i32
    %sign3A = arith.constant 0 : i32
    %sign3A_7 = arith.cmpi sgt, %min3A_6, %sign3A : i32
    %sign3A_8 = arith.extui %sign3A_7 : i1 to i32
    %sign3A_9 = arith.constant 0 : i32
    %sign3A_10 = arith.cmpi slt, %min3A_6, %sign3A_9 : i32
    %sign3A_11 = arith.extui %sign3A_10 : i1 to i32
    %sign3A_12 = arith.subi %sign3A_8, %sign3A_11 : i32
    %sign3A_13 = arith.constant 0 : i32
    %sign3A_14 = arith.cmpi sgt, %jit3A, %sign3A_13 : i32
    %sign3A_15 = arith.extui %sign3A_14 : i1 to i32
    %sign3A_16 = arith.constant 0 : i32
    %sign3A_17 = arith.cmpi slt, %jit3A, %sign3A_16 : i32
    %sign3A_18 = arith.extui %sign3A_17 : i1 to i32
    %sign3A_19 = arith.subi %sign3A_15, %sign3A_18 : i32
    %ne3A = arith.cmpi ne, %sign3A_12, %sign3A_19 : i32
    %rem3A = arith.remsi %min3A_6, %jit3A : i32
    %ne3A_20 = arith.constant 0 : i32
    %ne3A_21 = arith.cmpi ne, %rem3A, %ne3A_20 : i32
    %and3A = arith.andi %ne3A, %ne3A_21 : i1
    %sub3A = arith.constant 1 : i32
    %sub3A_22 = arith.subi %div3A, %sub3A : i32
    %select_n3A = arith.select %and3A, %sub3A_22, %div3A : i32
    %jit3A_23 = arith.constant 16 : i32
    %eq3A = arith.constant 0 : i32
    %eq3A_24 = arith.cmpi eq, %jit3A_23, %eq3A : i32
    %jit3A_25 = arith.constant 1 : i32
    %select_n3A_26 = arith.select %eq3A_24, %jit3A_25, %jit3A_23 : i32
    %rem3A_27 = arith.remsi %min3A_6, %select_n3A_26 : i32
    %ne3A_28 = arith.constant 0 : i32
    %ne3A_29 = arith.cmpi ne, %rem3A_27, %ne3A_28 : i32
    %lt3A = arith.constant 0 : i32
    %lt3A_30 = arith.cmpi slt, %rem3A_27, %lt3A : i32
    %lt3A_31 = arith.constant 0 : i32
    %lt3A_32 = arith.cmpi slt, %select_n3A_26, %lt3A_31 : i32
    %ne3A_33 = arith.xori %lt3A_30, %lt3A_32 : i1
    %and3A_34 = arith.andi %ne3A_33, %ne3A_29 : i1
    %add3A_35 = arith.addi %rem3A_27, %select_n3A_26 : i32
    %select_n3A_36 = arith.select %and3A_34, %add3A_35, %rem3A_27 : i32
    %mul3A_37 = arith.constant 1024 : i32
    %mul3A_38 = arith.muli %select_n3A_36, %mul3A_37 : i32
    %dma_start3A = tpu.memref_slice %arg3[%select_n3A, %mul3A_38] : memref<200x16384xi32, #tpu.memory_space<hbm>> -> memref<1x1024xi32, #tpu.memory_space<hbm>>
    %dma_start3A_39 = tpu.memref_squeeze %dma_start3A : memref<1x1024xi32, #tpu.memory_space<hbm>> -> memref<1024xi32, #tpu.memory_space<hbm>>
    %dma_start3A_40 = tpu.memref_slice %arg3[%select_n3A, %mul3A_38] : memref<200x16384xi32, #tpu.memory_space<hbm>> -> memref<1x1024xi32, #tpu.memory_space<hbm>>
    %dma_start3A_41 = tpu.memref_squeeze %dma_start3A_40 : memref<1x1024xi32, #tpu.memory_space<hbm>> -> memref<1024xi32, #tpu.memory_space<hbm>>
    tpu.enqueue_dma source(%dma_start3A_41 : memref<1024xi32, #tpu.memory_space<hbm>>) target(%arg6 : memref<1024xi32, #tpu.memory_space<vmem>>) target_semaphore(%arg10 : memref<!tpu.dma_semaphore, #tpu.memory_space<semaphore_mem>>)
    %scan3A = arith.constant 0 : i32
    %scan3A_42 = arith.constant 0 : i32
    %scan3A_43 = arith.constant 100 : i32
    %scan3A_44 = arith.addi %scan3A_42, %scan3A_43 : i32
    %scan3A_45 = arith.constant 1 : i32
    scf.for %scan3A_77 = %scan3A_42 to %scan3A_44 step %scan3A_45  : i32 {
      %rem3A_78 = arith.constant 2 : i32
      %rem3A_79 = arith.remsi %scan3A_77, %rem3A_78 : i32
      %eq3A_80 = arith.constant 0 : i32
      %eq3A_81 = arith.cmpi eq, %rem3A_79, %eq3A_80 : i32
      %convert_element_type3A = arith.extui %eq3A_81 : i1 to i32
      %cond3A = arith.constant 0 : i32
      %cond3A_82 = arith.cmpi ne, %convert_element_type3A, %cond3A : i32
      scf.if %cond3A_82 {
        %dma_wait3A_90 = arith.constant 0 : i32
        %dma_wait3A_91 = arith.constant 0 : i32
        %dma_wait3A_92 = tpu.memref_slice %arg3[%dma_wait3A_90, %dma_wait3A_91] : memref<200x16384xi32, #tpu.memory_space<hbm>> -> memref<1x1024xi32, #tpu.memory_space<hbm>>
        %dma_wait3A_93 = tpu.memref_squeeze %dma_wait3A_92 : memref<1x1024xi32, #tpu.memory_space<hbm>> -> memref<1024xi32, #tpu.memory_space<hbm>>
        %dma_wait3A_94 = arith.constant 0 : i32
        %dma_wait3A_95 = tpu.memref_slice %arg3[%dma_wait3A_90, %dma_wait3A_94] : memref<200x16384xi32, #tpu.memory_space<hbm>> -> memref<1x1024xi32, #tpu.memory_space<hbm>>
        %dma_wait3A_96 = tpu.memref_squeeze %dma_wait3A_95 : memref<1x1024xi32, #tpu.memory_space<hbm>> -> memref<1024xi32, #tpu.memory_space<hbm>>
        tpu.wait_dma2 semaphore(%arg10 : memref<!tpu.dma_semaphore, #tpu.memory_space<semaphore_mem>>) src(%dma_wait3A_96 : memref<1024xi32, #tpu.memory_space<hbm>>) dst(%arg6 : memref<1024xi32, #tpu.memory_space<vmem>>)
        %add3A_97 = arith.constant 1 : i32
        %add3A_98 = arith.addi %scan3A_77, %add3A_97 : i32
        %add3A_99 = arith.addi %mul3A_2, %add3A_98 : i32
        %min3A_100 = arith.constant 3199 : i32
        %min3A_101 = arith.minsi %add3A_99, %min3A_100 : i32
        %jit3A_102 = arith.constant 16 : i32
        %div3A_103 = arith.divsi %min3A_101, %jit3A_102 : i32
        %sign3A_104 = arith.constant 0 : i32
        %sign3A_105 = arith.cmpi sgt, %min3A_101, %sign3A_104 : i32
        %sign3A_106 = arith.extui %sign3A_105 : i1 to i32
        %sign3A_107 = arith.constant 0 : i32
        %sign3A_108 = arith.cmpi slt, %min3A_101, %sign3A_107 : i32
        %sign3A_109 = arith.extui %sign3A_108 : i1 to i32
        %sign3A_110 = arith.subi %sign3A_106, %sign3A_109 : i32
        %sign3A_111 = arith.constant 0 : i32
        %sign3A_112 = arith.cmpi sgt, %jit3A_102, %sign3A_111 : i32
        %sign3A_113 = arith.extui %sign3A_112 : i1 to i32
        %sign3A_114 = arith.constant 0 : i32
        %sign3A_115 = arith.cmpi slt, %jit3A_102, %sign3A_114 : i32
        %sign3A_116 = arith.extui %sign3A_115 : i1 to i32
        %sign3A_117 = arith.subi %sign3A_113, %sign3A_116 : i32
        %ne3A_118 = arith.cmpi ne, %sign3A_110, %sign3A_117 : i32
        %rem3A_119 = arith.remsi %min3A_101, %jit3A_102 : i32
        %ne3A_120 = arith.constant 0 : i32
        %ne3A_121 = arith.cmpi ne, %rem3A_119, %ne3A_120 : i32
        %and3A_122 = arith.andi %ne3A_118, %ne3A_121 : i1
        %sub3A_123 = arith.constant 1 : i32
        %sub3A_124 = arith.subi %div3A_103, %sub3A_123 : i32
        %select_n3A_125 = arith.select %and3A_122, %sub3A_124, %div3A_103 : i32
        %jit3A_126 = arith.constant 16 : i32
        %eq3A_127 = arith.constant 0 : i32
        %eq3A_128 = arith.cmpi eq, %jit3A_126, %eq3A_127 : i32
        %jit3A_129 = arith.constant 1 : i32
        %select_n3A_130 = arith.select %eq3A_128, %jit3A_129, %jit3A_126 : i32
        %rem3A_131 = arith.remsi %min3A_101, %select_n3A_130 : i32
        %ne3A_132 = arith.constant 0 : i32
        %ne3A_133 = arith.cmpi ne, %rem3A_131, %ne3A_132 : i32
        %lt3A_134 = arith.constant 0 : i32
        %lt3A_135 = arith.cmpi slt, %rem3A_131, %lt3A_134 : i32
        %lt3A_136 = arith.constant 0 : i32
        %lt3A_137 = arith.cmpi slt, %select_n3A_130, %lt3A_136 : i32
        %ne3A_138 = arith.xori %lt3A_135, %lt3A_137 : i1
        %and3A_139 = arith.andi %ne3A_138, %ne3A_133 : i1
        %add3A_140 = arith.addi %rem3A_131, %select_n3A_130 : i32
        %select_n3A_141 = arith.select %and3A_139, %add3A_140, %rem3A_131 : i32
        %mul3A_142 = arith.constant 1024 : i32
        %mul3A_143 = arith.muli %select_n3A_141, %mul3A_142 : i32
        %dma_start3A_144 = tpu.memref_slice %arg3[%select_n3A_125, %mul3A_143] : memref<200x16384xi32, #tpu.memory_space<hbm>> -> memref<1x1024xi32, #tpu.memory_space<hbm>>
        %dma_start3A_145 = tpu.memref_squeeze %dma_start3A_144 : memref<1x1024xi32, #tpu.memory_space<hbm>> -> memref<1024xi32, #tpu.memory_space<hbm>>
        %dma_start3A_146 = tpu.memref_slice %arg3[%select_n3A_125, %mul3A_143] : memref<200x16384xi32, #tpu.memory_space<hbm>> -> memref<1x1024xi32, #tpu.memory_space<hbm>>
        %dma_start3A_147 = tpu.memref_squeeze %dma_start3A_146 : memref<1x1024xi32, #tpu.memory_space<hbm>> -> memref<1024xi32, #tpu.memory_space<hbm>>
        tpu.enqueue_dma source(%dma_start3A_147 : memref<1024xi32, #tpu.memory_space<hbm>>) target(%arg7 : memref<1024xi32, #tpu.memory_space<vmem>>) target_semaphore(%arg11 : memref<!tpu.dma_semaphore, #tpu.memory_space<semaphore_mem>>)
        %scan3A_148 = arith.constant 0 : i32
        %scan3A_149 = arith.constant 0 : i32
        %scan3A_150 = arith.constant 4 : i32
        %scan3A_151 = arith.addi %scan3A_149, %scan3A_150 : i32
        %scan3A_152 = arith.constant 1 : i32
        scf.for %scan3A_154 = %scan3A_149 to %scan3A_151 step %scan3A_152  : i32 {
          %mul3A_155 = arith.constant 2 : i32
          %mul3A_156 = arith.muli %scan3A_154, %mul3A_155 : i32
          %add3A_157 = arith.constant 0 : i32
          %add3A_158 = arith.addi %mul3A_156, %add3A_157 : i32
          %add3A_159 = arith.addi %mul3A_2, %scan3A_77 : i32
          %jit3A_160 = arith.constant 16 : i32
          %div3A_161 = arith.divsi %add3A_159, %jit3A_160 : i32
          %sign3A_162 = arith.constant 0 : i32
          %sign3A_163 = arith.cmpi sgt, %add3A_159, %sign3A_162 : i32
          %sign3A_164 = arith.extui %sign3A_163 : i1 to i32
          %sign3A_165 = arith.constant 0 : i32
          %sign3A_166 = arith.cmpi slt, %add3A_159, %sign3A_165 : i32
          %sign3A_167 = arith.extui %sign3A_166 : i1 to i32
          %sign3A_168 = arith.subi %sign3A_164, %sign3A_167 : i32
          %sign3A_169 = arith.constant 0 : i32
          %sign3A_170 = arith.cmpi sgt, %jit3A_160, %sign3A_169 : i32
          %sign3A_171 = arith.extui %sign3A_170 : i1 to i32
          %sign3A_172 = arith.constant 0 : i32
          %sign3A_173 = arith.cmpi slt, %jit3A_160, %sign3A_172 : i32
          %sign3A_174 = arith.extui %sign3A_173 : i1 to i32
          %sign3A_175 = arith.subi %sign3A_171, %sign3A_174 : i32
          %ne3A_176 = arith.cmpi ne, %sign3A_168, %sign3A_175 : i32
          %rem3A_177 = arith.remsi %add3A_159, %jit3A_160 : i32
          %ne3A_178 = arith.constant 0 : i32
          %ne3A_179 = arith.cmpi ne, %rem3A_177, %ne3A_178 : i32
          %and3A_180 = arith.andi %ne3A_176, %ne3A_179 : i1
          %sub3A_181 = arith.constant 1 : i32
          %sub3A_182 = arith.subi %div3A_161, %sub3A_181 : i32
          %select_n3A_183 = arith.select %and3A_180, %sub3A_182, %div3A_161 : i32
          %jit3A_184 = arith.constant 16 : i32
          %eq3A_185 = arith.constant 0 : i32
          %eq3A_186 = arith.cmpi eq, %jit3A_184, %eq3A_185 : i32
          %jit3A_187 = arith.constant 1 : i32
          %select_n3A_188 = arith.select %eq3A_186, %jit3A_187, %jit3A_184 : i32
          %rem3A_189 = arith.remsi %add3A_159, %select_n3A_188 : i32
          %ne3A_190 = arith.constant 0 : i32
          %ne3A_191 = arith.cmpi ne, %rem3A_189, %ne3A_190 : i32
          %lt3A_192 = arith.constant 0 : i32
          %lt3A_193 = arith.cmpi slt, %rem3A_189, %lt3A_192 : i32
          %lt3A_194 = arith.constant 0 : i32
          %lt3A_195 = arith.cmpi slt, %select_n3A_188, %lt3A_194 : i32
          %ne3A_196 = arith.xori %lt3A_193, %lt3A_195 : i1
          %and3A_197 = arith.andi %ne3A_196, %ne3A_191 : i1
          %add3A_198 = arith.addi %rem3A_189, %select_n3A_188 : i32
          %select_n3A_199 = arith.select %and3A_197, %add3A_198, %rem3A_189 : i32
          %mul3A_200 = arith.constant 8 : i32
          %mul3A_201 = arith.muli %select_n3A_199, %mul3A_200 : i32
          %gt3A = arith.constant 0 : i32
          %gt3A_202 = arith.cmpi sgt, %scan3A_77, %gt3A : i32
          %gt3A_203 = arith.constant 0 : i32
          %gt3A_204 = arith.cmpi sgt, %scan3A_154, %gt3A_203 : i32
          %or3A = arith.ori %gt3A_202, %gt3A_204 : i1
          %convert_element_type3A_205 = arith.extui %or3A : i1 to i32
          %cond3A_206 = arith.constant 0 : i32
          %cond3A_207 = arith.cmpi ne, %convert_element_type3A_205, %cond3A_206 : i32
          scf.if %cond3A_207 {
            %dma_wait3A_290 = arith.constant 0 : i32
            %dma_wait3A_291 = arith.constant 0 : i32
            %dma_wait3A_292 = arith.constant 0 : i32
            %dma_wait3A_293 = arith.constant 0 : i32
            %dma_wait3A_294 = arith.constant 0 : i32
            %dma_wait3A_295 = tpu.memref_slice %arg4[%dma_wait3A_290, %dma_wait3A_291, %dma_wait3A_292, %dma_wait3A_293, %dma_wait3A_294] : memref<200x8x128x8x128xf32, #tpu.memory_space<hbm>> -> memref<1x1x8x8x128xf32, #tpu.memory_space<hbm>>
            %dma_wait3A_296 = tpu.memref_squeeze %dma_wait3A_295 : memref<1x1x8x8x128xf32, #tpu.memory_space<hbm>> -> memref<8x8x128xf32, #tpu.memory_space<hbm>>
            %dma_wait3A_297 = arith.constant 0 : i32
            %dma_wait3A_298 = arith.constant 0 : i32
            %dma_wait3A_299 = arith.constant 0 : i32
            %dma_wait3A_300 = tpu.memref_slice %arg4[%dma_wait3A_290, %dma_wait3A_291, %dma_wait3A_297, %dma_wait3A_298, %dma_wait3A_299] : memref<200x8x128x8x128xf32, #tpu.memory_space<hbm>> -> memref<1x1x8x8x128xf32, #tpu.memory_space<hbm>>
            %dma_wait3A_301 = tpu.memref_squeeze %dma_wait3A_300 : memref<1x1x8x8x128xf32, #tpu.memory_space<hbm>> -> memref<8x8x128xf32, #tpu.memory_space<hbm>>
            tpu.wait_dma2 semaphore(%arg12 : memref<!tpu.dma_semaphore, #tpu.memory_space<semaphore_mem>>) src(%arg8 : memref<8x8x128xf32, #tpu.memory_space<vmem>>) dst(%dma_wait3A_301 : memref<8x8x128xf32, #tpu.memory_space<hbm>>)
          } else {
          }
          %mul3A_208 = arith.constant 1024 : i32
          %mul3A_209 = arith.muli %add3A_158, %mul3A_208 : i32
          %broadcast_in_dim3A_210 = vector.broadcast %mul3A_209 : i32 to vector<16xi32>
          %parallel_loop3A = arith.constant 0 : i32
          %parallel_loop3A_211 = arith.constant 64 : i32
          %parallel_loop3A_212 = arith.constant 1 : i32
          scf.for %parallel_loop3A_290 = %parallel_loop3A to %parallel_loop3A_211 step %parallel_loop3A_212  : i32 {
            %parallel_loop3A_291 = arith.constant 8 : i32
            %parallel_loop3A_292 = arith.divsi %parallel_loop3A_290, %parallel_loop3A_291 : i32
            %parallel_loop3A_293 = arith.constant 0 : i32
            %parallel_loop3A_294 = arith.cmpi sgt, %parallel_loop3A_290, %parallel_loop3A_293 : i32
            %parallel_loop3A_295 = arith.extui %parallel_loop3A_294 : i1 to i32
            %parallel_loop3A_296 = arith.constant 0 : i32
            %parallel_loop3A_297 = arith.cmpi slt, %parallel_loop3A_290, %parallel_loop3A_296 : i32
            %parallel_loop3A_298 = arith.extui %parallel_loop3A_297 : i1 to i32
            %parallel_loop3A_299 = arith.subi %parallel_loop3A_295, %parallel_loop3A_298 : i32
            %parallel_loop3A_300 = arith.constant 0 : i32
            %parallel_loop3A_301 = arith.cmpi sgt, %parallel_loop3A_291, %parallel_loop3A_300 : i32
            %parallel_loop3A_302 = arith.extui %parallel_loop3A_301 : i1 to i32
            %parallel_loop3A_303 = arith.constant 0 : i32
            %parallel_loop3A_304 = arith.cmpi slt, %parallel_loop3A_291, %parallel_loop3A_303 : i32
            %parallel_loop3A_305 = arith.extui %parallel_loop3A_304 : i1 to i32
            %parallel_loop3A_306 = arith.subi %parallel_loop3A_302, %parallel_loop3A_305 : i32
            %parallel_loop3A_307 = arith.cmpi ne, %parallel_loop3A_299, %parallel_loop3A_306 : i32
            %parallel_loop3A_308 = arith.remsi %parallel_loop3A_290, %parallel_loop3A_291 : i32
            %parallel_loop3A_309 = arith.constant 0 : i32
            %parallel_loop3A_310 = arith.cmpi ne, %parallel_loop3A_308, %parallel_loop3A_309 : i32
            %parallel_loop3A_311 = arith.andi %parallel_loop3A_307, %parallel_loop3A_310 : i1
            %parallel_loop3A_312 = arith.constant 1 : i32
            %parallel_loop3A_313 = arith.subi %parallel_loop3A_292, %parallel_loop3A_312 : i32
            %parallel_loop3A_314 = arith.select %parallel_loop3A_311, %parallel_loop3A_313, %parallel_loop3A_292 : i32
            %parallel_loop3A_315 = arith.constant 8 : i32
            %parallel_loop3A_316 = arith.constant 0 : i32
            %parallel_loop3A_317 = arith.cmpi eq, %parallel_loop3A_315, %parallel_loop3A_316 : i32
            %parallel_loop3A_318 = arith.constant 1 : i32
            %parallel_loop3A_319 = arith.select %parallel_loop3A_317, %parallel_loop3A_318, %parallel_loop3A_315 : i32
            %parallel_loop3A_320 = arith.remsi %parallel_loop3A_290, %parallel_loop3A_319 : i32
            %parallel_loop3A_321 = arith.constant 0 : i32
            %parallel_loop3A_322 = arith.cmpi ne, %parallel_loop3A_320, %parallel_loop3A_321 : i32
            %parallel_loop3A_323 = arith.constant 0 : i32
            %parallel_loop3A_324 = arith.cmpi slt, %parallel_loop3A_320, %parallel_loop3A_323 : i32
            %parallel_loop3A_325 = arith.constant 0 : i32
            %parallel_loop3A_326 = arith.cmpi slt, %parallel_loop3A_319, %parallel_loop3A_325 : i32
            %parallel_loop3A_327 = arith.xori %parallel_loop3A_324, %parallel_loop3A_326 : i1
            %parallel_loop3A_328 = arith.andi %parallel_loop3A_327, %parallel_loop3A_322 : i1
            %parallel_loop3A_329 = arith.addi %parallel_loop3A_320, %parallel_loop3A_319 : i32
            %parallel_loop3A_330 = arith.select %parallel_loop3A_328, %parallel_loop3A_329, %parallel_loop3A_320 : i32
            %parallel_loop3A_331 = arith.constant 16 : i32
            %parallel_loop3A_332 = arith.muli %parallel_loop3A_330, %parallel_loop3A_331 : i32
            %parallel_loop3A_333 = arith.constant 16 : i32
            %parallel_loop3A_334 = arith.muli %parallel_loop3A_290, %parallel_loop3A_333 : i32
            %parallel_loop3A_335 = arith.index_cast %parallel_loop3A_334 : i32 to index
            %parallel_loop3A_336 = tpu.vector_load %arg6[%parallel_loop3A_335] {strides = array<i32>} : memref<1024xi32, #tpu.memory_space<vmem>>, vector<16xi32>,
            %parallel_loop3A_337 = arith.addi %parallel_loop3A_336, %broadcast_in_dim3A_210 : vector<16xi32>
            %parallel_loop3A_338 = tpu.vector_load_idx %arg5[%parallel_loop3A_337] : memref<8192xf32, #tpu.memory_space<vmem>>[vector<16xi32>], vector<16xf32>,
            %parallel_loop3A_339 = arith.constant 0 : i32
            %parallel_loop3A_340 = arith.index_cast %parallel_loop3A_314 : i32 to index
            %parallel_loop3A_341 = arith.index_cast %parallel_loop3A_339 : i32 to index
            %parallel_loop3A_342 = arith.index_cast %parallel_loop3A_332 : i32 to index
            %parallel_loop3A_343 = tpu.vector_load %arg8[%parallel_loop3A_340, %parallel_loop3A_341, %parallel_loop3A_342] {strides = array<i32>} : memref<8x8x128xf32, #tpu.memory_space<vmem>>, vector<16xf32>,
            tpu.vector_store %arg8[%parallel_loop3A_340, %parallel_loop3A_341, %parallel_loop3A_342], %parallel_loop3A_338 {strides = array<i32>} : memref<8x8x128xf32, #tpu.memory_space<vmem>>, vector<16xf32>,
            %parallel_loop3A_344 = arith.addi %parallel_loop3A_337, %broadcast_in_dim3A_3 : vector<16xi32>
            %parallel_loop3A_345 = tpu.vector_load_idx %arg5[%parallel_loop3A_344] : memref<8192xf32, #tpu.memory_space<vmem>>[vector<16xi32>], vector<16xf32>,
            %parallel_loop3A_346 = arith.constant 1 : i32
            %parallel_loop3A_347 = arith.index_cast %parallel_loop3A_314 : i32 to index
            %parallel_loop3A_348 = arith.index_cast %parallel_loop3A_346 : i32 to index
            %parallel_loop3A_349 = arith.index_cast %parallel_loop3A_332 : i32 to index
            %parallel_loop3A_350 = tpu.vector_load %arg8[%parallel_loop3A_347, %parallel_loop3A_348, %parallel_loop3A_349] {strides = array<i32>} : memref<8x8x128xf32, #tpu.memory_space<vmem>>, vector<16xf32>,
            tpu.vector_store %arg8[%parallel_loop3A_347, %parallel_loop3A_348, %parallel_loop3A_349], %parallel_loop3A_345 {strides = array<i32>} : memref<8x8x128xf32, #tpu.memory_space<vmem>>, vector<16xf32>,
            %parallel_loop3A_351 = arith.addi %parallel_loop3A_344, %broadcast_in_dim3A_3 : vector<16xi32>
            %parallel_loop3A_352 = tpu.vector_load_idx %arg5[%parallel_loop3A_351] : memref<8192xf32, #tpu.memory_space<vmem>>[vector<16xi32>], vector<16xf32>,
            %parallel_loop3A_353 = arith.constant 2 : i32
            %parallel_loop3A_354 = arith.index_cast %parallel_loop3A_314 : i32 to index
            %parallel_loop3A_355 = arith.index_cast %parallel_loop3A_353 : i32 to index
            %parallel_loop3A_356 = arith.index_cast %parallel_loop3A_332 : i32 to index
            %parallel_loop3A_357 = tpu.vector_load %arg8[%parallel_loop3A_354, %parallel_loop3A_355, %parallel_loop3A_356] {strides = array<i32>} : memref<8x8x128xf32, #tpu.memory_space<vmem>>, vector<16xf32>,
            tpu.vector_store %arg8[%parallel_loop3A_354, %parallel_loop3A_355, %parallel_loop3A_356], %parallel_loop3A_352 {strides = array<i32>} : memref<8x8x128xf32, #tpu.memory_space<vmem>>, vector<16xf32>,
            %parallel_loop3A_358 = arith.addi %parallel_loop3A_351, %broadcast_in_dim3A_3 : vector<16xi32>
            %parallel_loop3A_359 = tpu.vector_load_idx %arg5[%parallel_loop3A_358] : memref<8192xf32, #tpu.memory_space<vmem>>[vector<16xi32>], vector<16xf32>,
            %parallel_loop3A_360 = arith.constant 3 : i32
            %parallel_loop3A_361 = arith.index_cast %parallel_loop3A_314 : i32 to index
            %parallel_loop3A_362 = arith.index_cast %parallel_loop3A_360 : i32 to index
            %parallel_loop3A_363 = arith.index_cast %parallel_loop3A_332 : i32 to index
            %parallel_loop3A_364 = tpu.vector_load %arg8[%parallel_loop3A_361, %parallel_loop3A_362, %parallel_loop3A_363] {strides = array<i32>} : memref<8x8x128xf32, #tpu.memory_space<vmem>>, vector<16xf32>,
            tpu.vector_store %arg8[%parallel_loop3A_361, %parallel_loop3A_362, %parallel_loop3A_363], %parallel_loop3A_359 {strides = array<i32>} : memref<8x8x128xf32, #tpu.memory_space<vmem>>, vector<16xf32>,
            %parallel_loop3A_365 = arith.addi %parallel_loop3A_358, %broadcast_in_dim3A_3 : vector<16xi32>
            %parallel_loop3A_366 = tpu.vector_load_idx %arg5[%parallel_loop3A_365] : memref<8192xf32, #tpu.memory_space<vmem>>[vector<16xi32>], vector<16xf32>,
            %parallel_loop3A_367 = arith.constant 4 : i32
            %parallel_loop3A_368 = arith.index_cast %parallel_loop3A_314 : i32 to index
            %parallel_loop3A_369 = arith.index_cast %parallel_loop3A_367 : i32 to index
            %parallel_loop3A_370 = arith.index_cast %parallel_loop3A_332 : i32 to index
            %parallel_loop3A_371 = tpu.vector_load %arg8[%parallel_loop3A_368, %parallel_loop3A_369, %parallel_loop3A_370] {strides = array<i32>} : memref<8x8x128xf32, #tpu.memory_space<vmem>>, vector<16xf32>,
            tpu.vector_store %arg8[%parallel_loop3A_368, %parallel_loop3A_369, %parallel_loop3A_370], %parallel_loop3A_366 {strides = array<i32>} : memref<8x8x128xf32, #tpu.memory_space<vmem>>, vector<16xf32>,
            %parallel_loop3A_372 = arith.addi %parallel_loop3A_365, %broadcast_in_dim3A_3 : vector<16xi32>
            %parallel_loop3A_373 = tpu.vector_load_idx %arg5[%parallel_loop3A_372] : memref<8192xf32, #tpu.memory_space<vmem>>[vector<16xi32>], vector<16xf32>,
            %parallel_loop3A_374 = arith.constant 5 : i32
            %parallel_loop3A_375 = arith.index_cast %parallel_loop3A_314 : i32 to index
            %parallel_loop3A_376 = arith.index_cast %parallel_loop3A_374 : i32 to index
            %parallel_loop3A_377 = arith.index_cast %parallel_loop3A_332 : i32 to index
            %parallel_loop3A_378 = tpu.vector_load %arg8[%parallel_loop3A_375, %parallel_loop3A_376, %parallel_loop3A_377] {strides = array<i32>} : memref<8x8x128xf32, #tpu.memory_space<vmem>>, vector<16xf32>,
            tpu.vector_store %arg8[%parallel_loop3A_375, %parallel_loop3A_376, %parallel_loop3A_377], %parallel_loop3A_373 {strides = array<i32>} : memref<8x8x128xf32, #tpu.memory_space<vmem>>, vector<16xf32>,
            %parallel_loop3A_379 = arith.addi %parallel_loop3A_372, %broadcast_in_dim3A_3 : vector<16xi32>
            %parallel_loop3A_380 = tpu.vector_load_idx %arg5[%parallel_loop3A_379] : memref<8192xf32, #tpu.memory_space<vmem>>[vector<16xi32>], vector<16xf32>,
            %parallel_loop3A_381 = arith.constant 6 : i32
            %parallel_loop3A_382 = arith.index_cast %parallel_loop3A_314 : i32 to index
            %parallel_loop3A_383 = arith.index_cast %parallel_loop3A_381 : i32 to index
            %parallel_loop3A_384 = arith.index_cast %parallel_loop3A_332 : i32 to index
            %parallel_loop3A_385 = tpu.vector_load %arg8[%parallel_loop3A_382, %parallel_loop3A_383, %parallel_loop3A_384] {strides = array<i32>} : memref<8x8x128xf32, #tpu.memory_space<vmem>>, vector<16xf32>,
            tpu.vector_store %arg8[%parallel_loop3A_382, %parallel_loop3A_383, %parallel_loop3A_384], %parallel_loop3A_380 {strides = array<i32>} : memref<8x8x128xf32, #tpu.memory_space<vmem>>, vector<16xf32>,
            %parallel_loop3A_386 = arith.addi %parallel_loop3A_379, %broadcast_in_dim3A_3 : vector<16xi32>
            %parallel_loop3A_387 = tpu.vector_load_idx %arg5[%parallel_loop3A_386] : memref<8192xf32, #tpu.memory_space<vmem>>[vector<16xi32>], vector<16xf32>,
            %parallel_loop3A_388 = arith.constant 7 : i32
            %parallel_loop3A_389 = arith.index_cast %parallel_loop3A_314 : i32 to index
            %parallel_loop3A_390 = arith.index_cast %parallel_loop3A_388 : i32 to index
            %parallel_loop3A_391 = arith.index_cast %parallel_loop3A_332 : i32 to index
            %parallel_loop3A_392 = tpu.vector_load %arg8[%parallel_loop3A_389, %parallel_loop3A_390, %parallel_loop3A_391] {strides = array<i32>} : memref<8x8x128xf32, #tpu.memory_space<vmem>>, vector<16xf32>,
            tpu.vector_store %arg8[%parallel_loop3A_389, %parallel_loop3A_390, %parallel_loop3A_391], %parallel_loop3A_387 {strides = array<i32>} : memref<8x8x128xf32, #tpu.memory_space<vmem>>, vector<16xf32>,
          } {sc.loop_unroll_factor = 8 : i64, sc.parallel_access}
          %dma_start3A_213 = arith.constant 0 : i32
          %dma_start3A_214 = arith.constant 0 : i32
          %dma_start3A_215 = tpu.memref_slice %arg4[%select_n3A_183, %add3A_158, %mul3A_201, %dma_start3A_213, %dma_start3A_214] : memref<200x8x128x8x128xf32, #tpu.memory_space<hbm>> -> memref<1x1x8x8x128xf32, #tpu.memory_space<hbm>>
          %dma_start3A_216 = tpu.memref_squeeze %dma_start3A_215 : memref<1x1x8x8x128xf32, #tpu.memory_space<hbm>> -> memref<8x8x128xf32, #tpu.memory_space<hbm>>
          %dma_start3A_217 = arith.constant 0 : i32
          %dma_start3A_218 = arith.constant 0 : i32
          %dma_start3A_219 = tpu.memref_slice %arg4[%select_n3A_183, %add3A_158, %mul3A_201, %dma_start3A_217, %dma_start3A_218] : memref<200x8x128x8x128xf32, #tpu.memory_space<hbm>> -> memref<1x1x8x8x128xf32, #tpu.memory_space<hbm>>
          %dma_start3A_220 = tpu.memref_squeeze %dma_start3A_219 : memref<1x1x8x8x128xf32, #tpu.memory_space<hbm>> -> memref<8x8x128xf32, #tpu.memory_space<hbm>>
          tpu.enqueue_dma source(%arg8 : memref<8x8x128xf32, #tpu.memory_space<vmem>>) target(%dma_start3A_220 : memref<8x8x128xf32, #tpu.memory_space<hbm>>) target_semaphore(%arg12 : memref<!tpu.dma_semaphore, #tpu.memory_space<semaphore_mem>>)
          %mul3A_221 = arith.constant 2 : i32
          %mul3A_222 = arith.muli %scan3A_154, %mul3A_221 : i32
          %add3A_223 = arith.constant 1 : i32
          %add3A_224 = arith.addi %mul3A_222, %add3A_223 : i32
          %add3A_225 = arith.addi %mul3A_2, %scan3A_77 : i32
          %jit3A_226 = arith.constant 16 : i32
          %div3A_227 = arith.divsi %add3A_225, %jit3A_226 : i32
          %sign3A_228 = arith.constant 0 : i32
          %sign3A_229 = arith.cmpi sgt, %add3A_225, %sign3A_228 : i32
          %sign3A_230 = arith.extui %sign3A_229 : i1 to i32
          %sign3A_231 = arith.constant 0 : i32
          %sign3A_232 = arith.cmpi slt, %add3A_225, %sign3A_231 : i32
          %sign3A_233 = arith.extui %sign3A_232 : i1 to i32
          %sign3A_234 = arith.subi %sign3A_230, %sign3A_233 : i32
          %sign3A_235 = arith.constant 0 : i32
          %sign3A_236 = arith.cmpi sgt, %jit3A_226, %sign3A_235 : i32
          %sign3A_237 = arith.extui %sign3A_236 : i1 to i32
          %sign3A_238 = arith.constant 0 : i32
          %sign3A_239 = arith.cmpi slt, %jit3A_226, %sign3A_238 : i32
          %sign3A_240 = arith.extui %sign3A_239 : i1 to i32
          %sign3A_241 = arith.subi %sign3A_237, %sign3A_240 : i32
          %ne3A_242 = arith.cmpi ne, %sign3A_234, %sign3A_241 : i32
          %rem3A_243 = arith.remsi %add3A_225, %jit3A_226 : i32
          %ne3A_244 = arith.constant 0 : i32
          %ne3A_245 = arith.cmpi ne, %rem3A_243, %ne3A_244 : i32
          %and3A_246 = arith.andi %ne3A_242, %ne3A_245 : i1
          %sub3A_247 = arith.constant 1 : i32
          %sub3A_248 = arith.subi %div3A_227, %sub3A_247 : i32
          %select_n3A_249 = arith.select %and3A_246, %sub3A_248, %div3A_227 : i32
          %jit3A_250 = arith.constant 16 : i32
          %eq3A_251 = arith.constant 0 : i32
          %eq3A_252 = arith.cmpi eq, %jit3A_250, %eq3A_251 : i32
          %jit3A_253 = arith.constant 1 : i32
          %select_n3A_254 = arith.select %eq3A_252, %jit3A_253, %jit3A_250 : i32
          %rem3A_255 = arith.remsi %add3A_225, %select_n3A_254 : i32
          %ne3A_256 = arith.constant 0 : i32
          %ne3A_257 = arith.cmpi ne, %rem3A_255, %ne3A_256 : i32
          %lt3A_258 = arith.constant 0 : i32
          %lt3A_259 = arith.cmpi slt, %rem3A_255, %lt3A_258 : i32
          %lt3A_260 = arith.constant 0 : i32
          %lt3A_261 = arith.cmpi slt, %select_n3A_254, %lt3A_260 : i32
          %ne3A_262 = arith.xori %lt3A_259, %lt3A_261 : i1
          %and3A_263 = arith.andi %ne3A_262, %ne3A_257 : i1
          %add3A_264 = arith.addi %rem3A_255, %select_n3A_254 : i32
          %select_n3A_265 = arith.select %and3A_263, %add3A_264, %rem3A_255 : i32
          %mul3A_266 = arith.constant 8 : i32
          %mul3A_267 = arith.muli %select_n3A_265, %mul3A_266 : i32
          %gt3A_268 = arith.constant 0 : i32
          %gt3A_269 = arith.cmpi sgt, %scan3A_77, %gt3A_268 : i32
          %gt3A_270 = arith.constant 0 : i32
          %gt3A_271 = arith.cmpi sgt, %scan3A_154, %gt3A_270 : i32
          %or3A_272 = arith.ori %gt3A_269, %gt3A_271 : i1
          %convert_element_type3A_273 = arith.extui %or3A_272 : i1 to i32
          %cond3A_274 = arith.constant 0 : i32
          %cond3A_275 = arith.cmpi ne, %convert_element_type3A_273, %cond3A_274 : i32
          scf.if %cond3A_275 {
            %dma_wait3A_290 = arith.constant 0 : i32
            %dma_wait3A_291 = arith.constant 0 : i32
            %dma_wait3A_292 = arith.constant 0 : i32
            %dma_wait3A_293 = arith.constant 0 : i32
            %dma_wait3A_294 = arith.constant 0 : i32
            %dma_wait3A_295 = tpu.memref_slice %arg4[%dma_wait3A_290, %dma_wait3A_291, %dma_wait3A_292, %dma_wait3A_293, %dma_wait3A_294] : memref<200x8x128x8x128xf32, #tpu.memory_space<hbm>> -> memref<1x1x8x8x128xf32, #tpu.memory_space<hbm>>
            %dma_wait3A_296 = tpu.memref_squeeze %dma_wait3A_295 : memref<1x1x8x8x128xf32, #tpu.memory_space<hbm>> -> memref<8x8x128xf32, #tpu.memory_space<hbm>>
            %dma_wait3A_297 = arith.constant 0 : i32
            %dma_wait3A_298 = arith.constant 0 : i32
            %dma_wait3A_299 = arith.constant 0 : i32
            %dma_wait3A_300 = tpu.memref_slice %arg4[%dma_wait3A_290, %dma_wait3A_291, %dma_wait3A_297, %dma_wait3A_298, %dma_wait3A_299] : memref<200x8x128x8x128xf32, #tpu.memory_space<hbm>> -> memref<1x1x8x8x128xf32, #tpu.memory_space<hbm>>
            %dma_wait3A_301 = tpu.memref_squeeze %dma_wait3A_300 : memref<1x1x8x8x128xf32, #tpu.memory_space<hbm>> -> memref<8x8x128xf32, #tpu.memory_space<hbm>>
            tpu.wait_dma2 semaphore(%arg13 : memref<!tpu.dma_semaphore, #tpu.memory_space<semaphore_mem>>) src(%arg9 : memref<8x8x128xf32, #tpu.memory_space<vmem>>) dst(%dma_wait3A_301 : memref<8x8x128xf32, #tpu.memory_space<hbm>>)
          } else {
          }
          %mul3A_276 = arith.constant 1024 : i32
          %mul3A_277 = arith.muli %add3A_224, %mul3A_276 : i32
          %broadcast_in_dim3A_278 = vector.broadcast %mul3A_277 : i32 to vector<16xi32>
          %parallel_loop3A_279 = arith.constant 0 : i32
          %parallel_loop3A_280 = arith.constant 64 : i32
          %parallel_loop3A_281 = arith.constant 1 : i32
          scf.for %parallel_loop3A_290 = %parallel_loop3A_279 to %parallel_loop3A_280 step %parallel_loop3A_281  : i32 {
            %parallel_loop3A_291 = arith.constant 8 : i32
            %parallel_loop3A_292 = arith.divsi %parallel_loop3A_290, %parallel_loop3A_291 : i32
            %parallel_loop3A_293 = arith.constant 0 : i32
            %parallel_loop3A_294 = arith.cmpi sgt, %parallel_loop3A_290, %parallel_loop3A_293 : i32
            %parallel_loop3A_295 = arith.extui %parallel_loop3A_294 : i1 to i32
            %parallel_loop3A_296 = arith.constant 0 : i32
            %parallel_loop3A_297 = arith.cmpi slt, %parallel_loop3A_290, %parallel_loop3A_296 : i32
            %parallel_loop3A_298 = arith.extui %parallel_loop3A_297 : i1 to i32
            %parallel_loop3A_299 = arith.subi %parallel_loop3A_295, %parallel_loop3A_298 : i32
            %parallel_loop3A_300 = arith.constant 0 : i32
            %parallel_loop3A_301 = arith.cmpi sgt, %parallel_loop3A_291, %parallel_loop3A_300 : i32
            %parallel_loop3A_302 = arith.extui %parallel_loop3A_301 : i1 to i32
            %parallel_loop3A_303 = arith.constant 0 : i32
            %parallel_loop3A_304 = arith.cmpi slt, %parallel_loop3A_291, %parallel_loop3A_303 : i32
            %parallel_loop3A_305 = arith.extui %parallel_loop3A_304 : i1 to i32
            %parallel_loop3A_306 = arith.subi %parallel_loop3A_302, %parallel_loop3A_305 : i32
            %parallel_loop3A_307 = arith.cmpi ne, %parallel_loop3A_299, %parallel_loop3A_306 : i32
            %parallel_loop3A_308 = arith.remsi %parallel_loop3A_290, %parallel_loop3A_291 : i32
            %parallel_loop3A_309 = arith.constant 0 : i32
            %parallel_loop3A_310 = arith.cmpi ne, %parallel_loop3A_308, %parallel_loop3A_309 : i32
            %parallel_loop3A_311 = arith.andi %parallel_loop3A_307, %parallel_loop3A_310 : i1
            %parallel_loop3A_312 = arith.constant 1 : i32
            %parallel_loop3A_313 = arith.subi %parallel_loop3A_292, %parallel_loop3A_312 : i32
            %parallel_loop3A_314 = arith.select %parallel_loop3A_311, %parallel_loop3A_313, %parallel_loop3A_292 : i32
            %parallel_loop3A_315 = arith.constant 8 : i32
            %parallel_loop3A_316 = arith.constant 0 : i32
            %parallel_loop3A_317 = arith.cmpi eq, %parallel_loop3A_315, %parallel_loop3A_316 : i32
            %parallel_loop3A_318 = arith.constant 1 : i32
            %parallel_loop3A_319 = arith.select %parallel_loop3A_317, %parallel_loop3A_318, %parallel_loop3A_315 : i32
            %parallel_loop3A_320 = arith.remsi %parallel_loop3A_290, %parallel_loop3A_319 : i32
            %parallel_loop3A_321 = arith.constant 0 : i32
            %parallel_loop3A_322 = arith.cmpi ne, %parallel_loop3A_320, %parallel_loop3A_321 : i32
            %parallel_loop3A_323 = arith.constant 0 : i32
            %parallel_loop3A_324 = arith.cmpi slt, %parallel_loop3A_320, %parallel_loop3A_323 : i32
            %parallel_loop3A_325 = arith.constant 0 : i32
            %parallel_loop3A_326 = arith.cmpi slt, %parallel_loop3A_319, %parallel_loop3A_325 : i32
            %parallel_loop3A_327 = arith.xori %parallel_loop3A_324, %parallel_loop3A_326 : i1
            %parallel_loop3A_328 = arith.andi %parallel_loop3A_327, %parallel_loop3A_322 : i1
            %parallel_loop3A_329 = arith.addi %parallel_loop3A_320, %parallel_loop3A_319 : i32
            %parallel_loop3A_330 = arith.select %parallel_loop3A_328, %parallel_loop3A_329, %parallel_loop3A_320 : i32
            %parallel_loop3A_331 = arith.constant 16 : i32
            %parallel_loop3A_332 = arith.muli %parallel_loop3A_330, %parallel_loop3A_331 : i32
            %parallel_loop3A_333 = arith.constant 16 : i32
            %parallel_loop3A_334 = arith.muli %parallel_loop3A_290, %parallel_loop3A_333 : i32
            %parallel_loop3A_335 = arith.index_cast %parallel_loop3A_334 : i32 to index
            %parallel_loop3A_336 = tpu.vector_load %arg6[%parallel_loop3A_335] {strides = array<i32>} : memref<1024xi32, #tpu.memory_space<vmem>>, vector<16xi32>,
            %parallel_loop3A_337 = arith.addi %parallel_loop3A_336, %broadcast_in_dim3A_278 : vector<16xi32>
            %parallel_loop3A_338 = tpu.vector_load_idx %arg5[%parallel_loop3A_337] : memref<8192xf32, #tpu.memory_space<vmem>>[vector<16xi32>], vector<16xf32>,
            %parallel_loop3A_339 = arith.constant 0 : i32
            %parallel_loop3A_340 = arith.index_cast %parallel_loop3A_314 : i32 to index
            %parallel_loop3A_341 = arith.index_cast %parallel_loop3A_339 : i32 to index
            %parallel_loop3A_342 = arith.index_cast %parallel_loop3A_332 : i32 to index
            %parallel_loop3A_343 = tpu.vector_load %arg9[%parallel_loop3A_340, %parallel_loop3A_341, %parallel_loop3A_342] {strides = array<i32>} : memref<8x8x128xf32, #tpu.memory_space<vmem>>, vector<16xf32>,
            tpu.vector_store %arg9[%parallel_loop3A_340, %parallel_loop3A_341, %parallel_loop3A_342], %parallel_loop3A_338 {strides = array<i32>} : memref<8x8x128xf32, #tpu.memory_space<vmem>>, vector<16xf32>,
            %parallel_loop3A_344 = arith.addi %parallel_loop3A_337, %broadcast_in_dim3A_3 : vector<16xi32>
            %parallel_loop3A_345 = tpu.vector_load_idx %arg5[%parallel_loop3A_344] : memref<8192xf32, #tpu.memory_space<vmem>>[vector<16xi32>], vector<16xf32>,
            %parallel_loop3A_346 = arith.constant 1 : i32
            %parallel_loop3A_347 = arith.index_cast %parallel_loop3A_314 : i32 to index
            %parallel_loop3A_348 = arith.index_cast %parallel_loop3A_346 : i32 to index
            %parallel_loop3A_349 = arith.index_cast %parallel_loop3A_332 : i32 to index
            %parallel_loop3A_350 = tpu.vector_load %arg9[%parallel_loop3A_347, %parallel_loop3A_348, %parallel_loop3A_349] {strides = array<i32>} : memref<8x8x128xf32, #tpu.memory_space<vmem>>, vector<16xf32>,
            tpu.vector_store %arg9[%parallel_loop3A_347, %parallel_loop3A_348, %parallel_loop3A_349], %parallel_loop3A_345 {strides = array<i32>} : memref<8x8x128xf32, #tpu.memory_space<vmem>>, vector<16xf32>,
            %parallel_loop3A_351 = arith.addi %parallel_loop3A_344, %broadcast_in_dim3A_3 : vector<16xi32>
            %parallel_loop3A_352 = tpu.vector_load_idx %arg5[%parallel_loop3A_351] : memref<8192xf32, #tpu.memory_space<vmem>>[vector<16xi32>], vector<16xf32>,
            %parallel_loop3A_353 = arith.constant 2 : i32
            %parallel_loop3A_354 = arith.index_cast %parallel_loop3A_314 : i32 to index
            %parallel_loop3A_355 = arith.index_cast %parallel_loop3A_353 : i32 to index
            %parallel_loop3A_356 = arith.index_cast %parallel_loop3A_332 : i32 to index
            %parallel_loop3A_357 = tpu.vector_load %arg9[%parallel_loop3A_354, %parallel_loop3A_355, %parallel_loop3A_356] {strides = array<i32>} : memref<8x8x128xf32, #tpu.memory_space<vmem>>, vector<16xf32>,
            tpu.vector_store %arg9[%parallel_loop3A_354, %parallel_loop3A_355, %parallel_loop3A_356], %parallel_loop3A_352 {strides = array<i32>} : memref<8x8x128xf32, #tpu.memory_space<vmem>>, vector<16xf32>,
            %parallel_loop3A_358 = arith.addi %parallel_loop3A_351, %broadcast_in_dim3A_3 : vector<16xi32>
            %parallel_loop3A_359 = tpu.vector_load_idx %arg5[%parallel_loop3A_358] : memref<8192xf32, #tpu.memory_space<vmem>>[vector<16xi32>], vector<16xf32>,
            %parallel_loop3A_360 = arith.constant 3 : i32
            %parallel_loop3A_361 = arith.index_cast %parallel_loop3A_314 : i32 to index
            %parallel_loop3A_362 = arith.index_cast %parallel_loop3A_360 : i32 to index
            %parallel_loop3A_363 = arith.index_cast %parallel_loop3A_332 : i32 to index
            %parallel_loop3A_364 = tpu.vector_load %arg9[%parallel_loop3A_361, %parallel_loop3A_362, %parallel_loop3A_363] {strides = array<i32>} : memref<8x8x128xf32, #tpu.memory_space<vmem>>, vector<16xf32>,
            tpu.vector_store %arg9[%parallel_loop3A_361, %parallel_loop3A_362, %parallel_loop3A_363], %parallel_loop3A_359 {strides = array<i32>} : memref<8x8x128xf32, #tpu.memory_space<vmem>>, vector<16xf32>,
            %parallel_loop3A_365 = arith.addi %parallel_loop3A_358, %broadcast_in_dim3A_3 : vector<16xi32>
            %parallel_loop3A_366 = tpu.vector_load_idx %arg5[%parallel_loop3A_365] : memref<8192xf32, #tpu.memory_space<vmem>>[vector<16xi32>], vector<16xf32>,
            %parallel_loop3A_367 = arith.constant 4 : i32
            %parallel_loop3A_368 = arith.index_cast %parallel_loop3A_314 : i32 to index
            %parallel_loop3A_369 = arith.index_cast %parallel_loop3A_367 : i32 to index
            %parallel_loop3A_370 = arith.index_cast %parallel_loop3A_332 : i32 to index
            %parallel_loop3A_371 = tpu.vector_load %arg9[%parallel_loop3A_368, %parallel_loop3A_369, %parallel_loop3A_370] {strides = array<i32>} : memref<8x8x128xf32, #tpu.memory_space<vmem>>, vector<16xf32>,
            tpu.vector_store %arg9[%parallel_loop3A_368, %parallel_loop3A_369, %parallel_loop3A_370], %parallel_loop3A_366 {strides = array<i32>} : memref<8x8x128xf32, #tpu.memory_space<vmem>>, vector<16xf32>,
            %parallel_loop3A_372 = arith.addi %parallel_loop3A_365, %broadcast_in_dim3A_3 : vector<16xi32>
            %parallel_loop3A_373 = tpu.vector_load_idx %arg5[%parallel_loop3A_372] : memref<8192xf32, #tpu.memory_space<vmem>>[vector<16xi32>], vector<16xf32>,
            %parallel_loop3A_374 = arith.constant 5 : i32
            %parallel_loop3A_375 = arith.index_cast %parallel_loop3A_314 : i32 to index
            %parallel_loop3A_376 = arith.index_cast %parallel_loop3A_374 : i32 to index
            %parallel_loop3A_377 = arith.index_cast %parallel_loop3A_332 : i32 to index
            %parallel_loop3A_378 = tpu.vector_load %arg9[%parallel_loop3A_375, %parallel_loop3A_376, %parallel_loop3A_377] {strides = array<i32>} : memref<8x8x128xf32, #tpu.memory_space<vmem>>, vector<16xf32>,
            tpu.vector_store %arg9[%parallel_loop3A_375, %parallel_loop3A_376, %parallel_loop3A_377], %parallel_loop3A_373 {strides = array<i32>} : memref<8x8x128xf32, #tpu.memory_space<vmem>>, vector<16xf32>,
            %parallel_loop3A_379 = arith.addi %parallel_loop3A_372, %broadcast_in_dim3A_3 : vector<16xi32>
            %parallel_loop3A_380 = tpu.vector_load_idx %arg5[%parallel_loop3A_379] : memref<8192xf32, #tpu.memory_space<vmem>>[vector<16xi32>], vector<16xf32>,
            %parallel_loop3A_381 = arith.constant 6 : i32
            %parallel_loop3A_382 = arith.index_cast %parallel_loop3A_314 : i32 to index
            %parallel_loop3A_383 = arith.index_cast %parallel_loop3A_381 : i32 to index
            %parallel_loop3A_384 = arith.index_cast %parallel_loop3A_332 : i32 to index
            %parallel_loop3A_385 = tpu.vector_load %arg9[%parallel_loop3A_382, %parallel_loop3A_383, %parallel_loop3A_384] {strides = array<i32>} : memref<8x8x128xf32, #tpu.memory_space<vmem>>, vector<16xf32>,
            tpu.vector_store %arg9[%parallel_loop3A_382, %parallel_loop3A_383, %parallel_loop3A_384], %parallel_loop3A_380 {strides = array<i32>} : memref<8x8x128xf32, #tpu.memory_space<vmem>>, vector<16xf32>,
            %parallel_loop3A_386 = arith.addi %parallel_loop3A_379, %broadcast_in_dim3A_3 : vector<16xi32>
            %parallel_loop3A_387 = tpu.vector_load_idx %arg5[%parallel_loop3A_386] : memref<8192xf32, #tpu.memory_space<vmem>>[vector<16xi32>], vector<16xf32>,
            %parallel_loop3A_388 = arith.constant 7 : i32
            %parallel_loop3A_389 = arith.index_cast %parallel_loop3A_314 : i32 to index
            %parallel_loop3A_390 = arith.index_cast %parallel_loop3A_388 : i32 to index
            %parallel_loop3A_391 = arith.index_cast %parallel_loop3A_332 : i32 to index
            %parallel_loop3A_392 = tpu.vector_load %arg9[%parallel_loop3A_389, %parallel_loop3A_390, %parallel_loop3A_391] {strides = array<i32>} : memref<8x8x128xf32, #tpu.memory_space<vmem>>, vector<16xf32>,
            tpu.vector_store %arg9[%parallel_loop3A_389, %parallel_loop3A_390, %parallel_loop3A_391], %parallel_loop3A_387 {strides = array<i32>} : memref<8x8x128xf32, #tpu.memory_space<vmem>>, vector<16xf32>,
          } {sc.loop_unroll_factor = 8 : i64, sc.parallel_access}
          %dma_start3A_282 = arith.constant 0 : i32
          %dma_start3A_283 = arith.constant 0 : i32
          %dma_start3A_284 = tpu.memref_slice %arg4[%select_n3A_249, %add3A_224, %mul3A_267, %dma_start3A_282, %dma_start3A_283] : memref<200x8x128x8x128xf32, #tpu.memory_space<hbm>> -> memref<1x1x8x8x128xf32, #tpu.memory_space<hbm>>
          %dma_start3A_285 = tpu.memref_squeeze %dma_start3A_284 : memref<1x1x8x8x128xf32, #tpu.memory_space<hbm>> -> memref<8x8x128xf32, #tpu.memory_space<hbm>>
          %dma_start3A_286 = arith.constant 0 : i32
          %dma_start3A_287 = arith.constant 0 : i32
          %dma_start3A_288 = tpu.memref_slice %arg4[%select_n3A_249, %add3A_224, %mul3A_267, %dma_start3A_286, %dma_start3A_287] : memref<200x8x128x8x128xf32, #tpu.memory_space<hbm>> -> memref<1x1x8x8x128xf32, #tpu.memory_space<hbm>>
          %dma_start3A_289 = tpu.memref_squeeze %dma_start3A_288 : memref<1x1x8x8x128xf32, #tpu.memory_space<hbm>> -> memref<8x8x128xf32, #tpu.memory_space<hbm>>
          tpu.enqueue_dma source(%arg9 : memref<8x8x128xf32, #tpu.memory_space<vmem>>) target(%dma_start3A_289 : memref<8x8x128xf32, #tpu.memory_space<hbm>>) target_semaphore(%arg13 : memref<!tpu.dma_semaphore, #tpu.memory_space<semaphore_mem>>)
        }
        %scan3A_153 = arith.constant 4 : i32
      } else {
      }
      %rem3A_83 = arith.constant 2 : i32
      %rem3A_84 = arith.remsi %scan3A_77, %rem3A_83 : i32
      %eq3A_85 = arith.constant 1 : i32
      %eq3A_86 = arith.cmpi eq, %rem3A_84, %eq3A_85 : i32
      %convert_element_type3A_87 = arith.extui %eq3A_86 : i1 to i32
      %cond3A_88 = arith.constant 0 : i32
      %cond3A_89 = arith.cmpi ne, %convert_element_type3A_87, %cond3A_88 : i32
      scf.if %cond3A_89 {
        %dma_wait3A_90 = arith.constant 0 : i32
        %dma_wait3A_91 = arith.constant 0 : i32
        %dma_wait3A_92 = tpu.memref_slice %arg3[%dma_wait3A_90, %dma_wait3A_91] : memref<200x16384xi32, #tpu.memory_space<hbm>> -> memref<1x1024xi32, #tpu.memory_space<hbm>>
        %dma_wait3A_93 = tpu.memref_squeeze %dma_wait3A_92 : memref<1x1024xi32, #tpu.memory_space<hbm>> -> memref<1024xi32, #tpu.memory_space<hbm>>
        %dma_wait3A_94 = arith.constant 0 : i32
        %dma_wait3A_95 = tpu.memref_slice %arg3[%dma_wait3A_90, %dma_wait3A_94] : memref<200x16384xi32, #tpu.memory_space<hbm>> -> memref<1x1024xi32, #tpu.memory_space<hbm>>
        %dma_wait3A_96 = tpu.memref_squeeze %dma_wait3A_95 : memref<1x1024xi32, #tpu.memory_space<hbm>> -> memref<1024xi32, #tpu.memory_space<hbm>>
        tpu.wait_dma2 semaphore(%arg11 : memref<!tpu.dma_semaphore, #tpu.memory_space<semaphore_mem>>) src(%dma_wait3A_96 : memref<1024xi32, #tpu.memory_space<hbm>>) dst(%arg7 : memref<1024xi32, #tpu.memory_space<vmem>>)
        %add3A_97 = arith.constant 1 : i32
        %add3A_98 = arith.addi %scan3A_77, %add3A_97 : i32
        %add3A_99 = arith.addi %mul3A_2, %add3A_98 : i32
        %min3A_100 = arith.constant 3199 : i32
        %min3A_101 = arith.minsi %add3A_99, %min3A_100 : i32
        %jit3A_102 = arith.constant 16 : i32
        %div3A_103 = arith.divsi %min3A_101, %jit3A_102 : i32
        %sign3A_104 = arith.constant 0 : i32
        %sign3A_105 = arith.cmpi sgt, %min3A_101, %sign3A_104 : i32
        %sign3A_106 = arith.extui %sign3A_105 : i1 to i32
        %sign3A_107 = arith.constant 0 : i32
        %sign3A_108 = arith.cmpi slt, %min3A_101, %sign3A_107 : i32
        %sign3A_109 = arith.extui %sign3A_108 : i1 to i32
        %sign3A_110 = arith.subi %sign3A_106, %sign3A_109 : i32
        %sign3A_111 = arith.constant 0 : i32
        %sign3A_112 = arith.cmpi sgt, %jit3A_102, %sign3A_111 : i32
        %sign3A_113 = arith.extui %sign3A_112 : i1 to i32
        %sign3A_114 = arith.constant 0 : i32
        %sign3A_115 = arith.cmpi slt, %jit3A_102, %sign3A_114 : i32
        %sign3A_116 = arith.extui %sign3A_115 : i1 to i32
        %sign3A_117 = arith.subi %sign3A_113, %sign3A_116 : i32
        %ne3A_118 = arith.cmpi ne, %sign3A_110, %sign3A_117 : i32
        %rem3A_119 = arith.remsi %min3A_101, %jit3A_102 : i32
        %ne3A_120 = arith.constant 0 : i32
        %ne3A_121 = arith.cmpi ne, %rem3A_119, %ne3A_120 : i32
        %and3A_122 = arith.andi %ne3A_118, %ne3A_121 : i1
        %sub3A_123 = arith.constant 1 : i32
        %sub3A_124 = arith.subi %div3A_103, %sub3A_123 : i32
        %select_n3A_125 = arith.select %and3A_122, %sub3A_124, %div3A_103 : i32
        %jit3A_126 = arith.constant 16 : i32
        %eq3A_127 = arith.constant 0 : i32
        %eq3A_128 = arith.cmpi eq, %jit3A_126, %eq3A_127 : i32
        %jit3A_129 = arith.constant 1 : i32
        %select_n3A_130 = arith.select %eq3A_128, %jit3A_129, %jit3A_126 : i32
        %rem3A_131 = arith.remsi %min3A_101, %select_n3A_130 : i32
        %ne3A_132 = arith.constant 0 : i32
        %ne3A_133 = arith.cmpi ne, %rem3A_131, %ne3A_132 : i32
        %lt3A_134 = arith.constant 0 : i32
        %lt3A_135 = arith.cmpi slt, %rem3A_131, %lt3A_134 : i32
        %lt3A_136 = arith.constant 0 : i32
        %lt3A_137 = arith.cmpi slt, %select_n3A_130, %lt3A_136 : i32
        %ne3A_138 = arith.xori %lt3A_135, %lt3A_137 : i1
        %and3A_139 = arith.andi %ne3A_138, %ne3A_133 : i1
        %add3A_140 = arith.addi %rem3A_131, %select_n3A_130 : i32
        %select_n3A_141 = arith.select %and3A_139, %add3A_140, %rem3A_131 : i32
        %mul3A_142 = arith.constant 1024 : i32
        %mul3A_143 = arith.muli %select_n3A_141, %mul3A_142 : i32
        %dma_start3A_144 = tpu.memref_slice %arg3[%select_n3A_125, %mul3A_143] : memref<200x16384xi32, #tpu.memory_space<hbm>> -> memref<1x1024xi32, #tpu.memory_space<hbm>>
        %dma_start3A_145 = tpu.memref_squeeze %dma_start3A_144 : memref<1x1024xi32, #tpu.memory_space<hbm>> -> memref<1024xi32, #tpu.memory_space<hbm>>
        %dma_start3A_146 = tpu.memref_slice %arg3[%select_n3A_125, %mul3A_143] : memref<200x16384xi32, #tpu.memory_space<hbm>> -> memref<1x1024xi32, #tpu.memory_space<hbm>>
        %dma_start3A_147 = tpu.memref_squeeze %dma_start3A_146 : memref<1x1024xi32, #tpu.memory_space<hbm>> -> memref<1024xi32, #tpu.memory_space<hbm>>
        tpu.enqueue_dma source(%dma_start3A_147 : memref<1024xi32, #tpu.memory_space<hbm>>) target(%arg6 : memref<1024xi32, #tpu.memory_space<vmem>>) target_semaphore(%arg10 : memref<!tpu.dma_semaphore, #tpu.memory_space<semaphore_mem>>)
        %scan3A_148 = arith.constant 0 : i32
        %scan3A_149 = arith.constant 0 : i32
        %scan3A_150 = arith.constant 4 : i32
        %scan3A_151 = arith.addi %scan3A_149, %scan3A_150 : i32
        %scan3A_152 = arith.constant 1 : i32
        scf.for %scan3A_154 = %scan3A_149 to %scan3A_151 step %scan3A_152  : i32 {
          %mul3A_155 = arith.constant 2 : i32
          %mul3A_156 = arith.muli %scan3A_154, %mul3A_155 : i32
          %add3A_157 = arith.constant 0 : i32
          %add3A_158 = arith.addi %mul3A_156, %add3A_157 : i32
          %add3A_159 = arith.addi %mul3A_2, %scan3A_77 : i32
          %jit3A_160 = arith.constant 16 : i32
          %div3A_161 = arith.divsi %add3A_159, %jit3A_160 : i32
          %sign3A_162 = arith.constant 0 : i32
          %sign3A_163 = arith.cmpi sgt, %add3A_159, %sign3A_162 : i32
          %sign3A_164 = arith.extui %sign3A_163 : i1 to i32
          %sign3A_165 = arith.constant 0 : i32
          %sign3A_166 = arith.cmpi slt, %add3A_159, %sign3A_165 : i32
          %sign3A_167 = arith.extui %sign3A_166 : i1 to i32
          %sign3A_168 = arith.subi %sign3A_164, %sign3A_167 : i32
          %sign3A_169 = arith.constant 0 : i32
          %sign3A_170 = arith.cmpi sgt, %jit3A_160, %sign3A_169 : i32
          %sign3A_171 = arith.extui %sign3A_170 : i1 to i32
          %sign3A_172 = arith.constant 0 : i32
          %sign3A_173 = arith.cmpi slt, %jit3A_160, %sign3A_172 : i32
          %sign3A_174 = arith.extui %sign3A_173 : i1 to i32
          %sign3A_175 = arith.subi %sign3A_171, %sign3A_174 : i32
          %ne3A_176 = arith.cmpi ne, %sign3A_168, %sign3A_175 : i32
          %rem3A_177 = arith.remsi %add3A_159, %jit3A_160 : i32
          %ne3A_178 = arith.constant 0 : i32
          %ne3A_179 = arith.cmpi ne, %rem3A_177, %ne3A_178 : i32
          %and3A_180 = arith.andi %ne3A_176, %ne3A_179 : i1
          %sub3A_181 = arith.constant 1 : i32
          %sub3A_182 = arith.subi %div3A_161, %sub3A_181 : i32
          %select_n3A_183 = arith.select %and3A_180, %sub3A_182, %div3A_161 : i32
          %jit3A_184 = arith.constant 16 : i32
          %eq3A_185 = arith.constant 0 : i32
          %eq3A_186 = arith.cmpi eq, %jit3A_184, %eq3A_185 : i32
          %jit3A_187 = arith.constant 1 : i32
          %select_n3A_188 = arith.select %eq3A_186, %jit3A_187, %jit3A_184 : i32
          %rem3A_189 = arith.remsi %add3A_159, %select_n3A_188 : i32
          %ne3A_190 = arith.constant 0 : i32
          %ne3A_191 = arith.cmpi ne, %rem3A_189, %ne3A_190 : i32
          %lt3A_192 = arith.constant 0 : i32
          %lt3A_193 = arith.cmpi slt, %rem3A_189, %lt3A_192 : i32
          %lt3A_194 = arith.constant 0 : i32
          %lt3A_195 = arith.cmpi slt, %select_n3A_188, %lt3A_194 : i32
          %ne3A_196 = arith.xori %lt3A_193, %lt3A_195 : i1
          %and3A_197 = arith.andi %ne3A_196, %ne3A_191 : i1
          %add3A_198 = arith.addi %rem3A_189, %select_n3A_188 : i32
          %select_n3A_199 = arith.select %and3A_197, %add3A_198, %rem3A_189 : i32
          %mul3A_200 = arith.constant 8 : i32
          %mul3A_201 = arith.muli %select_n3A_199, %mul3A_200 : i32
          %gt3A = arith.constant 0 : i32
          %gt3A_202 = arith.cmpi sgt, %scan3A_77, %gt3A : i32
          %gt3A_203 = arith.constant 0 : i32
          %gt3A_204 = arith.cmpi sgt, %scan3A_154, %gt3A_203 : i32
          %or3A = arith.ori %gt3A_202, %gt3A_204 : i1
          %convert_element_type3A_205 = arith.extui %or3A : i1 to i32
          %cond3A_206 = arith.constant 0 : i32
          %cond3A_207 = arith.cmpi ne, %convert_element_type3A_205, %cond3A_206 : i32
          scf.if %cond3A_207 {
            %dma_wait3A_290 = arith.constant 0 : i32
            %dma_wait3A_291 = arith.constant 0 : i32
            %dma_wait3A_292 = arith.constant 0 : i32
            %dma_wait3A_293 = arith.constant 0 : i32
            %dma_wait3A_294 = arith.constant 0 : i32
            %dma_wait3A_295 = tpu.memref_slice %arg4[%dma_wait3A_290, %dma_wait3A_291, %dma_wait3A_292, %dma_wait3A_293, %dma_wait3A_294] : memref<200x8x128x8x128xf32, #tpu.memory_space<hbm>> -> memref<1x1x8x8x128xf32, #tpu.memory_space<hbm>>
            %dma_wait3A_296 = tpu.memref_squeeze %dma_wait3A_295 : memref<1x1x8x8x128xf32, #tpu.memory_space<hbm>> -> memref<8x8x128xf32, #tpu.memory_space<hbm>>
            %dma_wait3A_297 = arith.constant 0 : i32
            %dma_wait3A_298 = arith.constant 0 : i32
            %dma_wait3A_299 = arith.constant 0 : i32
            %dma_wait3A_300 = tpu.memref_slice %arg4[%dma_wait3A_290, %dma_wait3A_291, %dma_wait3A_297, %dma_wait3A_298, %dma_wait3A_299] : memref<200x8x128x8x128xf32, #tpu.memory_space<hbm>> -> memref<1x1x8x8x128xf32, #tpu.memory_space<hbm>>
            %dma_wait3A_301 = tpu.memref_squeeze %dma_wait3A_300 : memref<1x1x8x8x128xf32, #tpu.memory_space<hbm>> -> memref<8x8x128xf32, #tpu.memory_space<hbm>>
            tpu.wait_dma2 semaphore(%arg12 : memref<!tpu.dma_semaphore, #tpu.memory_space<semaphore_mem>>) src(%arg8 : memref<8x8x128xf32, #tpu.memory_space<vmem>>) dst(%dma_wait3A_301 : memref<8x8x128xf32, #tpu.memory_space<hbm>>)
          } else {
          }
          %mul3A_208 = arith.constant 1024 : i32
          %mul3A_209 = arith.muli %add3A_158, %mul3A_208 : i32
          %broadcast_in_dim3A_210 = vector.broadcast %mul3A_209 : i32 to vector<16xi32>
          %parallel_loop3A = arith.constant 0 : i32
          %parallel_loop3A_211 = arith.constant 64 : i32
          %parallel_loop3A_212 = arith.constant 1 : i32
          scf.for %parallel_loop3A_290 = %parallel_loop3A to %parallel_loop3A_211 step %parallel_loop3A_212  : i32 {
            %parallel_loop3A_291 = arith.constant 8 : i32
            %parallel_loop3A_292 = arith.divsi %parallel_loop3A_290, %parallel_loop3A_291 : i32
            %parallel_loop3A_293 = arith.constant 0 : i32
            %parallel_loop3A_294 = arith.cmpi sgt, %parallel_loop3A_290, %parallel_loop3A_293 : i32
            %parallel_loop3A_295 = arith.extui %parallel_loop3A_294 : i1 to i32
            %parallel_loop3A_296 = arith.constant 0 : i32
            %parallel_loop3A_297 = arith.cmpi slt, %parallel_loop3A_290, %parallel_loop3A_296 : i32
            %parallel_loop3A_298 = arith.extui %parallel_loop3A_297 : i1 to i32
            %parallel_loop3A_299 = arith.subi %parallel_loop3A_295, %parallel_loop3A_298 : i32
            %parallel_loop3A_300 = arith.constant 0 : i32
            %parallel_loop3A_301 = arith.cmpi sgt, %parallel_loop3A_291, %parallel_loop3A_300 : i32
            %parallel_loop3A_302 = arith.extui %parallel_loop3A_301 : i1 to i32
            %parallel_loop3A_303 = arith.constant 0 : i32
            %parallel_loop3A_304 = arith.cmpi slt, %parallel_loop3A_291, %parallel_loop3A_303 : i32
            %parallel_loop3A_305 = arith.extui %parallel_loop3A_304 : i1 to i32
            %parallel_loop3A_306 = arith.subi %parallel_loop3A_302, %parallel_loop3A_305 : i32
            %parallel_loop3A_307 = arith.cmpi ne, %parallel_loop3A_299, %parallel_loop3A_306 : i32
            %parallel_loop3A_308 = arith.remsi %parallel_loop3A_290, %parallel_loop3A_291 : i32
            %parallel_loop3A_309 = arith.constant 0 : i32
            %parallel_loop3A_310 = arith.cmpi ne, %parallel_loop3A_308, %parallel_loop3A_309 : i32
            %parallel_loop3A_311 = arith.andi %parallel_loop3A_307, %parallel_loop3A_310 : i1
            %parallel_loop3A_312 = arith.constant 1 : i32
            %parallel_loop3A_313 = arith.subi %parallel_loop3A_292, %parallel_loop3A_312 : i32
            %parallel_loop3A_314 = arith.select %parallel_loop3A_311, %parallel_loop3A_313, %parallel_loop3A_292 : i32
            %parallel_loop3A_315 = arith.constant 8 : i32
            %parallel_loop3A_316 = arith.constant 0 : i32
            %parallel_loop3A_317 = arith.cmpi eq, %parallel_loop3A_315, %parallel_loop3A_316 : i32
            %parallel_loop3A_318 = arith.constant 1 : i32
            %parallel_loop3A_319 = arith.select %parallel_loop3A_317, %parallel_loop3A_318, %parallel_loop3A_315 : i32
            %parallel_loop3A_320 = arith.remsi %parallel_loop3A_290, %parallel_loop3A_319 : i32
            %parallel_loop3A_321 = arith.constant 0 : i32
            %parallel_loop3A_322 = arith.cmpi ne, %parallel_loop3A_320, %parallel_loop3A_321 : i32
            %parallel_loop3A_323 = arith.constant 0 : i32
            %parallel_loop3A_324 = arith.cmpi slt, %parallel_loop3A_320, %parallel_loop3A_323 : i32
            %parallel_loop3A_325 = arith.constant 0 : i32
            %parallel_loop3A_326 = arith.cmpi slt, %parallel_loop3A_319, %parallel_loop3A_325 : i32
            %parallel_loop3A_327 = arith.xori %parallel_loop3A_324, %parallel_loop3A_326 : i1
            %parallel_loop3A_328 = arith.andi %parallel_loop3A_327, %parallel_loop3A_322 : i1
            %parallel_loop3A_329 = arith.addi %parallel_loop3A_320, %parallel_loop3A_319 : i32
            %parallel_loop3A_330 = arith.select %parallel_loop3A_328, %parallel_loop3A_329, %parallel_loop3A_320 : i32
            %parallel_loop3A_331 = arith.constant 16 : i32
            %parallel_loop3A_332 = arith.muli %parallel_loop3A_330, %parallel_loop3A_331 : i32
            %parallel_loop3A_333 = arith.constant 16 : i32
            %parallel_loop3A_334 = arith.muli %parallel_loop3A_290, %parallel_loop3A_333 : i32
            %parallel_loop3A_335 = arith.index_cast %parallel_loop3A_334 : i32 to index
            %parallel_loop3A_336 = tpu.vector_load %arg7[%parallel_loop3A_335] {strides = array<i32>} : memref<1024xi32, #tpu.memory_space<vmem>>, vector<16xi32>,
            %parallel_loop3A_337 = arith.addi %parallel_loop3A_336, %broadcast_in_dim3A_210 : vector<16xi32>
            %parallel_loop3A_338 = tpu.vector_load_idx %arg5[%parallel_loop3A_337] : memref<8192xf32, #tpu.memory_space<vmem>>[vector<16xi32>], vector<16xf32>,
            %parallel_loop3A_339 = arith.constant 0 : i32
            %parallel_loop3A_340 = arith.index_cast %parallel_loop3A_314 : i32 to index
            %parallel_loop3A_341 = arith.index_cast %parallel_loop3A_339 : i32 to index
            %parallel_loop3A_342 = arith.index_cast %parallel_loop3A_332 : i32 to index
            %parallel_loop3A_343 = tpu.vector_load %arg8[%parallel_loop3A_340, %parallel_loop3A_341, %parallel_loop3A_342] {strides = array<i32>} : memref<8x8x128xf32, #tpu.memory_space<vmem>>, vector<16xf32>,
            tpu.vector_store %arg8[%parallel_loop3A_340, %parallel_loop3A_341, %parallel_loop3A_342], %parallel_loop3A_338 {strides = array<i32>} : memref<8x8x128xf32, #tpu.memory_space<vmem>>, vector<16xf32>,
            %parallel_loop3A_344 = arith.addi %parallel_loop3A_337, %broadcast_in_dim3A_3 : vector<16xi32>
            %parallel_loop3A_345 = tpu.vector_load_idx %arg5[%parallel_loop3A_344] : memref<8192xf32, #tpu.memory_space<vmem>>[vector<16xi32>], vector<16xf32>,
            %parallel_loop3A_346 = arith.constant 1 : i32
            %parallel_loop3A_347 = arith.index_cast %parallel_loop3A_314 : i32 to index
            %parallel_loop3A_348 = arith.index_cast %parallel_loop3A_346 : i32 to index
            %parallel_loop3A_349 = arith.index_cast %parallel_loop3A_332 : i32 to index
            %parallel_loop3A_350 = tpu.vector_load %arg8[%parallel_loop3A_347, %parallel_loop3A_348, %parallel_loop3A_349] {strides = array<i32>} : memref<8x8x128xf32, #tpu.memory_space<vmem>>, vector<16xf32>,
            tpu.vector_store %arg8[%parallel_loop3A_347, %parallel_loop3A_348, %parallel_loop3A_349], %parallel_loop3A_345 {strides = array<i32>} : memref<8x8x128xf32, #tpu.memory_space<vmem>>, vector<16xf32>,
            %parallel_loop3A_351 = arith.addi %parallel_loop3A_344, %broadcast_in_dim3A_3 : vector<16xi32>
            %parallel_loop3A_352 = tpu.vector_load_idx %arg5[%parallel_loop3A_351] : memref<8192xf32, #tpu.memory_space<vmem>>[vector<16xi32>], vector<16xf32>,
            %parallel_loop3A_353 = arith.constant 2 : i32
            %parallel_loop3A_354 = arith.index_cast %parallel_loop3A_314 : i32 to index
            %parallel_loop3A_355 = arith.index_cast %parallel_loop3A_353 : i32 to index
            %parallel_loop3A_356 = arith.index_cast %parallel_loop3A_332 : i32 to index
            %parallel_loop3A_357 = tpu.vector_load %arg8[%parallel_loop3A_354, %parallel_loop3A_355, %parallel_loop3A_356] {strides = array<i32>} : memref<8x8x128xf32, #tpu.memory_space<vmem>>, vector<16xf32>,
            tpu.vector_store %arg8[%parallel_loop3A_354, %parallel_loop3A_355, %parallel_loop3A_356], %parallel_loop3A_352 {strides = array<i32>} : memref<8x8x128xf32, #tpu.memory_space<vmem>>, vector<16xf32>,
            %parallel_loop3A_358 = arith.addi %parallel_loop3A_351, %broadcast_in_dim3A_3 : vector<16xi32>
            %parallel_loop3A_359 = tpu.vector_load_idx %arg5[%parallel_loop3A_358] : memref<8192xf32, #tpu.memory_space<vmem>>[vector<16xi32>], vector<16xf32>,
            %parallel_loop3A_360 = arith.constant 3 : i32
            %parallel_loop3A_361 = arith.index_cast %parallel_loop3A_314 : i32 to index
            %parallel_loop3A_362 = arith.index_cast %parallel_loop3A_360 : i32 to index
            %parallel_loop3A_363 = arith.index_cast %parallel_loop3A_332 : i32 to index
            %parallel_loop3A_364 = tpu.vector_load %arg8[%parallel_loop3A_361, %parallel_loop3A_362, %parallel_loop3A_363] {strides = array<i32>} : memref<8x8x128xf32, #tpu.memory_space<vmem>>, vector<16xf32>,
            tpu.vector_store %arg8[%parallel_loop3A_361, %parallel_loop3A_362, %parallel_loop3A_363], %parallel_loop3A_359 {strides = array<i32>} : memref<8x8x128xf32, #tpu.memory_space<vmem>>, vector<16xf32>,
            %parallel_loop3A_365 = arith.addi %parallel_loop3A_358, %broadcast_in_dim3A_3 : vector<16xi32>
            %parallel_loop3A_366 = tpu.vector_load_idx %arg5[%parallel_loop3A_365] : memref<8192xf32, #tpu.memory_space<vmem>>[vector<16xi32>], vector<16xf32>,
            %parallel_loop3A_367 = arith.constant 4 : i32
            %parallel_loop3A_368 = arith.index_cast %parallel_loop3A_314 : i32 to index
            %parallel_loop3A_369 = arith.index_cast %parallel_loop3A_367 : i32 to index
            %parallel_loop3A_370 = arith.index_cast %parallel_loop3A_332 : i32 to index
            %parallel_loop3A_371 = tpu.vector_load %arg8[%parallel_loop3A_368, %parallel_loop3A_369, %parallel_loop3A_370] {strides = array<i32>} : memref<8x8x128xf32, #tpu.memory_space<vmem>>, vector<16xf32>,
            tpu.vector_store %arg8[%parallel_loop3A_368, %parallel_loop3A_369, %parallel_loop3A_370], %parallel_loop3A_366 {strides = array<i32>} : memref<8x8x128xf32, #tpu.memory_space<vmem>>, vector<16xf32>,
            %parallel_loop3A_372 = arith.addi %parallel_loop3A_365, %broadcast_in_dim3A_3 : vector<16xi32>
            %parallel_loop3A_373 = tpu.vector_load_idx %arg5[%parallel_loop3A_372] : memref<8192xf32, #tpu.memory_space<vmem>>[vector<16xi32>], vector<16xf32>,
            %parallel_loop3A_374 = arith.constant 5 : i32
            %parallel_loop3A_375 = arith.index_cast %parallel_loop3A_314 : i32 to index
            %parallel_loop3A_376 = arith.index_cast %parallel_loop3A_374 : i32 to index
            %parallel_loop3A_377 = arith.index_cast %parallel_loop3A_332 : i32 to index
            %parallel_loop3A_378 = tpu.vector_load %arg8[%parallel_loop3A_375, %parallel_loop3A_376, %parallel_loop3A_377] {strides = array<i32>} : memref<8x8x128xf32, #tpu.memory_space<vmem>>, vector<16xf32>,
            tpu.vector_store %arg8[%parallel_loop3A_375, %parallel_loop3A_376, %parallel_loop3A_377], %parallel_loop3A_373 {strides = array<i32>} : memref<8x8x128xf32, #tpu.memory_space<vmem>>, vector<16xf32>,
            %parallel_loop3A_379 = arith.addi %parallel_loop3A_372, %broadcast_in_dim3A_3 : vector<16xi32>
            %parallel_loop3A_380 = tpu.vector_load_idx %arg5[%parallel_loop3A_379] : memref<8192xf32, #tpu.memory_space<vmem>>[vector<16xi32>], vector<16xf32>,
            %parallel_loop3A_381 = arith.constant 6 : i32
            %parallel_loop3A_382 = arith.index_cast %parallel_loop3A_314 : i32 to index
            %parallel_loop3A_383 = arith.index_cast %parallel_loop3A_381 : i32 to index
            %parallel_loop3A_384 = arith.index_cast %parallel_loop3A_332 : i32 to index
            %parallel_loop3A_385 = tpu.vector_load %arg8[%parallel_loop3A_382, %parallel_loop3A_383, %parallel_loop3A_384] {strides = array<i32>} : memref<8x8x128xf32, #tpu.memory_space<vmem>>, vector<16xf32>,
            tpu.vector_store %arg8[%parallel_loop3A_382, %parallel_loop3A_383, %parallel_loop3A_384], %parallel_loop3A_380 {strides = array<i32>} : memref<8x8x128xf32, #tpu.memory_space<vmem>>, vector<16xf32>,
            %parallel_loop3A_386 = arith.addi %parallel_loop3A_379, %broadcast_in_dim3A_3 : vector<16xi32>
            %parallel_loop3A_387 = tpu.vector_load_idx %arg5[%parallel_loop3A_386] : memref<8192xf32, #tpu.memory_space<vmem>>[vector<16xi32>], vector<16xf32>,
            %parallel_loop3A_388 = arith.constant 7 : i32
            %parallel_loop3A_389 = arith.index_cast %parallel_loop3A_314 : i32 to index
            %parallel_loop3A_390 = arith.index_cast %parallel_loop3A_388 : i32 to index
            %parallel_loop3A_391 = arith.index_cast %parallel_loop3A_332 : i32 to index
            %parallel_loop3A_392 = tpu.vector_load %arg8[%parallel_loop3A_389, %parallel_loop3A_390, %parallel_loop3A_391] {strides = array<i32>} : memref<8x8x128xf32, #tpu.memory_space<vmem>>, vector<16xf32>,
            tpu.vector_store %arg8[%parallel_loop3A_389, %parallel_loop3A_390, %parallel_loop3A_391], %parallel_loop3A_387 {strides = array<i32>} : memref<8x8x128xf32, #tpu.memory_space<vmem>>, vector<16xf32>,
          } {sc.loop_unroll_factor = 8 : i64, sc.parallel_access}
          %dma_start3A_213 = arith.constant 0 : i32
          %dma_start3A_214 = arith.constant 0 : i32
          %dma_start3A_215 = tpu.memref_slice %arg4[%select_n3A_183, %add3A_158, %mul3A_201, %dma_start3A_213, %dma_start3A_214] : memref<200x8x128x8x128xf32, #tpu.memory_space<hbm>> -> memref<1x1x8x8x128xf32, #tpu.memory_space<hbm>>
          %dma_start3A_216 = tpu.memref_squeeze %dma_start3A_215 : memref<1x1x8x8x128xf32, #tpu.memory_space<hbm>> -> memref<8x8x128xf32, #tpu.memory_space<hbm>>
          %dma_start3A_217 = arith.constant 0 : i32
          %dma_start3A_218 = arith.constant 0 : i32
          %dma_start3A_219 = tpu.memref_slice %arg4[%select_n3A_183, %add3A_158, %mul3A_201, %dma_start3A_217, %dma_start3A_218] : memref<200x8x128x8x128xf32, #tpu.memory_space<hbm>> -> memref<1x1x8x8x128xf32, #tpu.memory_space<hbm>>
          %dma_start3A_220 = tpu.memref_squeeze %dma_start3A_219 : memref<1x1x8x8x128xf32, #tpu.memory_space<hbm>> -> memref<8x8x128xf32, #tpu.memory_space<hbm>>
          tpu.enqueue_dma source(%arg8 : memref<8x8x128xf32, #tpu.memory_space<vmem>>) target(%dma_start3A_220 : memref<8x8x128xf32, #tpu.memory_space<hbm>>) target_semaphore(%arg12 : memref<!tpu.dma_semaphore, #tpu.memory_space<semaphore_mem>>)
          %mul3A_221 = arith.constant 2 : i32
          %mul3A_222 = arith.muli %scan3A_154, %mul3A_221 : i32
          %add3A_223 = arith.constant 1 : i32
          %add3A_224 = arith.addi %mul3A_222, %add3A_223 : i32
          %add3A_225 = arith.addi %mul3A_2, %scan3A_77 : i32
          %jit3A_226 = arith.constant 16 : i32
          %div3A_227 = arith.divsi %add3A_225, %jit3A_226 : i32
          %sign3A_228 = arith.constant 0 : i32
          %sign3A_229 = arith.cmpi sgt, %add3A_225, %sign3A_228 : i32
          %sign3A_230 = arith.extui %sign3A_229 : i1 to i32
          %sign3A_231 = arith.constant 0 : i32
          %sign3A_232 = arith.cmpi slt, %add3A_225, %sign3A_231 : i32
          %sign3A_233 = arith.extui %sign3A_232 : i1 to i32
          %sign3A_234 = arith.subi %sign3A_230, %sign3A_233 : i32
          %sign3A_235 = arith.constant 0 : i32
          %sign3A_236 = arith.cmpi sgt, %jit3A_226, %sign3A_235 : i32
          %sign3A_237 = arith.extui %sign3A_236 : i1 to i32
          %sign3A_238 = arith.constant 0 : i32
          %sign3A_239 = arith.cmpi slt, %jit3A_226, %sign3A_238 : i32
          %sign3A_240 = arith.extui %sign3A_239 : i1 to i32
          %sign3A_241 = arith.subi %sign3A_237, %sign3A_240 : i32
          %ne3A_242 = arith.cmpi ne, %sign3A_234, %sign3A_241 : i32
          %rem3A_243 = arith.remsi %add3A_225, %jit3A_226 : i32
          %ne3A_244 = arith.constant 0 : i32
          %ne3A_245 = arith.cmpi ne, %rem3A_243, %ne3A_244 : i32
          %and3A_246 = arith.andi %ne3A_242, %ne3A_245 : i1
          %sub3A_247 = arith.constant 1 : i32
          %sub3A_248 = arith.subi %div3A_227, %sub3A_247 : i32
          %select_n3A_249 = arith.select %and3A_246, %sub3A_248, %div3A_227 : i32
          %jit3A_250 = arith.constant 16 : i32
          %eq3A_251 = arith.constant 0 : i32
          %eq3A_252 = arith.cmpi eq, %jit3A_250, %eq3A_251 : i32
          %jit3A_253 = arith.constant 1 : i32
          %select_n3A_254 = arith.select %eq3A_252, %jit3A_253, %jit3A_250 : i32
          %rem3A_255 = arith.remsi %add3A_225, %select_n3A_254 : i32
          %ne3A_256 = arith.constant 0 : i32
          %ne3A_257 = arith.cmpi ne, %rem3A_255, %ne3A_256 : i32
          %lt3A_258 = arith.constant 0 : i32
          %lt3A_259 = arith.cmpi slt, %rem3A_255, %lt3A_258 : i32
          %lt3A_260 = arith.constant 0 : i32
          %lt3A_261 = arith.cmpi slt, %select_n3A_254, %lt3A_260 : i32
          %ne3A_262 = arith.xori %lt3A_259, %lt3A_261 : i1
          %and3A_263 = arith.andi %ne3A_262, %ne3A_257 : i1
          %add3A_264 = arith.addi %rem3A_255, %select_n3A_254 : i32
          %select_n3A_265 = arith.select %and3A_263, %add3A_264, %rem3A_255 : i32
          %mul3A_266 = arith.constant 8 : i32
          %mul3A_267 = arith.muli %select_n3A_265, %mul3A_266 : i32
          %gt3A_268 = arith.constant 0 : i32
          %gt3A_269 = arith.cmpi sgt, %scan3A_77, %gt3A_268 : i32
          %gt3A_270 = arith.constant 0 : i32
          %gt3A_271 = arith.cmpi sgt, %scan3A_154, %gt3A_270 : i32
          %or3A_272 = arith.ori %gt3A_269, %gt3A_271 : i1
          %convert_element_type3A_273 = arith.extui %or3A_272 : i1 to i32
          %cond3A_274 = arith.constant 0 : i32
          %cond3A_275 = arith.cmpi ne, %convert_element_type3A_273, %cond3A_274 : i32
          scf.if %cond3A_275 {
            %dma_wait3A_290 = arith.constant 0 : i32
            %dma_wait3A_291 = arith.constant 0 : i32
            %dma_wait3A_292 = arith.constant 0 : i32
            %dma_wait3A_293 = arith.constant 0 : i32
            %dma_wait3A_294 = arith.constant 0 : i32
            %dma_wait3A_295 = tpu.memref_slice %arg4[%dma_wait3A_290, %dma_wait3A_291, %dma_wait3A_292, %dma_wait3A_293, %dma_wait3A_294] : memref<200x8x128x8x128xf32, #tpu.memory_space<hbm>> -> memref<1x1x8x8x128xf32, #tpu.memory_space<hbm>>
            %dma_wait3A_296 = tpu.memref_squeeze %dma_wait3A_295 : memref<1x1x8x8x128xf32, #tpu.memory_space<hbm>> -> memref<8x8x128xf32, #tpu.memory_space<hbm>>
            %dma_wait3A_297 = arith.constant 0 : i32
            %dma_wait3A_298 = arith.constant 0 : i32
            %dma_wait3A_299 = arith.constant 0 : i32
            %dma_wait3A_300 = tpu.memref_slice %arg4[%dma_wait3A_290, %dma_wait3A_291, %dma_wait3A_297, %dma_wait3A_298, %dma_wait3A_299] : memref<200x8x128x8x128xf32, #tpu.memory_space<hbm>> -> memref<1x1x8x8x128xf32, #tpu.memory_space<hbm>>
            %dma_wait3A_301 = tpu.memref_squeeze %dma_wait3A_300 : memref<1x1x8x8x128xf32, #tpu.memory_space<hbm>> -> memref<8x8x128xf32, #tpu.memory_space<hbm>>
            tpu.wait_dma2 semaphore(%arg13 : memref<!tpu.dma_semaphore, #tpu.memory_space<semaphore_mem>>) src(%arg9 : memref<8x8x128xf32, #tpu.memory_space<vmem>>) dst(%dma_wait3A_301 : memref<8x8x128xf32, #tpu.memory_space<hbm>>)
          } else {
          }
          %mul3A_276 = arith.constant 1024 : i32
          %mul3A_277 = arith.muli %add3A_224, %mul3A_276 : i32
          %broadcast_in_dim3A_278 = vector.broadcast %mul3A_277 : i32 to vector<16xi32>
          %parallel_loop3A_279 = arith.constant 0 : i32
          %parallel_loop3A_280 = arith.constant 64 : i32
          %parallel_loop3A_281 = arith.constant 1 : i32
          scf.for %parallel_loop3A_290 = %parallel_loop3A_279 to %parallel_loop3A_280 step %parallel_loop3A_281  : i32 {
            %parallel_loop3A_291 = arith.constant 8 : i32
            %parallel_loop3A_292 = arith.divsi %parallel_loop3A_290, %parallel_loop3A_291 : i32
            %parallel_loop3A_293 = arith.constant 0 : i32
            %parallel_loop3A_294 = arith.cmpi sgt, %parallel_loop3A_290, %parallel_loop3A_293 : i32
            %parallel_loop3A_295 = arith.extui %parallel_loop3A_294 : i1 to i32
            %parallel_loop3A_296 = arith.constant 0 : i32
            %parallel_loop3A_297 = arith.cmpi slt, %parallel_loop3A_290, %parallel_loop3A_296 : i32
            %parallel_loop3A_298 = arith.extui %parallel_loop3A_297 : i1 to i32
            %parallel_loop3A_299 = arith.subi %parallel_loop3A_295, %parallel_loop3A_298 : i32
            %parallel_loop3A_300 = arith.constant 0 : i32
            %parallel_loop3A_301 = arith.cmpi sgt, %parallel_loop3A_291, %parallel_loop3A_300 : i32
            %parallel_loop3A_302 = arith.extui %parallel_loop3A_301 : i1 to i32
            %parallel_loop3A_303 = arith.constant 0 : i32
            %parallel_loop3A_304 = arith.cmpi slt, %parallel_loop3A_291, %parallel_loop3A_303 : i32
            %parallel_loop3A_305 = arith.extui %parallel_loop3A_304 : i1 to i32
            %parallel_loop3A_306 = arith.subi %parallel_loop3A_302, %parallel_loop3A_305 : i32
            %parallel_loop3A_307 = arith.cmpi ne, %parallel_loop3A_299, %parallel_loop3A_306 : i32
            %parallel_loop3A_308 = arith.remsi %parallel_loop3A_290, %parallel_loop3A_291 : i32
            %parallel_loop3A_309 = arith.constant 0 : i32
            %parallel_loop3A_310 = arith.cmpi ne, %parallel_loop3A_308, %parallel_loop3A_309 : i32
            %parallel_loop3A_311 = arith.andi %parallel_loop3A_307, %parallel_loop3A_310 : i1
            %parallel_loop3A_312 = arith.constant 1 : i32
            %parallel_loop3A_313 = arith.subi %parallel_loop3A_292, %parallel_loop3A_312 : i32
            %parallel_loop3A_314 = arith.select %parallel_loop3A_311, %parallel_loop3A_313, %parallel_loop3A_292 : i32
            %parallel_loop3A_315 = arith.constant 8 : i32
            %parallel_loop3A_316 = arith.constant 0 : i32
            %parallel_loop3A_317 = arith.cmpi eq, %parallel_loop3A_315, %parallel_loop3A_316 : i32
            %parallel_loop3A_318 = arith.constant 1 : i32
            %parallel_loop3A_319 = arith.select %parallel_loop3A_317, %parallel_loop3A_318, %parallel_loop3A_315 : i32
            %parallel_loop3A_320 = arith.remsi %parallel_loop3A_290, %parallel_loop3A_319 : i32
            %parallel_loop3A_321 = arith.constant 0 : i32
            %parallel_loop3A_322 = arith.cmpi ne, %parallel_loop3A_320, %parallel_loop3A_321 : i32
            %parallel_loop3A_323 = arith.constant 0 : i32
            %parallel_loop3A_324 = arith.cmpi slt, %parallel_loop3A_320, %parallel_loop3A_323 : i32
            %parallel_loop3A_325 = arith.constant 0 : i32
            %parallel_loop3A_326 = arith.cmpi slt, %parallel_loop3A_319, %parallel_loop3A_325 : i32
            %parallel_loop3A_327 = arith.xori %parallel_loop3A_324, %parallel_loop3A_326 : i1
            %parallel_loop3A_328 = arith.andi %parallel_loop3A_327, %parallel_loop3A_322 : i1
            %parallel_loop3A_329 = arith.addi %parallel_loop3A_320, %parallel_loop3A_319 : i32
            %parallel_loop3A_330 = arith.select %parallel_loop3A_328, %parallel_loop3A_329, %parallel_loop3A_320 : i32
            %parallel_loop3A_331 = arith.constant 16 : i32
            %parallel_loop3A_332 = arith.muli %parallel_loop3A_330, %parallel_loop3A_331 : i32
            %parallel_loop3A_333 = arith.constant 16 : i32
            %parallel_loop3A_334 = arith.muli %parallel_loop3A_290, %parallel_loop3A_333 : i32
            %parallel_loop3A_335 = arith.index_cast %parallel_loop3A_334 : i32 to index
            %parallel_loop3A_336 = tpu.vector_load %arg7[%parallel_loop3A_335] {strides = array<i32>} : memref<1024xi32, #tpu.memory_space<vmem>>, vector<16xi32>,
            %parallel_loop3A_337 = arith.addi %parallel_loop3A_336, %broadcast_in_dim3A_278 : vector<16xi32>
            %parallel_loop3A_338 = tpu.vector_load_idx %arg5[%parallel_loop3A_337] : memref<8192xf32, #tpu.memory_space<vmem>>[vector<16xi32>], vector<16xf32>,
            %parallel_loop3A_339 = arith.constant 0 : i32
            %parallel_loop3A_340 = arith.index_cast %parallel_loop3A_314 : i32 to index
            %parallel_loop3A_341 = arith.index_cast %parallel_loop3A_339 : i32 to index
            %parallel_loop3A_342 = arith.index_cast %parallel_loop3A_332 : i32 to index
            %parallel_loop3A_343 = tpu.vector_load %arg9[%parallel_loop3A_340, %parallel_loop3A_341, %parallel_loop3A_342] {strides = array<i32>} : memref<8x8x128xf32, #tpu.memory_space<vmem>>, vector<16xf32>,
            tpu.vector_store %arg9[%parallel_loop3A_340, %parallel_loop3A_341, %parallel_loop3A_342], %parallel_loop3A_338 {strides = array<i32>} : memref<8x8x128xf32, #tpu.memory_space<vmem>>, vector<16xf32>,
            %parallel_loop3A_344 = arith.addi %parallel_loop3A_337, %broadcast_in_dim3A_3 : vector<16xi32>
            %parallel_loop3A_345 = tpu.vector_load_idx %arg5[%parallel_loop3A_344] : memref<8192xf32, #tpu.memory_space<vmem>>[vector<16xi32>], vector<16xf32>,
            %parallel_loop3A_346 = arith.constant 1 : i32
            %parallel_loop3A_347 = arith.index_cast %parallel_loop3A_314 : i32 to index
            %parallel_loop3A_348 = arith.index_cast %parallel_loop3A_346 : i32 to index
            %parallel_loop3A_349 = arith.index_cast %parallel_loop3A_332 : i32 to index
            %parallel_loop3A_350 = tpu.vector_load %arg9[%parallel_loop3A_347, %parallel_loop3A_348, %parallel_loop3A_349] {strides = array<i32>} : memref<8x8x128xf32, #tpu.memory_space<vmem>>, vector<16xf32>,
            tpu.vector_store %arg9[%parallel_loop3A_347, %parallel_loop3A_348, %parallel_loop3A_349], %parallel_loop3A_345 {strides = array<i32>} : memref<8x8x128xf32, #tpu.memory_space<vmem>>, vector<16xf32>,
            %parallel_loop3A_351 = arith.addi %parallel_loop3A_344, %broadcast_in_dim3A_3 : vector<16xi32>
            %parallel_loop3A_352 = tpu.vector_load_idx %arg5[%parallel_loop3A_351] : memref<8192xf32, #tpu.memory_space<vmem>>[vector<16xi32>], vector<16xf32>,
            %parallel_loop3A_353 = arith.constant 2 : i32
            %parallel_loop3A_354 = arith.index_cast %parallel_loop3A_314 : i32 to index
            %parallel_loop3A_355 = arith.index_cast %parallel_loop3A_353 : i32 to index
            %parallel_loop3A_356 = arith.index_cast %parallel_loop3A_332 : i32 to index
            %parallel_loop3A_357 = tpu.vector_load %arg9[%parallel_loop3A_354, %parallel_loop3A_355, %parallel_loop3A_356] {strides = array<i32>} : memref<8x8x128xf32, #tpu.memory_space<vmem>>, vector<16xf32>,
            tpu.vector_store %arg9[%parallel_loop3A_354, %parallel_loop3A_355, %parallel_loop3A_356], %parallel_loop3A_352 {strides = array<i32>} : memref<8x8x128xf32, #tpu.memory_space<vmem>>, vector<16xf32>,
            %parallel_loop3A_358 = arith.addi %parallel_loop3A_351, %broadcast_in_dim3A_3 : vector<16xi32>
            %parallel_loop3A_359 = tpu.vector_load_idx %arg5[%parallel_loop3A_358] : memref<8192xf32, #tpu.memory_space<vmem>>[vector<16xi32>], vector<16xf32>,
            %parallel_loop3A_360 = arith.constant 3 : i32
            %parallel_loop3A_361 = arith.index_cast %parallel_loop3A_314 : i32 to index
            %parallel_loop3A_362 = arith.index_cast %parallel_loop3A_360 : i32 to index
            %parallel_loop3A_363 = arith.index_cast %parallel_loop3A_332 : i32 to index
            %parallel_loop3A_364 = tpu.vector_load %arg9[%parallel_loop3A_361, %parallel_loop3A_362, %parallel_loop3A_363] {strides = array<i32>} : memref<8x8x128xf32, #tpu.memory_space<vmem>>, vector<16xf32>,
            tpu.vector_store %arg9[%parallel_loop3A_361, %parallel_loop3A_362, %parallel_loop3A_363], %parallel_loop3A_359 {strides = array<i32>} : memref<8x8x128xf32, #tpu.memory_space<vmem>>, vector<16xf32>,
            %parallel_loop3A_365 = arith.addi %parallel_loop3A_358, %broadcast_in_dim3A_3 : vector<16xi32>
            %parallel_loop3A_366 = tpu.vector_load_idx %arg5[%parallel_loop3A_365] : memref<8192xf32, #tpu.memory_space<vmem>>[vector<16xi32>], vector<16xf32>,
            %parallel_loop3A_367 = arith.constant 4 : i32
            %parallel_loop3A_368 = arith.index_cast %parallel_loop3A_314 : i32 to index
            %parallel_loop3A_369 = arith.index_cast %parallel_loop3A_367 : i32 to index
            %parallel_loop3A_370 = arith.index_cast %parallel_loop3A_332 : i32 to index
            %parallel_loop3A_371 = tpu.vector_load %arg9[%parallel_loop3A_368, %parallel_loop3A_369, %parallel_loop3A_370] {strides = array<i32>} : memref<8x8x128xf32, #tpu.memory_space<vmem>>, vector<16xf32>,
            tpu.vector_store %arg9[%parallel_loop3A_368, %parallel_loop3A_369, %parallel_loop3A_370], %parallel_loop3A_366 {strides = array<i32>} : memref<8x8x128xf32, #tpu.memory_space<vmem>>, vector<16xf32>,
            %parallel_loop3A_372 = arith.addi %parallel_loop3A_365, %broadcast_in_dim3A_3 : vector<16xi32>
            %parallel_loop3A_373 = tpu.vector_load_idx %arg5[%parallel_loop3A_372] : memref<8192xf32, #tpu.memory_space<vmem>>[vector<16xi32>], vector<16xf32>,
            %parallel_loop3A_374 = arith.constant 5 : i32
            %parallel_loop3A_375 = arith.index_cast %parallel_loop3A_314 : i32 to index
            %parallel_loop3A_376 = arith.index_cast %parallel_loop3A_374 : i32 to index
            %parallel_loop3A_377 = arith.index_cast %parallel_loop3A_332 : i32 to index
            %parallel_loop3A_378 = tpu.vector_load %arg9[%parallel_loop3A_375, %parallel_loop3A_376, %parallel_loop3A_377] {strides = array<i32>} : memref<8x8x128xf32, #tpu.memory_space<vmem>>, vector<16xf32>,
            tpu.vector_store %arg9[%parallel_loop3A_375, %parallel_loop3A_376, %parallel_loop3A_377], %parallel_loop3A_373 {strides = array<i32>} : memref<8x8x128xf32, #tpu.memory_space<vmem>>, vector<16xf32>,
            %parallel_loop3A_379 = arith.addi %parallel_loop3A_372, %broadcast_in_dim3A_3 : vector<16xi32>
            %parallel_loop3A_380 = tpu.vector_load_idx %arg5[%parallel_loop3A_379] : memref<8192xf32, #tpu.memory_space<vmem>>[vector<16xi32>], vector<16xf32>,
            %parallel_loop3A_381 = arith.constant 6 : i32
            %parallel_loop3A_382 = arith.index_cast %parallel_loop3A_314 : i32 to index
            %parallel_loop3A_383 = arith.index_cast %parallel_loop3A_381 : i32 to index
            %parallel_loop3A_384 = arith.index_cast %parallel_loop3A_332 : i32 to index
            %parallel_loop3A_385 = tpu.vector_load %arg9[%parallel_loop3A_382, %parallel_loop3A_383, %parallel_loop3A_384] {strides = array<i32>} : memref<8x8x128xf32, #tpu.memory_space<vmem>>, vector<16xf32>,
            tpu.vector_store %arg9[%parallel_loop3A_382, %parallel_loop3A_383, %parallel_loop3A_384], %parallel_loop3A_380 {strides = array<i32>} : memref<8x8x128xf32, #tpu.memory_space<vmem>>, vector<16xf32>,
            %parallel_loop3A_386 = arith.addi %parallel_loop3A_379, %broadcast_in_dim3A_3 : vector<16xi32>
            %parallel_loop3A_387 = tpu.vector_load_idx %arg5[%parallel_loop3A_386] : memref<8192xf32, #tpu.memory_space<vmem>>[vector<16xi32>], vector<16xf32>,
            %parallel_loop3A_388 = arith.constant 7 : i32
            %parallel_loop3A_389 = arith.index_cast %parallel_loop3A_314 : i32 to index
            %parallel_loop3A_390 = arith.index_cast %parallel_loop3A_388 : i32 to index
            %parallel_loop3A_391 = arith.index_cast %parallel_loop3A_332 : i32 to index
            %parallel_loop3A_392 = tpu.vector_load %arg9[%parallel_loop3A_389, %parallel_loop3A_390, %parallel_loop3A_391] {strides = array<i32>} : memref<8x8x128xf32, #tpu.memory_space<vmem>>, vector<16xf32>,
            tpu.vector_store %arg9[%parallel_loop3A_389, %parallel_loop3A_390, %parallel_loop3A_391], %parallel_loop3A_387 {strides = array<i32>} : memref<8x8x128xf32, #tpu.memory_space<vmem>>, vector<16xf32>,
          } {sc.loop_unroll_factor = 8 : i64, sc.parallel_access}
          %dma_start3A_282 = arith.constant 0 : i32
          %dma_start3A_283 = arith.constant 0 : i32
          %dma_start3A_284 = tpu.memref_slice %arg4[%select_n3A_249, %add3A_224, %mul3A_267, %dma_start3A_282, %dma_start3A_283] : memref<200x8x128x8x128xf32, #tpu.memory_space<hbm>> -> memref<1x1x8x8x128xf32, #tpu.memory_space<hbm>>
          %dma_start3A_285 = tpu.memref_squeeze %dma_start3A_284 : memref<1x1x8x8x128xf32, #tpu.memory_space<hbm>> -> memref<8x8x128xf32, #tpu.memory_space<hbm>>
          %dma_start3A_286 = arith.constant 0 : i32
          %dma_start3A_287 = arith.constant 0 : i32
          %dma_start3A_288 = tpu.memref_slice %arg4[%select_n3A_249, %add3A_224, %mul3A_267, %dma_start3A_286, %dma_start3A_287] : memref<200x8x128x8x128xf32, #tpu.memory_space<hbm>> -> memref<1x1x8x8x128xf32, #tpu.memory_space<hbm>>
          %dma_start3A_289 = tpu.memref_squeeze %dma_start3A_288 : memref<1x1x8x8x128xf32, #tpu.memory_space<hbm>> -> memref<8x8x128xf32, #tpu.memory_space<hbm>>
          tpu.enqueue_dma source(%arg9 : memref<8x8x128xf32, #tpu.memory_space<vmem>>) target(%dma_start3A_289 : memref<8x8x128xf32, #tpu.memory_space<hbm>>) target_semaphore(%arg13 : memref<!tpu.dma_semaphore, #tpu.memory_space<semaphore_mem>>)
        }
        %scan3A_153 = arith.constant 4 : i32
      } else {
      }
    }
    %scan3A_46 = arith.constant 100 : i32
    %dma_wait3A = arith.constant 0 : i32
    %dma_wait3A_47 = arith.constant 0 : i32
    %dma_wait3A_48 = arith.constant 0 : i32
    %dma_wait3A_49 = arith.constant 0 : i32
    %dma_wait3A_50 = arith.constant 0 : i32
    %dma_wait3A_51 = tpu.memref_slice %arg4[%dma_wait3A, %dma_wait3A_47, %dma_wait3A_48, %dma_wait3A_49, %dma_wait3A_50] : memref<200x8x128x8x128xf32, #tpu.memory_space<hbm>> -> memref<1x1x8x8x128xf32, #tpu.memory_space<hbm>>
    %dma_wait3A_52 = tpu.memref_squeeze %dma_wait3A_51 : memref<1x1x8x8x128xf32, #tpu.memory_space<hbm>> -> memref<8x8x128xf32, #tpu.memory_space<hbm>>
    %dma_wait3A_53 = arith.constant 0 : i32
    %dma_wait3A_54 = arith.constant 0 : i32
    %dma_wait3A_55 = arith.constant 0 : i32
    %dma_wait3A_56 = tpu.memref_slice %arg4[%dma_wait3A, %dma_wait3A_47, %dma_wait3A_53, %dma_wait3A_54, %dma_wait3A_55] : memref<200x8x128x8x128xf32, #tpu.memory_space<hbm>> -> memref<1x1x8x8x128xf32, #tpu.memory_space<hbm>>
    %dma_wait3A_57 = tpu.memref_squeeze %dma_wait3A_56 : memref<1x1x8x8x128xf32, #tpu.memory_space<hbm>> -> memref<8x8x128xf32, #tpu.memory_space<hbm>>
    tpu.wait_dma2 semaphore(%arg12 : memref<!tpu.dma_semaphore, #tpu.memory_space<semaphore_mem>>) src(%arg8 : memref<8x8x128xf32, #tpu.memory_space<vmem>>) dst(%dma_wait3A_57 : memref<8x8x128xf32, #tpu.memory_space<hbm>>)
    %dma_wait3A_58 = arith.constant 0 : i32
    %dma_wait3A_59 = arith.constant 0 : i32
    %dma_wait3A_60 = arith.constant 0 : i32
    %dma_wait3A_61 = arith.constant 0 : i32
    %dma_wait3A_62 = arith.constant 0 : i32
    %dma_wait3A_63 = tpu.memref_slice %arg4[%dma_wait3A_58, %dma_wait3A_59, %dma_wait3A_60, %dma_wait3A_61, %dma_wait3A_62] : memref<200x8x128x8x128xf32, #tpu.memory_space<hbm>> -> memref<1x1x8x8x128xf32, #tpu.memory_space<hbm>>
    %dma_wait3A_64 = tpu.memref_squeeze %dma_wait3A_63 : memref<1x1x8x8x128xf32, #tpu.memory_space<hbm>> -> memref<8x8x128xf32, #tpu.memory_space<hbm>>
    %dma_wait3A_65 = arith.constant 0 : i32
    %dma_wait3A_66 = arith.constant 0 : i32
    %dma_wait3A_67 = arith.constant 0 : i32
    %dma_wait3A_68 = tpu.memref_slice %arg4[%dma_wait3A_58, %dma_wait3A_59, %dma_wait3A_65, %dma_wait3A_66, %dma_wait3A_67] : memref<200x8x128x8x128xf32, #tpu.memory_space<hbm>> -> memref<1x1x8x8x128xf32, #tpu.memory_space<hbm>>
    %dma_wait3A_69 = tpu.memref_squeeze %dma_wait3A_68 : memref<1x1x8x8x128xf32, #tpu.memory_space<hbm>> -> memref<8x8x128xf32, #tpu.memory_space<hbm>>
    tpu.wait_dma2 semaphore(%arg13 : memref<!tpu.dma_semaphore, #tpu.memory_space<semaphore_mem>>) src(%arg9 : memref<8x8x128xf32, #tpu.memory_space<vmem>>) dst(%dma_wait3A_69 : memref<8x8x128xf32, #tpu.memory_space<hbm>>)
    %dma_wait3A_70 = arith.constant 0 : i32
    %dma_wait3A_71 = arith.constant 0 : i32
    %dma_wait3A_72 = tpu.memref_slice %arg3[%dma_wait3A_70, %dma_wait3A_71] : memref<200x16384xi32, #tpu.memory_space<hbm>> -> memref<1x1024xi32, #tpu.memory_space<hbm>>
    %dma_wait3A_73 = tpu.memref_squeeze %dma_wait3A_72 : memref<1x1024xi32, #tpu.memory_space<hbm>> -> memref<1024xi32, #tpu.memory_space<hbm>>
    %dma_wait3A_74 = arith.constant 0 : i32
    %dma_wait3A_75 = tpu.memref_slice %arg3[%dma_wait3A_70, %dma_wait3A_74] : memref<200x16384xi32, #tpu.memory_space<hbm>> -> memref<1x1024xi32, #tpu.memory_space<hbm>>
    %dma_wait3A_76 = tpu.memref_squeeze %dma_wait3A_75 : memref<1x1024xi32, #tpu.memory_space<hbm>> -> memref<1024xi32, #tpu.memory_space<hbm>>
    tpu.wait_dma2 semaphore(%arg10 : memref<!tpu.dma_semaphore, #tpu.memory_space<semaphore_mem>>) src(%dma_wait3A_76 : memref<1024xi32, #tpu.memory_space<hbm>>) dst(%arg6 : memref<1024xi32, #tpu.memory_space<vmem>>)
    return
  }
}

module attributes {stable_mosaic.version = 14 : i64} {
  func.func @_norm_body(%arg0: memref<101x64xf32, #tpu.memory_space<vmem>>, %arg1: memref<64x128xf32, #tpu.memory_space<vmem>>) attributes {dimension_semantics = [], scalar_prefetch = 0 : i64, scratch_operands = 0 : i64, tpu.core_type = #tpu.core_type<tc>} {
    %get3A = arith.constant 0 : index
    %get3A_0 = arith.constant 0 : index
    %get3A_1 = vector.load %arg0[%get3A, %get3A_0] : memref<101x64xf32, #tpu.memory_space<vmem>>, vector<101x64xf32>
    %mul3A = arith.mulf %get3A_1, %get3A_1 : vector<101x64xf32>
    %reduce_sum3A = arith.constant dense<0.000000e+00> : vector<101xf32>
    %reduce_sum3A_2 = vector.multi_reduction <add>, %mul3A, %reduce_sum3A [1] : vector<101x64xf32> to vector<101xf32>
    %broadcast_in_dim3A = vector.shape_cast %reduce_sum3A_2 : vector<101xf32> to vector<101x1xf32>
    %sqrt3A = math.sqrt %broadcast_in_dim3A : vector<101x1xf32>
    %gt3A = arith.constant 1.000000e+00 : f32
    %gt3A_3 = vector.broadcast %gt3A : f32 to vector<101x1xf32>
    %gt3A_4 = arith.cmpf ogt, %sqrt3A, %gt3A_3 : vector<101x1xf32>
    %add3A = arith.constant 1.000000e-07 : f32
    %add3A_5 = vector.broadcast %add3A : f32 to vector<101x1xf32>
    %add3A_6 = arith.addf %sqrt3A, %add3A_5 : vector<101x1xf32>
    %div3A = arith.constant 1.000000e+00 : f32
    %div3A_7 = vector.broadcast %div3A : f32 to vector<101x1xf32>
    %div3A_8 = arith.divf %div3A_7, %add3A_6 : vector<101x1xf32>
    %jit3A = arith.constant 1.000000e+00 : f32
    %broadcast_in_dim3A_9 = vector.broadcast %jit3A : f32 to vector<101x1xf32>
    %select_n3A = arith.select %gt3A_4, %div3A_8, %broadcast_in_dim3A_9 : vector<101x1xi1>, vector<101x1xf32>
    %mul3A_10 = vector.broadcast %select_n3A : vector<101x1xf32> to vector<101x64xf32>
    %mul3A_11 = arith.mulf %get3A_1, %mul3A_10 : vector<101x64xf32>
    %transpose3A = tpu.transpose %mul3A_11, [1, 0] : vector<101x64xf32> -> vector<64x101xf32>
    %broadcast_in_dim3A_12 = arith.constant 0.000000e+00 : f32
    %broadcast_in_dim3A_13 = vector.broadcast %broadcast_in_dim3A_12 : f32 to vector<64x27xf32>
    %concatenate3A = tpu.concatenate %transpose3A, %broadcast_in_dim3A_13 in 1 : vector<64x101xf32>, vector<64x27xf32> -> vector<64x128xf32>
    %swap3A = arith.constant 0 : index
    %swap3A_14 = arith.constant 0 : index
    %swap3A_15 = vector.load %arg1[%swap3A, %swap3A_14] : memref<64x128xf32, #tpu.memory_space<vmem>>, vector<64x128xf32>
    tpu.vector_store %arg1[%swap3A, %swap3A_14], %concatenate3A {strides = array<i32>} : memref<64x128xf32, #tpu.memory_space<vmem>>, vector<64x128xf32>,
    return
  }
}

</mosaic_0001>

<sc_bundles>
// kernel: kernel.4.cloned.1.call-start
scs
__scs_entry_jumppad:
0x0: {  	(pc) =	sbr.rel $0x88, $3  }
0x1: {  	(tag) =	ssettag $0x0;
	lr =	simm.s32 $0x1  }
0x2: {  	[smem:$0x3F9F] =	sst lr;
	_ =	strace $0xD0000000  }
0x3: {  	_ = 	snop  }
0x4: {  	_ = 	snop  }
0x5: {  	_ = 	snop  }
0x6: {  	_ = 	snop  }
0x7: {  	_ = 	snop  }
__scs_overlays_trampoline_lowered:
0x8: {  	[smem:$0x3FAE] =	sst s0  }
0x9: {  	[smem:$0x3FAF] =	sst s1  }
0xa: {  	[smem:$0x3FB0] =	sst s2  }
0xb: {  	[smem:$0x3FB1] =	sst s3  }
0xc: {  	[smem:$0x3FB2] =	sst s4  }
0xd: {  	[smem:$0x3FB3] =	sst s5  }
0xe: {  	[smem:$0x3FB4] =	sst s6  }
0xf: {  	[smem:$0x3FB5] =	sst s7  }
0x10: {  	[smem:$0x3FB6] =	sst s8  }
0x11: {  	[smem:$0x3FB7] =	sst s9;
	s0 =	simm.s32 @!p0 $0x0  }
0x12: {  	s1 =	sld [smem:$0x3F9D];
	s0 =	simm.s32 @p0 $0x1  }
0x13: {  	[smem:$0x3FB8] =	sst s0;
	s0 =	simm.s32 @!p1 $0x0  }
0x14: {  	s2 =	sld [smem:$0x3F9C];
	s0 =	simm.s32 @p1 $0x1  }
0x15: {  	[smem:$0x3FB9] =	sst s0;
	s0 =	simm.s32 @!p2 $0x0  }
0x16: {  	s3 =	sld [smem:$0x3FDB];
	s0 =	simm.s32 @p2 $0x1  }
0x17: {  	s4 =	simm.s32 $0x1BF5;
	[smem:$0x3FBB] =	sst s0  }
0x18: {  	s0 =	sld [smem:$0x3F9E];
	_ =	swait.ge [sflag:s4], $0x0  }
0x19: {  	s7 =	sld [smem:$0x3F9F]  }
0x1a: {  	s8 =	sadd.s32 $0xFFFFE003, lr  }
0x1b: {  	s9 =	sadd.s32 $0xFFFFFEF7, lr;
	s5 =	simm.s32 $0xFFFFFFFF;
	p2 =	slt.u32 s8, $0xFFFFF086  }
0x1c: {  	p1 =	slt.u32 s9, $0xF7A;
	s5 =	simm.s32 @!p2 $0x0  }
0x1d: {  	s5 =	simm.s32 @p1 $0x1;
	p0 =	seq.s32 s7, s2  }
0x1e: {  	s7 =	smul.u32 @!p0 $0xF7A, s2;
	p2 =	seq.s32 @!p0 s5, $0x0  }
0x1f: {  	s9 =	smul.u32 $0xF7A, s1;
	s8 =	simm.s32 @!p0 $0x1BF5;
	p2 =	por !p2, p0  }
0x20: {  	[sflag:s8] =	ssyncset.s32 @!p0 $0xFFFFF086;
	s6 =	sadd.s32 @!p0 s3, s7;
	s7 =	simm.s32 @!p0 $0x108  }
0x21: {  	s3 =	sadd.s32 s3, s9;
	s6 =	sadd.s32 @!p0 $0x88, s6;
	s7 =	simm.s32 @p2 $0x1082  }
0x22: {  	[simem:s7], [sflag:s8] =	dma.local @!p0 [hbm:s6], $0xF7A  }
0x23: {  	s9 =	sor.u32 $0xD0000000, s2;
	s6 =	simm.s32 $0x108;
	_ =	swait.ge @!p0 [sflag:s8], $0x0  }
0x24: {  	s3 =	sadd.s32 $0x88, s3;
	s6 =	simm.s32 @!p1 $0x1082;
	[sflag:s4] =	ssyncset.s32 $0xFFFFF086  }
0x25: {  	[simem:s6], [sflag:s4] =	dma.local [hbm:s3], $0xF7A  }
0x26: {  	[smem:$0x3F9F] =	sst s1;
	(tag) =	ssettag s2;
	_ =	strace s9  }
0x27: {  	s1 =	sld [smem:$0x3FAF]  }
0x28: {  	s2 =	sld [smem:$0x3FB0]  }
0x29: {  	s4 =	sld [smem:$0x3FB2]  }
0x2a: {  	p0 =	seq.s32 s5, $0x0;
	s5 =	sld [smem:$0x3FB3]  }
0x2b: {  	s6 =	sld [smem:$0x3FB4]  }
0x2c: {  	s7 =	sld [smem:$0x3FB5]  }
0x2d: {  	s3 =	simm.s32 $0x108;
	s8 =	sld [smem:$0x3FB6]  }
0x2e: {  	s3 =	simm.s32 @!p0 $0x1082;
	s9 =	sld [smem:$0x3FB7]  }
0x2f: {  	lr =	sadd.s32 s0, s3;
	s0 =	sld [smem:$0x3FAE]  }
0x30: {  	s3 =	sld [smem:$0x3FB1]  }
0x31: {  	[smem:$0x3FBA] =	sst s10  }
0x32: {  	s10 =	sld [smem:$0x3FB8];
	_ =	sdelay $0x3  }
0x33: {  	p0 =	seq.s32 s10, $0x1;
	s10 =	sld [smem:$0x3FBA];
	_ =	sdelay $0x3  }
0x34: {  	[smem:$0x3FBA] =	sst s10  }
0x35: {  	s10 =	sld [smem:$0x3FB9];
	_ =	sdelay $0x3  }
0x36: {  	p1 =	seq.s32 s10, $0x1;
	s10 =	sld [smem:$0x3FBA];
	_ =	sdelay $0x3  }
0x37: {  	[smem:$0x3FBA] =	sst s10  }
0x38: {  	s10 =	sld [smem:$0x3FBB]  }
0x39: {  	_ = 	snop;
	(pc) =	sbr.ind lr, $3  }
0x3a: {  	_ = 	snop  }
0x3b: {  	_ = 	snop  }
0x3c: {  	p2 =	seq.s32 s10, $0x1;
	s10 =	sld [smem:$0x3FBA]  }
0x3d: {  	_ =	shalt  }
0x3e: {  	_ =	shalt  }
0x3f: {  	_ =	shalt  }
0x40: {  	_ =	shalt  }
0x41: {  	_ =	shalt  }
0x42: {  	_ =	shalt  }
0x43: {  	_ =	shalt  }
0x44: {  	_ =	shalt  }
0x45: {  	_ =	shalt  }
0x46: {  	_ =	shalt  }
0x47: {  	_ =	shalt  }
0x48: {  	_ =	shalt  }
0x49: {  	_ =	shalt  }
0x4a: {  	_ =	shalt  }
0x4b: {  	_ =	shalt  }
0x4c: {  	_ =	shalt  }
0x4d: {  	_ =	shalt  }
0x4e: {  	_ =	shalt  }
0x4f: {  	_ =	shalt  }
0x50: {  	_ =	shalt  }
0x51: {  	_ =	shalt  }
0x52: {  	_ =	shalt  }
0x53: {  	_ =	shalt  }
0x54: {  	_ =	shalt  }
0x55: {  	_ =	shalt  }
0x56: {  	_ =	shalt  }
0x57: {  	_ =	shalt  }
0x58: {  	_ =	shalt  }
0x59: {  	_ =	shalt  }
0x5a: {  	_ =	shalt  }
0x5b: {  	_ =	shalt  }
0x5c: {  	_ =	shalt  }
0x5d: {  	_ =	shalt  }
0x5e: {  	_ =	shalt  }
0x5f: {  	_ =	shalt  }
0x60: {  	_ =	shalt  }
0x61: {  	_ =	shalt  }
0x62: {  	_ =	shalt  }
0x63: {  	_ =	shalt  }
0x64: {  	_ =	shalt  }
0x65: {  	_ =	shalt  }
0x66: {  	_ =	shalt  }
0x67: {  	_ =	shalt  }
0x68: {  	_ =	shalt  }
0x69: {  	_ =	shalt  }
0x6a: {  	_ =	shalt  }
0x6b: {  	_ =	shalt  }
0x6c: {  	_ =	shalt  }
0x6d: {  	_ =	shalt  }
0x6e: {  	_ =	shalt  }
0x6f: {  	_ =	shalt  }
0x70: {  	_ =	shalt  }
0x71: {  	_ =	shalt  }
0x72: {  	_ =	shalt  }
0x73: {  	_ =	shalt  }
0x74: {  	_ =	shalt  }
0x75: {  	_ =	shalt  }
0x76: {  	_ =	shalt  }
0x77: {  	_ =	shalt  }
0x78: {  	_ =	shalt  }
0x79: {  	_ =	shalt  }
0x7a: {  	_ =	shalt  }
0x7b: {  	_ =	shalt  }
0x7c: {  	_ =	shalt  }
0x7d: {  	_ =	shalt  }
0x7e: {  	_ =	shalt  }
0x7f: {  	_ =	shalt  }
0x80: {  	_ =	shalt  }
0x81: {  	_ =	shalt  }
0x82: {  	_ =	shalt  }
0x83: {  	_ =	shalt  }
0x84: {  	_ =	shalt  }
0x85: {  	_ =	shalt  }
0x86: {  	_ =	shalt  }
0x87: {  	_ =	shalt  }
.Lfunc_end0:
.L_simem_size_0:
called_computation_lowered:
.L_overlay_start_0:
0x88: {  	s2 =	sld [smem:$0x3FD9]  }
0x89: {  	s3 =	sld [smem:$0x3FFE];
	_ =	sdelay $0x1  }
0x8a: {  	s1 =	srdreg.scid  }
0x8b: {  	s0 =	sand.u32 $0x1, s1  }
0x8c: {  	s17 =	sshll.u32 s0, $0xA;
	s2 =	sadd.s32 s3, s2  }
0x8d: {  	s2 =	sadd.s32 s2, s17  }
0x8e: {  	[smem:$0x3FC6] =	sst s2  }
0x8f: {  	_ = 	snop  }
0x90: {  	s2 =	sld [smem:$0x3FD0];
	(tm) =	ssettm $0x1  }
0x91: {  	s18 =	sld [smem:$0x3FFB];
	_ =	sdelay $0x3  }
0x92: {  	_ =	strace s18  }
0x93: {  	s3 =	sld [smem:$0x3FFC];
	_ =	sdelay $0x3  }
0x94: {  	_ =	strace s3  }
0x95: {  	s3 =	sld [smem:$0x3FFD];
	_ =	sdelay $0x3  }
0x96: {  	_ =	strace s3  }
0x97: {  	_ =	strace $0x8FFFFFFF  }
0x98: {  	s19 =	sld [smem:$0x3FDB];
	_ =	sdelay $0x1  }
0x99: {  	s4 =	simm.s32 $_scs_section_size  }
0x9a: {  	s5 =	simm.s32 $_size__tile_overlayer_lowered;
	s6 =	simm.s32 $_tile_overlayer_lowered  }
0x9b: {  	s22 =	simm.s32 $0x1BFF;
	s21 =	sshll.u32 s6, $0x1;
	s3 =	sadd.s32 s4, s19  }
0x9c: {  	s7 =	simm.s32 $0x0;
	s20 =	sshll.u32 s5, $0x1;
	s5 =	sadd.s32 s21, s3  }
0x9d: {  	[timem:s7], [sflag:s22] =	dma.local [hbm:s5], s20  }
0x9e: {  	_ =	swait.ge [sflag:s22], s20  }
0x9f: {  	s4 =	ssub.s32 $0x0, s20;
	[sflag:s22] =	ssyncset.done $0x0  }
0xa0: {  	[sflag:s22] =	ssyncadd.s32 s4;
	_ =	sdelay $0x1  }
0xa1: {  	s23 =	simm.s32 $0x1B8B  }
0xa2: {  	_ =	swait.ge [sflag:s23], $0x1  }
0xa3: {  	[sflag:s23] =	ssyncset.done $0x0  }
0xa4: {  	s25 =	simm.s32 $0x1B8E;
	s24 =	sld [smem:$0x3FFE];
	[sflag:s23] =	ssyncadd.s32 $0xFFFFFFFF  }
0xa5: {  	s26 =	simm.s32 $execute0_lowered;
	[smem:$0x3FD2] =	sst s25  }
0xa6: {  	s5 =	sshll.u32 s26, $0x1;
	_ =	strace $0x80000046;
	[dreg:$0x1] =	wrdreg $0xFFFFFFFF  }
0xa7: {  	s28 =	simm.s32 $_size_execute0_lowered;
	s3 =	sadd.s32 s3, s5;
	[dreg:$0x0] =	wrdreg $0x0  }
0xa8: {  	s5 =	sshll.u32 s28, $0x1;
	[dreg:$0x2] =	wrdreg s3  }
0xa9: {  	[dreg:$0x3] =	wrdreg s5  }
0xaa: {  	[dreg:$0x4] =	wrdreg $0xC0  }
0xab: {  	_ =	task [dreg:s7], $0x5FFFF  }
0xac: {  	[dreg:$0x1] =	wrdreg $0xFFFFFFFF  }
0xad: {  	[dreg:$0x0] =	wrdreg $0x60  }
0xae: {  	[dreg:$0x2] =	wrdreg s24  }
0xaf: {  	[dreg:$0x3] =	wrdreg s2  }
0xb0: {  	[dreg:$0x4] =	wrdreg $0x9  }
0xb1: {  	_ =	task.clear_ibuf [dreg:s7], $0x5FFFF;
	_ =	strace $0x90000046  }
0xb2: {  	s29 =	simm.s32 $0x9;
	_ =	strace $0x80000048  }
0xb3: {  	_ =	swait.ge [sflag:s29], $0x1  }
0xb4: {  	[sflag:s29] =	ssyncadd.s32 $0xFFFFFFFF  }
0xb5: {  	_ =	strace $0x90000048  }
0xb6: {  	_ =	sfence  }
0xb7: {  	s30 =	sld [smem:$0x0];
	_ =	sdelay $0x2  }
0xb8: {  	s31 =	sshll.u32 s1, $0xD;
	s1 =	sshrl.u32 s1, $0x2  }
0xb9: {  	s3 =	sand.u32 $0x4000, s31;
	s1 =	sadd.s32 s1, s30  }
0xba: {  	s0 =	sor.u32 s3, s0;
	s1 =	sshll.u32 s1, $0x11  }
0xbb: {  	s0 =	sor.u32 s1, s0  }
0xbc: {  	s0 =	sadd.s32 $0x8F2B, s0  }
0xbd: {  	[sflag:s0] =	ssyncadd.remote.s32 $0x1  }
0xbe: {  	_ =	sfence.sel $0xFFFF  }
0xbf: {  	[dreg:$0x0] =	wrdreg $0xFFFFFFFF;
	(pc) =	sbr.abs _section_cstart, $3  }
0xc0: {  	[dreg:$0x1] =	wrdreg $0xFFFFFFFF  }
0xc1: {  	_ =	task.clear_ibuf [dreg:s7], $0x2FFFF;
	_ =	strace $0x9FFFFFFF  }
0xc2: {  	(tm) =	ssettm $0x7FFFFFFF  }
0xc3: {  	_ =	shalt  }
tec
execute0_lowered:
.L_overlay_start_1:
0x0: {  	(tag) =	ssettag $0x1  }
0x1: {  	s1 =	srdreg.scid;
	s6 =	rddreg [dreg:$0x0]  }
0x2: {  	s0 =	stileid.u32;
	s2 =	rddreg [dreg:$0x1]  }
0x3: {  	s3 =	simm.s32 $0x0;
	s11 =	simm.s32 $0x2000;
	s12 =	simm.s32 $0x2  }
0x4: {  	s13 =	simm.s32 $0x2800;
	s14 =	simm.s32 $0x4800;
	s15 =	simm.s32 $0x3  }
0x5: {  	s16 =	simm.s32 $0x4;
	s17 =	simm.s32 $0x1;
	s18 =	simm.s32 $0x2400  }
0x6: {  	s5 =	sand.u32 $0x1, s1;
	s29 =	sshll.u32 s0, $0x1;
	s1 =	rddreg [dreg:$0x2]  }
0x7: {  	s19 =	simm.s32 $0x0;
	[smem:$0x7FF] =	sst s3;
	s7 =	sor.u32 s5, s29  }
0x8: {  	_ =	strace $0x80000047;
	s10 =	ssub.s32 $0x2, s5;
	s4 =	smul.u32 $0x19000, s7  }
.Ltmp0:
0x9: {  	s8 =	sshll.u32 s7, $0xC;
	s30 =	sshrl.u32 s10, $0x1;
	(pc) =	sbr.rel .LBB2_1-.Ltmp0, $4  }
0xa: {  	s5 =	smul.u32 $0x64, s7;
	s8 =	sand.u32 $0x3000, s8;
	s9 =	sand.u32 $0x3FC000, s4  }
0xb: {  	s4 =	sadd.s32 $0xA00, s6;
	s6 =	sadd.s32 $0x600, s6;
	s8 =	sor.u32 s8, s9  }
0xc: {  	s9 =	ssub.s32 s10, s30;
	s10 =	simm.s32 $0x5;
	s31 =	sshrl.u32 s8, $0x3  }
0xd: {  	s8 =	sor.u32 $0x1, s5;
	s9 =	smax.u32 s9, $0x1;
	s7 =	sadd.s32 s4, s31  }
.LBB2_16:
0xe: {  	_ =	swait.ge [sflag:s15], $0x2000  }
0xf: {  	[sflag:s15] =	ssyncset.done $0x0  }
0x10: {  	s19 =	sadd.s32 $0x1, s19;
	[sflag:s15] =	ssyncadd.s32 $0xFFFFE000  }
0x11: {  	p0 =	sne.s32 s19, s9;
	_ =	swait.ge [sflag:s16], $0x2000  }
.Ltmp1:
0x12: {  	[sflag:s16] =	ssyncset.done $0x0;
	(pc) =	sbr.rel @!p0 .LBB2_17-.Ltmp1, $4  }
0x13: {  	[sflag:s16] =	ssyncadd.s32 $0xFFFFE000  }
0x14: {  	_ =	swait.ge [sflag:s17], $0x400  }
0x15: {  	[sflag:s17] =	ssyncset.done $0x0  }
0x16: {  	[sflag:s17] =	ssyncadd.s32 $0xFFFFFC00  }
.LBB2_1:
0x17: {  	[tilespmem:s3], [sflag:$0x5] =	stream.linear.gather [hbm4b:s6+s3], $0x2000, $0x38;
	[tilespmem:$0x6800] =	vst v63  }
.Ltmp2:
0x18: {  	_ = 	snop;
	(pc) =	sbr.rel .LBB2_2-.Ltmp2, $4  }
0x19: {  	_ =	swait.ge [sflag:s10], $0x2000  }
0x1a: {  	[sflag:s10] =	ssyncset.done $0x0  }
0x1b: {  	s20 =	simm.s32 $0x0;
	[sflag:s10] =	ssyncadd.s32 $0xFFFFE000  }
0x1c: {  	[tilespmem:s11], [sflag:$0x1] =	stream.linear.gather [hbm4b:s7+s3], $0x400, $0x38;
	[tilespmem:$0x6800] =	vst v63  }
.LBB2_15:
0x1d: {  	s20 =	sadd.s32 $0x1, s20  }
0x1e: {  	p0 =	sne.s32 s20, $0x64  }
.Ltmp3:
0x1f: {  	_ = 	snop;
	(pc) =	sbr.rel @!p0 .LBB2_16-.Ltmp3, $1  }
0x20: {  	_ =	sdelay $0x3  }
.LBB2_2:
0x21: {  	s21 =	sadd.s32 s20, s8  }
0x22: {  	s22 =	sand.u32 $0x1, s20;
	p0 =	slt.s32 s21, $0xC7F  }
0x23: {  	s21 =	simm.s32 @!p0 $0xC7F;
	p0 =	seq.s32 s22, $0x1  }
.Ltmp4:
0x24: {  	_ = 	snop;
	(pc) =	sbr.rel @!p0 .LBB2_3-.Ltmp4, $4  }
0x25: {  	_ = 	snop  }
0x26: {  	s23 =	sadd.s32 s5, s20  }
0x27: {  	s31 =	sshll.u32 s23, $0x10;
	s21 =	sshll.u32 s21, $0x7  }
0x28: {  	s23 =	sshll.u32 s23, $0xD;
	s22 =	sand.u32 $0x7FF00000, s31;
	s24 =	sadd.s32 s4, s21  }
0x29: {  	_ =	swait.ge [sflag:s12], $0x400  }
0x2a: {  	s23 =	sand.u32 $0x1E000, s23;
	[sflag:s12] =	ssyncset.done $0x0  }
0x2b: {  	s21 =	simm.s32 $0x0;
	s22 =	sor.u32 s23, s22;
	[sflag:s12] =	ssyncadd.s32 $0xFFFFFC00  }
0x2c: {  	[tilespmem:s11], [sflag:$0x1] =	stream.linear.gather [hbm4b:s24+s21], $0x400, $0x38;
	[tilespmem:$0x6800] =	vst v63  }
.LBB2_10:
0x2d: {  	s23 =	sor.u32 s20, s21  }
0x2e: {  	p0 =	seq.s32 s23, $0x0  }
0x2f: {  	s23 =	simm.s32 @!p0 $0x3  }
0x30: {  	_ =	swait.ge @!p0 [sflag:s23], $0x2000  }
0x31: {  	[sflag:s23] =	ssyncset.done @!p0 $0x0  }
0x32: {  	s30 =	simm.s32 $0x2440;
	[sflag:s23] =	ssyncadd.s32 @!p0 $0xFFFFE000  }
0x33: {  	v1 =	vld [tilespmem:s30+$0x30]  }
0x34: {  	v2 =	vld [tilespmem:s30+$0xFFFFFFD0]  }
0x35: {  	v3 =	vld [tilespmem:s30+$0xFFFFFFE0]  }
0x36: {  	v4 =	vld [tilespmem:s30+$0xFFFFFFF0]  }
0x37: {  	s24 =	sshll.u32 s21, $0xB;
	v10 =	vld [tilespmem:s30+$0x10]  }
0x38: {  	v0 =	vmov s24;
	v5 =	vld [tilespmem:s30+$0x0]  }
0x39: {  	v9 =	vld [tilespmem:s30+$0xFFFFFFC0];
	v6 =	vadd.s32 v0, v1  }
0x3a: {  	v12 =	vld [tilespmem:s30+$0x20];
	v7 =	vadd.s32 v0, v2  }
0x3b: {  	s31 =	simm.s32 $0x24C0;
	v11 =	vadd.s32 v0, v3  }
0x3c: {  	v51 =	vld [tilespmem:s31+$0x0];
	v22 =	vadd.s32 v0, v10  }
0x3d: {  	v52 =	vld [tilespmem:s31+$0x10];
	v13 =	vadd.s32 v0, v4;
	v1 =	vand.u32 $0x7, v1;
	v14 =	vadd.s32 v0, v5  }
0x3e: {  	v3 =	vand.u32 $0x7, v3;
	v19 =	vadd.s32 v0, v9;
	v20 =	vand.u32 $0x7, v4;
	v15 =	vld.idx.msk [tilespmem:v6+s3+$0x0], $0xffff  }
0x3f: {  	v23 =	vand.u32 $0x7, v5;
	v24 =	vadd.s32 v0, v12;
	v5 =	vand.u32 $0x7, v9;
	v18 =	vld.idx.msk [tilespmem:v7+s3+$0x0], $0xffff  }
0x40: {  	v12 =	vand.u32 $0x7, v12;
	v8 =	vand.u32 $0xFFFFFFF8, v6;
	v17 =	vand.u32 $0xFFFFFFF8, v11;
	v11 =	vld.idx.msk [tilespmem:v11+s3+$0x0], $0xffff  }
0x41: {  	v8 =	vor.u32 v1, v8;
	v1 =	vand.u32 $0x7, v2;
	v2 =	vand.u32 $0xFFFFFFF8, v7;
	v56 =	vld.idx.msk [tilespmem:v22+s3+$0x0], $0xffff  }
0x42: {  	v21 =	vand.u32 $0xFFFFFFF8, v13;
	v16 =	vadd.s32 $0x80, v8;
	v13 =	vld.idx.msk [tilespmem:v13+s3+$0x0], $0xffff;
	v6 =	vor.u32 v1, v2  }
0x43: {  	s23 =	simm.s32 $0x2A00;
	v4 =	vor.u32 v3, v17;
	v2 =	vand.u32 $0xFFFFFFF8, v19;
	v54 =	vld.idx.msk [tilespmem:v19+s3+$0x0], $0xffff;
	v3 =	vadd.s32 $0x80, v6  }
0x44: {  	v9 =	vadd.s32 $0x80, v4;
	v1 =	vand.u32 $0xFFFFFFF8, v14;
	v14 =	vld.idx.msk [tilespmem:v14+s3+$0x0], $0xffff;
	v7 =	vor.u32 v5, v2;
	[tilespmem:s23+$0xFFFFFE70] =	vst v15  }
0x45: {  	v5 =	vor.u32 v20, v21;
	v2 =	vand.u32 $0x7, v10;
	v10 =	vld.idx.msk [tilespmem:v24+s3+$0x0], $0xffff;
	v57 =	vadd.s32 $0x80, v7;
	[tilespmem:s23+$0xFFFFFE10] =	vst v18  }
0x46: {  	v53 =	vand.u32 $0xFFFFFFF8, v22;
	v1 =	vor.u32 v23, v1;
	v58 =	vadd.s32 $0x80, v5;
	[tilespmem:s23+$0xFFFFFE50] =	vst v56;
	v56 =	vld [tilespmem:s31+$0xFFFFFFC0]  }
0x47: {  	v25 =	vand.u32 $0xFFFFFFF8, v24;
	v2 =	vor.u32 v2, v53;
	[tilespmem:s23+$0xFFFFFE20] =	vst v11;
	v11 =	vadd.s32 $0x80, v1;
	v15 =	vld.idx.msk [tilespmem:v16+s3+$0x0], $0xffff  }
0x48: {  	[tilespmem:s23+$0xFFFFFE00] =	vst v54;
	v59 =	vld.idx.msk [tilespmem:v3+s3+$0x0], $0xffff;
	v3 =	vor.u32 v12, v25;
	v12 =	vadd.s32 $0x80, v2  }
0x49: {  	v55 =	vadd.s32 $0x100, v8;
	[tilespmem:s23+$0xFFFFFE30] =	vst v13;
	v9 =	vld.idx.msk [tilespmem:v9+s3+$0x0], $0xffff  }
0x4a: {  	v13 =	vadd.s32 $0x100, v6;
	[tilespmem:s23+$0xFFFFFE40] =	vst v14;
	v61 =	vld.idx.msk [tilespmem:v57+s3+$0x0], $0xffff  }
0x4b: {  	v24 =	vadd.s32 $0x100, v4;
	[tilespmem:s23+$0xFFFFFE60] =	vst v10;
	v14 =	vld.idx.msk [tilespmem:v58+s3+$0x0], $0xffff  }
0x4c: {  	v63 =	vadd.s32 $0x100, v7;
	v11 =	vld.idx.msk [tilespmem:v11+s3+$0x0], $0xffff;
	[tilespmem:s23+$0xFFFFFEF0] =	vst v15  }
0x4d: {  	v10 =	vld.idx.msk [tilespmem:v12+s3+$0x0], $0xffff;
	[tilespmem:s23+$0xFFFFFE90] =	vst v59  }
0x4e: {  	v15 =	vadd.s32 $0x80, v3;
	[tilespmem:s23+$0xFFFFFEA0] =	vst v9;
	v60 =	vld.idx.msk [tilespmem:v55+s3+$0x0], $0xffff  }
0x4f: {  	v12 =	vadd.s32 $0x100, v5;
	v13 =	vld.idx.msk [tilespmem:v13+s3+$0x0], $0xffff;
	[tilespmem:s23+$0xFFFFFE80] =	vst v61  }
0x50: {  	v25 =	vadd.s32 $0x100, v1;
	[tilespmem:s23+$0xFFFFFEB0] =	vst v14;
	v14 =	vld.idx.msk [tilespmem:v24+s3+$0x0], $0xffff  }
0x51: {  	v62 =	vadd.s32 $0x180, v8;
	v9 =	vld.idx.msk [tilespmem:v63+s3+$0x0], $0xffff  }
0x52: {  	v29 =	vadd.s32 $0x180, v7;
	v55 =	vld [tilespmem:s31+$0x20];
	[tilespmem:s23+$0xFFFFFEC0] =	vst v11  }
0x53: {  	v26 =	vadd.s32 $0x100, v2;
	v15 =	vld.idx.msk [tilespmem:v15+s3+$0x0], $0xffff;
	[tilespmem:s23+$0xFFFFFED0] =	vst v10  }
0x54: {  	v11 =	vld.idx.msk [tilespmem:v12+s3+$0x0], $0xffff;
	v12 =	vadd.s32 $0x180, v6;
	[tilespmem:s23+$0xFFFFFF70] =	vst v60  }
0x55: {  	v30 =	vadd.s32 $0x180, v4;
	v10 =	vld.idx.msk [tilespmem:v25+s3+$0x0], $0xffff;
	[tilespmem:s23+$0xFFFFFF10] =	vst v13  }
0x56: {  	v27 =	vadd.s32 $0x100, v3;
	v18 =	vld.idx.msk [tilespmem:v62+s3+$0x0], $0xffff;
	[tilespmem:s23+$0xFFFFFF00] =	vst v9  }
0x57: {  	v31 =	vadd.s32 $0x180, v5;
	[tilespmem:s23+$0xFFFFFF20] =	vst v14;
	v13 =	vld.idx.msk [tilespmem:v29+s3+$0x0], $0xffff  }
0x58: {  	v28 =	vadd.s32 $0x200, v8;
	[tilespmem:s23+$0xFFFFFEE0] =	vst v15;
	v15 =	vld.idx.msk [tilespmem:v26+s3+$0x0], $0xffff  }
0x59: {  	v32 =	vadd.s32 $0x180, v1;
	v12 =	vld.idx.msk [tilespmem:v12+s3+$0x0], $0xffff;
	[tilespmem:s23+$0xFFFFFF30] =	vst v11  }
0x5a: {  	v35 =	vadd.s32 $0x200, v7;
	v11 =	vld.idx.msk [tilespmem:v30+s3+$0x0], $0xffff;
	[tilespmem:s23+$0xFFFFFF40] =	vst v10  }
0x5b: {  	v33 =	vadd.s32 $0x180, v2;
	v19 =	vld.idx.msk [tilespmem:v27+s3+$0x0], $0xffff;
	[tilespmem:s23+$0xFFFFFFF0] =	vst v18  }
0x5c: {  	v36 =	vadd.s32 $0x200, v6;
	v10 =	vld.idx.msk [tilespmem:v31+s3+$0x0], $0xffff;
	[tilespmem:s23+$0xFFFFFF80] =	vst v13  }
0x5d: {  	v34 =	vadd.s32 $0x180, v3;
	v9 =	vld.idx.msk [tilespmem:v28+s3+$0x0], $0xffff;
	[tilespmem:s23+$0xFFFFFF50] =	vst v15  }
0x5e: {  	v14 =	vadd.s32 $0x280, v8;
	v15 =	vld.idx.msk [tilespmem:v32+s3+$0x0], $0xffff;
	[tilespmem:s23+$0xFFFFFF90] =	vst v12  }
0x5f: {  	v37 =	vadd.s32 $0x200, v4;
	v12 =	vld.idx.msk [tilespmem:v35+s3+$0x0], $0xffff;
	[tilespmem:s23+$0xFFFFFFA0] =	vst v11  }
0x60: {  	v38 =	vadd.s32 $0x200, v1;
	v20 =	vld.idx.msk [tilespmem:v33+s3+$0x0], $0xffff;
	[tilespmem:s23+$0xFFFFFF60] =	vst v19  }
0x61: {  	v42 =	vadd.s32 $0x280, v7;
	v11 =	vld.idx.msk [tilespmem:v36+s3+$0x0], $0xffff;
	[tilespmem:s23+$0xFFFFFFB0] =	vst v10  }
0x62: {  	v40 =	vadd.s32 $0x200, v2;
	v13 =	vld.idx.msk [tilespmem:v34+s3+$0x0], $0xffff;
	[tilespmem:s23+$0x70] =	vst v9  }
0x63: {  	v9 =	vadd.s32 $0x200, v5;
	v14 =	vld.idx.msk [tilespmem:v14+s3+$0x0], $0xffff;
	[tilespmem:s23+$0xFFFFFFC0] =	vst v15  }
0x64: {  	v41 =	vadd.s32 $0x200, v3;
	v10 =	vld.idx.msk [tilespmem:v37+s3+$0x0], $0xffff;
	[tilespmem:s23+$0x0] =	vst v12  }
0x65: {  	v39 =	vadd.s32 $0x300, v8;
	v19 =	vld.idx.msk [tilespmem:v38+s3+$0x0], $0xffff;
	[tilespmem:s23+$0xFFFFFFD0] =	vst v20  }
0x66: {  	v15 =	vadd.s32 $0x280, v6;
	[tilespmem:s23+$0x10] =	vst v11;
	v11 =	vld.idx.msk [tilespmem:v42+s3+$0x0], $0xffff  }
0x67: {  	v44 =	vadd.s32 $0x280, v1;
	[tilespmem:s23+$0xFFFFFFE0] =	vst v13;
	v13 =	vld.idx.msk [tilespmem:v40+s3+$0x0], $0xffff  }
0x68: {  	v9 =	vld.idx.msk [tilespmem:v9+s3+$0x0], $0xffff;
	[tilespmem:s23+$0xF0] =	vst v14;
	v14 =	vadd.s32 $0x280, v4  }
0x69: {  	v45 =	vadd.s32 $0x280, v2;
	v12 =	vld.idx.msk [tilespmem:v41+s3+$0x0], $0xffff  }
0x6a: {  	v43 =	vadd.s32 $0x280, v5;
	[tilespmem:s23+$0x20] =	vst v10;
	v16 =	vld.idx.msk [tilespmem:v39+s3+$0x0], $0xffff  }
0x6b: {  	v10 =	vld.idx.msk [tilespmem:v15+s3+$0x0], $0xffff;
	v15 =	vadd.s32 $0x280, v3;
	[tilespmem:s23+$0x40] =	vst v19  }
0x6c: {  	v8 =	vadd.s32 $0x380, v8;
	[tilespmem:s23+$0x50] =	vst v13;
	v13 =	vld.idx.msk [tilespmem:v44+s3+$0x0], $0xffff  }
0x6d: {  	[tilespmem:s23+$0x30] =	vst v9;
	v9 =	vld.idx.msk [tilespmem:v14+s3+$0x0], $0xffff;
	v14 =	vadd.s32 $0x300, v7  }
0x6e: {  	v46 =	vadd.s32 $0x300, v6;
	[tilespmem:s23+$0x60] =	vst v12;
	v12 =	vld.idx.msk [tilespmem:v45+s3+$0x0], $0xffff  }
0x6f: {  	v47 =	vadd.s32 $0x300, v4;
	[tilespmem:s23+$0x80] =	vst v11;
	v20 =	vld.idx.msk [tilespmem:v43+s3+$0x0], $0xffff  }
0x70: {  	v48 =	vadd.s32 $0x300, v5;
	[tilespmem:s23+$0x170] =	vst v16;
	v11 =	vld.idx.msk [tilespmem:v15+s3+$0x0], $0xffff  }
0x71: {  	v15 =	vadd.s32 $0x300, v2;
	v8 =	vld.idx.msk [tilespmem:v8+s3+$0x0], $0xffff  }
0x72: {  	[tilespmem:s23+$0x90] =	vst v10;
	v10 =	vld.idx.msk [tilespmem:v14+s3+$0x0], $0xffff  }
0x73: {  	[tilespmem:s23+$0xA0] =	vst v9;
	v9 =	vld.idx.msk [tilespmem:v46+s3+$0x0], $0xffff  }
0x74: {  	v14 =	vadd.s32 $0x300, v3;
	[tilespmem:s23+$0xB0] =	vst v20;
	v50 =	vld.idx.msk [tilespmem:v47+s3+$0x0], $0xffff  }
0x75: {  	[tilespmem:s23+$0xD0] =	vst v12;
	v17 =	vld.idx.msk [tilespmem:v48+s3+$0x0], $0xffff  }
0x76: {  	v6 =	vadd.s32 $0x380, v6;
	v12 =	vld.idx.msk [tilespmem:v15+s3+$0x0], $0xffff  }
0x77: {  	[tilespmem:s23+$0xE0] =	vst v11;
	v11 =	vld [tilespmem:s31+$0xFFFFFFD0]  }
0x78: {  	v7 =	vadd.s32 $0x380, v7;
	v15 =	vld [tilespmem:s31+$0xFFFFFFF0]  }
0x79: {  	v60 =	vadd.s32 v0, v55;
	[tilespmem:s23+$0x100] =	vst v10;
	v10 =	vld.idx.msk [tilespmem:v14+s3+$0x0], $0xffff  }
0x7a: {  	v4 =	vadd.s32 $0x380, v4;
	[tilespmem:s23+$0x110] =	vst v9;
	v14 =	vld [tilespmem:s31+$0xFFFFFFE0]  }
0x7b: {  	v49 =	vadd.s32 $0x300, v1;
	v9 =	vld.idx.msk [tilespmem:v6+s3+$0x0], $0xffff  }
0x7c: {  	v5 =	vadd.s32 $0x380, v5;
	v6 =	vld [tilespmem:s31+$0x30]  }
0x7d: {  	[tilespmem:s23+$0xC0] =	vst v13;
	v7 =	vld.idx.msk [tilespmem:v7+s3+$0x0], $0xffff;
	v54 =	vadd.s32 v0, v11  }
0x7e: {  	v63 =	vld.idx.msk [tilespmem:v60+s3+$0x0], $0xffff;
	[tilespmem:s23+$0x120] =	vst v50;
	v58 =	vadd.s32 v0, v15  }
0x7f: {  	[tilespmem:s23+$0x1F0] =	vst v8;
	v8 =	vadd.s32 v0, v51;
	v4 =	vld.idx.msk [tilespmem:v4+s3+$0x0], $0xffff  }
0x80: {  	v26 =	vadd.s32 $0x380, v2;
	v28 =	vadd.s32 $0x380, v3;
	v13 =	vld.idx.msk [tilespmem:v49+s3+$0x0], $0xffff;
	[tilespmem:s23+$0x130] =	vst v17;
	v57 =	vadd.s32 v0, v14  }
0x81: {  	[tilespmem:s23+$0x150] =	vst v12;
	v2 =	vand.u32 $0x7, v11;
	v59 =	vld.idx.msk [tilespmem:v5+s3+$0x0], $0xffff;
	v3 =	vand.u32 $0xFFFFFFF8, v54;
	v53 =	vadd.s32 v0, v6  }
0x82: {  	v15 =	vand.u32 $0x7, v15;
	v5 =	vadd.s32 v0, v52;
	v3 =	vor.u32 v2, v3;
	v12 =	vld.idx.msk [tilespmem:v54+s3+$0x0], $0xffff;
	[tilespmem:s23+$0x180] =	vst v7  }
0x83: {  	v11 =	vand.u32 $0x7, v14;
	v6 =	vand.u32 $0x7, v6;
	v7 =	vadd.s32 v0, v56;
	v27 =	vld.idx.msk [tilespmem:v58+s3+$0x0], $0xffff;
	[tilespmem:s23+$0x190] =	vst v9  }
0x84: {  	v9 =	vld.idx.msk [tilespmem:v8+s3+$0x0], $0xffff;
	v14 =	vand.u32 $0xFFFFFFF8, v57;
	v20 =	vand.u32 $0xFFFFFFF8, v53;
	[tilespmem:s23+$0x1A0] =	vst v4;
	v4 =	vand.u32 $0xFFFFFFF8, v58  }
0x85: {  	[tilespmem:s23+$0x160] =	vst v10;
	v2 =	vor.u32 v11, v14;
	v11 =	vadd.s32 $0x80, v3;
	v4 =	vor.u32 v15, v4;
	v10 =	vld.idx.msk [tilespmem:v57+s3+$0x0], $0xffff  }
0x86: {  	s24 =	simm.s32 $0x2E00;
	[tilespmem:s23+$0x140] =	vst v13;
	v6 =	vor.u32 v6, v20;
	v33 =	vadd.s32 $0x80, v4;
	v13 =	vld.idx.msk [tilespmem:v53+s3+$0x0], $0xffff  }
0x87: {  	v32 =	vld.idx.msk [tilespmem:v26+s3+$0x0], $0xffff;
	v20 =	vadd.s32 $0x80, v6;
	[tilespmem:s24+$0xFFFFFE10] =	vst v12  }
0x88: {  	v61 =	vld.idx.msk [tilespmem:v5+s3+$0x0], $0xffff;
	v29 =	vadd.s32 $0x80, v2;
	[tilespmem:s24+$0xFFFFFE30] =	vst v27  }
0x89: {  	v1 =	vadd.s32 $0x380, v1;
	v62 =	vand.u32 $0x7, v51;
	v30 =	vld.idx.msk [tilespmem:v7+s3+$0x0], $0xffff;
	[tilespmem:s24+$0xFFFFFE40] =	vst v9  }
0x8a: {  	v8 =	vand.u32 $0xFFFFFFF8, v8;
	v9 =	vand.u32 $0x7, v52;
	v11 =	vld.idx.msk [tilespmem:v11+s3+$0x0], $0xffff;
	[tilespmem:s24+$0xFFFFFE20] =	vst v10;
	v10 =	vand.u32 $0xFFFFFFF8, v5  }
0x8b: {  	v36 =	vadd.s32 $0x100, v3;
	v17 =	vld.idx.msk [tilespmem:v33+s3+$0x0], $0xffff;
	v5 =	vor.u32 v62, v8;
	[tilespmem:s24+$0xFFFFFE70] =	vst v13;
	v8 =	vor.u32 v9, v10  }
0x8c: {  	[tilespmem:s24+$0xFFFFFE60] =	vst v63;
	v14 =	vand.u32 $0x7, v56;
	v13 =	vand.u32 $0xFFFFFFF8, v7;
	v12 =	vld.idx.msk [tilespmem:v20+s3+$0x0], $0xffff;
	v35 =	vadd.s32 $0x80, v8  }
0x8d: {  	[tilespmem:s23+$0x1B0] =	vst v59;
	v16 =	vld.idx.msk [tilespmem:v29+s3+$0x0], $0xffff;
	v7 =	vor.u32 v14, v13;
	v13 =	vadd.s32 $0x100, v6  }
0x8e: {  	[tilespmem:s24+$0xFFFFFE50] =	vst v61;
	v14 =	vld.idx.msk [tilespmem:v1+s3+$0x0], $0xffff;
	v15 =	vadd.s32 $0x80, v7  }
0x8f: {  	v39 =	vadd.s32 $0x100, v4;
	v1 =	vld.idx.msk [tilespmem:v28+s3+$0x0], $0xffff;
	[tilespmem:s24+$0xFFFFFE90] =	vst v11  }
0x90: {  	v31 =	vand.u32 $0xFFFFFFF8, v60;
	v34 =	vand.u32 $0x7, v55;
	v10 =	vadd.s32 $0x80, v5;
	[tilespmem:s24+$0xFFFFFE00] =	vst v30;
	v19 =	vld.idx.msk [tilespmem:v36+s3+$0x0], $0xffff  }
0x91: {  	v38 =	vadd.s32 $0x100, v2;
	v9 =	vor.u32 v34, v31;
	[tilespmem:s24+$0xFFFFFEF0] =	vst v12;
	v11 =	vld.idx.msk [tilespmem:v35+s3+$0x0], $0xffff  }
0x92: {  	[tilespmem:s24+$0xFFFFFEB0] =	vst v17;
	v12 =	vadd.s32 $0x80, v9;
	v13 =	vld.idx.msk [tilespmem:v13+s3+$0x0], $0xffff  }
0x93: {  	v37 =	vadd.s32 $0x180, v6;
	[tilespmem:s24+$0xFFFFFEA0] =	vst v16;
	v15 =	vld.idx.msk [tilespmem:v15+s3+$0x0], $0xffff  }
0x94: {  	v18 =	vld.idx.msk [tilespmem:v39+s3+$0x0], $0xffff;
	[tilespmem:s23+$0x1C0] =	vst v14;
	v14 =	vadd.s32 $0x100, v7  }
0x95: {  	v44 =	vadd.s32 $0x180, v4;
	v10 =	vld.idx.msk [tilespmem:v10+s3+$0x0], $0xffff;
	[tilespmem:s24+$0xFFFFFF10] =	vst v19  }
0x96: {  	v40 =	vadd.s32 $0x100, v5;
	v42 =	vld.idx.msk [tilespmem:v38+s3+$0x0], $0xffff;
	[tilespmem:s24+$0xFFFFFED0] =	vst v11  }
0x97: {  	v12 =	vld.idx.msk [tilespmem:v12+s3+$0x0], $0xffff;
	v11 =	vadd.s32 $0x180, v3;
	[tilespmem:s24+$0xFFFFFF70] =	vst v13  }
0x98: {  	v13 =	vadd.s32 $0x100, v8;
	[tilespmem:s24+$0xFFFFFE80] =	vst v15;
	v15 =	vld.idx.msk [tilespmem:v37+s3+$0x0], $0xffff  }
0x99: {  	v41 =	vadd.s32 $0x100, v9;
	[tilespmem:s24+$0xFFFFFF30] =	vst v18;
	v14 =	vld.idx.msk [tilespmem:v14+s3+$0x0], $0xffff  }
0x9a: {  	[tilespmem:s24+$0xFFFFFEC0] =	vst v10;
	v10 =	vadd.s32 $0x200, v6;
	v19 =	vld.idx.msk [tilespmem:v44+s3+$0x0], $0xffff  }
0x9b: {  	[tilespmem:s23+$0x1D0] =	vst v32;
	v43 =	vadd.s32 $0x180, v7;
	v16 =	vld.idx.msk [tilespmem:v40+s3+$0x0], $0xffff  }
0x9c: {  	[tilespmem:s24+$0xFFFFFEE0] =	vst v12;
	v12 =	vadd.s32 $0x180, v2;
	v11 =	vld.idx.msk [tilespmem:v11+s3+$0x0], $0xffff  }
0x9d: {  	v13 =	vld.idx.msk [tilespmem:v13+s3+$0x0], $0xffff;
	[tilespmem:s24+$0xFFFFFFF0] =	vst v15;
	v15 =	vadd.s32 $0x180, v5  }
0x9e: {  	v20 =	vld.idx.msk [tilespmem:v41+s3+$0x0], $0xffff;
	[tilespmem:s24+$0xFFFFFF00] =	vst v14;
	v14 =	vadd.s32 $0x180, v8  }
0x9f: {  	v46 =	vadd.s32 $0x180, v9;
	[tilespmem:s24+$0xFFFFFF20] =	vst v42;
	v10 =	vld.idx.msk [tilespmem:v10+s3+$0x0], $0xffff  }
0xa0: {  	v45 =	vadd.s32 $0x280, v6;
	[tilespmem:s24+$0xFFFFFF40] =	vst v16;
	v21 =	vld.idx.msk [tilespmem:v43+s3+$0x0], $0xffff  }
0xa1: {  	v47 =	vadd.s32 $0x200, v7;
	v12 =	vld.idx.msk [tilespmem:v12+s3+$0x0], $0xffff;
	[tilespmem:s24+$0xFFFFFF90] =	vst v11  }
0xa2: {  	[tilespmem:s24+$0xFFFFFF50] =	vst v13;
	v13 =	vadd.s32 $0x200, v3;
	v15 =	vld.idx.msk [tilespmem:v15+s3+$0x0], $0xffff  }
0xa3: {  	v48 =	vadd.s32 $0x200, v2;
	[tilespmem:s24+$0xFFFFFF60] =	vst v20;
	v14 =	vld.idx.msk [tilespmem:v14+s3+$0x0], $0xffff  }
0xa4: {  	v11 =	vld.idx.msk [tilespmem:v46+s3+$0x0], $0xffff;
	[tilespmem:s24+$0x70] =	vst v10;
	v10 =	vadd.s32 $0x200, v4  }
0xa5: {  	v49 =	vadd.s32 $0x200, v5;
	[tilespmem:s24+$0xFFFFFF80] =	vst v21;
	v17 =	vld.idx.msk [tilespmem:v45+s3+$0x0], $0xffff  }
0xa6: {  	v50 =	vadd.s32 $0x200, v8;
	[tilespmem:s24+$0xFFFFFFB0] =	vst v19;
	v16 =	vld.idx.msk [tilespmem:v47+s3+$0x0], $0xffff  }
0xa7: {  	[tilespmem:s24+$0xFFFFFFA0] =	vst v12;
	v12 =	vadd.s32 $0x300, v6;
	v13 =	vld.idx.msk [tilespmem:v13+s3+$0x0], $0xffff  }
0xa8: {  	v51 =	vadd.s32 $0x200, v9;
	v20 =	vld.idx.msk [tilespmem:v48+s3+$0x0], $0xffff;
	[tilespmem:s24+$0xFFFFFFC0] =	vst v15  }
0xa9: {  	v15 =	vadd.s32 $0x280, v7;
	[tilespmem:s24+$0xFFFFFFD0] =	vst v14;
	v10 =	vld.idx.msk [tilespmem:v10+s3+$0x0], $0xffff  }
0xaa: {  	v14 =	vadd.s32 $0x280, v3;
	[tilespmem:s24+$0xFFFFFFE0] =	vst v11;
	v21 =	vld.idx.msk [tilespmem:v49+s3+$0x0], $0xffff  }
0xab: {  	v52 =	vadd.s32 $0x280, v2;
	v53 =	vld.idx.msk [tilespmem:v50+s3+$0x0], $0xffff;
	[tilespmem:s24+$0xF0] =	vst v17  }
0xac: {  	v54 =	vadd.s32 $0x280, v5;
	[tilespmem:s24+$0x0] =	vst v16;
	v11 =	vld.idx.msk [tilespmem:v12+s3+$0x0], $0xffff  }
0xad: {  	v12 =	vadd.s32 $0x280, v4;
	[tilespmem:s24+$0x10] =	vst v13;
	v13 =	vld.idx.msk [tilespmem:v51+s3+$0x0], $0xffff  }
0xae: {  	v6 =	vadd.s32 $0x380, v6;
	[tilespmem:s24+$0x20] =	vst v20;
	v15 =	vld.idx.msk [tilespmem:v15+s3+$0x0], $0xffff  }
0xaf: {  	v55 =	vadd.s32 $0x280, v8;
	v14 =	vld.idx.msk [tilespmem:v14+s3+$0x0], $0xffff;
	[tilespmem:s24+$0x30] =	vst v10  }
0xb0: {  	v17 =	vld.idx.msk [tilespmem:v52+s3+$0x0], $0xffff;
	v10 =	vadd.s32 $0x280, v9;
	[tilespmem:s24+$0x40] =	vst v21  }
0xb1: {  	v56 =	vadd.s32 $0x300, v7;
	[tilespmem:s24+$0x50] =	vst v53;
	v18 =	vld.idx.msk [tilespmem:v54+s3+$0x0], $0xffff  }
0xb2: {  	v57 =	vadd.s32 $0x300, v2;
	v12 =	vld.idx.msk [tilespmem:v12+s3+$0x0], $0xffff;
	[tilespmem:s24+$0x170] =	vst v11  }
0xb3: {  	v11 =	vadd.s32 $0x300, v3;
	v6 =	vld.idx.msk [tilespmem:v6+s3+$0x0], $0xffff;
	[tilespmem:s24+$0x60] =	vst v13  }
0xb4: {  	v58 =	vadd.s32 $0x300, v5;
	[tilespmem:s24+$0x80] =	vst v15;
	v15 =	vld.idx.msk [tilespmem:v55+s3+$0x0], $0xffff  }
0xb5: {  	v13 =	vadd.s32 $0x300, v4;
	[tilespmem:s24+$0x90] =	vst v14;
	v14 =	vld.idx.msk [tilespmem:v10+s3+$0x0], $0xffff  }
0xb6: {  	v59 =	vadd.s32 $0x300, v8;
	[tilespmem:s24+$0xA0] =	vst v17;
	v20 =	vld.idx.msk [tilespmem:v56+s3+$0x0], $0xffff  }
0xb7: {  	v60 =	vadd.s32 $0x300, v9;
	v16 =	vld.idx.msk [tilespmem:v57+s3+$0x0], $0xffff;
	[tilespmem:s24+$0xC0] =	vst v18  }
0xb8: {  	v62 =	vadd.s32 $0x380, v7;
	v61 =	vld.idx.msk [tilespmem:v11+s3+$0x0], $0xffff;
	[tilespmem:s24+$0xB0] =	vst v12  }
0xb9: {  	v63 =	vadd.s32 $0x380, v3;
	v11 =	vld.idx.msk [tilespmem:v58+s3+$0x0], $0xffff;
	[tilespmem:s24+$0x1F0] =	vst v6  }
0xba: {  	v10 =	vld.idx.msk [tilespmem:v13+s3+$0x0], $0xffff;
	[tilespmem:s24+$0xD0] =	vst v15  }
0xbb: {  	v12 =	vld.idx.msk [tilespmem:v59+s3+$0x0], $0xffff;
	[tilespmem:s24+$0xE0] =	vst v14  }
0xbc: {  	[tilespmem:s24+$0x100] =	vst v20;
	v13 =	vld.idx.msk [tilespmem:v60+s3+$0x0], $0xffff  }
0xbd: {  	v7 =	vadd.s32 $0x380, v2;
	v2 =	vadd.s32 $0x380, v9;
	v14 =	vld.idx.msk [tilespmem:v62+s3+$0x0], $0xffff;
	[tilespmem:s24+$0x110] =	vst v61  }
0xbe: {  	s25 =	sshll.u32 s21, $0x1;
	s26 =	simm.s32 $0x8;
	s28 =	simm.s32 $0x2540;
	v3 =	vadd.s32 $0x380, v8;
	v6 =	vadd.s32 $0x380, v4;
	v4 =	vadd.s32 $0x380, v5;
	[tilespmem:s24+$0x120] =	vst v16;
	v5 =	vld.idx.msk [tilespmem:v63+s3+$0x0], $0xffff  }
.LBB2_11:
0xbf: {  	v8 =	vld [tilespmem:s28+$0x30];
	s26 =	sadd.s32 $0x8, s26;
	[tilespmem:s24+$0x130] =	vst v10  }
0xc0: {  	v9 =	vld [tilespmem:s28+$0xFFFFFFD0];
	p1 =	slt.u32 s26, $0x38;
	[tilespmem:s24+$0x140] =	vst v11  }
0xc1: {  	v10 =	vld [tilespmem:s28+$0xFFFFFFE0];
	[tilespmem:s24+$0x150] =	vst v12  }
0xc2: {  	v11 =	vld [tilespmem:s28+$0xFFFFFFF0];
	[tilespmem:s24+$0x160] =	vst v13  }
0xc3: {  	v12 =	vld [tilespmem:s28+$0x0];
	[tilespmem:s24+$0x180] =	vst v14  }
0xc4: {  	v13 =	vld [tilespmem:s28+$0x10];
	v14 =	vadd.s32 v0, v8;
	[tilespmem:s24+$0x190] =	vst v5  }
0xc5: {  	v5 =	vadd.s32 v0, v9;
	v9 =	vand.u32 $0x7, v9;
	v15 =	vld [tilespmem:s28+$0x20];
	[tilespmem:s23+$0x1E0] =	vst v1;
	s23 =	smov.u32 s24  }
0xc6: {  	v1 =	vld [tilespmem:s28+$0xFFFFFFC0];
	v16 =	vand.u32 $0xFFFFFFF8, v5;
	v17 =	vadd.s32 v0, v10;
	v10 =	vand.u32 $0x7, v10  }
0xc7: {  	v18 =	vand.u32 $0xFFFFFFF8, v17;
	v19 =	vadd.s32 v0, v11;
	v11 =	vand.u32 $0x7, v11;
	v7 =	vld.idx.msk [tilespmem:v7+s3+$0x0], $0xffff  }
0xc8: {  	v20 =	vand.u32 $0xFFFFFFF8, v19;
	v21 =	vadd.s32 v0, v12;
	v12 =	vand.u32 $0x7, v12;
	v6 =	vld.idx.msk [tilespmem:v6+s3+$0x0], $0xffff  }
0xc9: {  	v8 =	vand.u32 $0x7, v8;
	v22 =	vadd.s32 v0, v13;
	v23 =	vld.idx.msk [tilespmem:v14+s3+$0x0], $0xffff;
	v14 =	vand.u32 $0xFFFFFFF8, v14  }
0xca: {  	v25 =	vand.u32 $0xFFFFFFF8, v21;
	v24 =	vld.idx.msk [tilespmem:v5+s3+$0x0], $0xffff;
	v26 =	vadd.s32 v0, v15;
	v5 =	vor.u32 v8, v14  }
0xcb: {  	v8 =	vadd.s32 v0, v1;
	v14 =	vld.idx.msk [tilespmem:v17+s3+$0x0], $0xffff;
	v17 =	vand.u32 $0xFFFFFFF8, v22;
	v27 =	vadd.s32 $0x80, v5  }
0xcc: {  	v1 =	vand.u32 $0x7, v1;
	v29 =	vand.u32 $0xFFFFFFF8, v26;
	v28 =	vand.u32 $0xFFFFFFF8, v8;
	v19 =	vld.idx.msk [tilespmem:v19+s3+$0x0], $0xffff  }
0xcd: {  	v13 =	vand.u32 $0x7, v13;
	v15 =	vand.u32 $0x7, v15;
	v28 =	vor.u32 v1, v28;
	v1 =	vld.idx.msk [tilespmem:v21+s3+$0x0], $0xffff;
	[tilespmem:s24+$0x1A0] =	vst v7  }
0xce: {  	v7 =	vor.u32 v9, v16;
	v9 =	vor.u32 v10, v18;
	v10 =	vor.u32 v11, v20;
	s24 =	sadd.s32 $0x400, s24;
	v11 =	vld.idx.msk [tilespmem:v22+s3+$0x0], $0xffff  }
0xcf: {  	v12 =	vor.u32 v12, v25;
	v13 =	vor.u32 v13, v17;
	v16 =	vadd.s32 $0x80, v28;
	v17 =	vld.idx.msk [tilespmem:v26+s3+$0x0], $0xffff;
	[tilespmem:s24+$0xFFFFFE70] =	vst v23  }
0xd0: {  	v15 =	vor.u32 v15, v29;
	v18 =	vadd.s32 $0x80, v7;
	v20 =	vadd.s32 $0x80, v9;
	[tilespmem:s24+$0xFFFFFE10] =	vst v24;
	v21 =	vld.idx.msk [tilespmem:v27+s3+$0x0], $0xffff  }
0xd1: {  	v22 =	vadd.s32 $0x80, v12;
	v23 =	vadd.s32 $0x80, v13;
	v8 =	vld.idx.msk [tilespmem:v8+s3+$0x0], $0xffff;
	[tilespmem:s24+$0xFFFFFE20] =	vst v14;
	v14 =	vadd.s32 $0x80, v10  }
0xd2: {  	v25 =	vadd.s32 $0x100, v5;
	v24 =	vadd.s32 $0x100, v28;
	[tilespmem:s24+$0xFFFFFE30] =	vst v19;
	v19 =	vadd.s32 $0x80, v15;
	v4 =	vld.idx.msk [tilespmem:v4+s3+$0x0], $0xffff  }
0xd3: {  	v29 =	vadd.s32 $0x100, v10;
	v26 =	vadd.s32 $0x100, v7;
	v27 =	vadd.s32 $0x100, v9;
	[tilespmem:s24+$0xFFFFFE40] =	vst v1;
	v3 =	vld.idx.msk [tilespmem:v3+s3+$0x0], $0xffff  }
0xd4: {  	v30 =	vadd.s32 $0x100, v12;
	v31 =	vadd.s32 $0x100, v15;
	[tilespmem:s24+$0xFFFFFE50] =	vst v11;
	v11 =	vadd.s32 $0x100, v13;
	v1 =	vld.idx.msk [tilespmem:v2+s3+$0x0], $0xffff  }
0xd5: {  	v32 =	vadd.s32 $0x180, v28;
	v33 =	vadd.s32 $0x180, v9;
	v2 =	vld.idx.msk [tilespmem:v18+s3+$0x0], $0xffff;
	v18 =	vadd.s32 $0x180, v7;
	[tilespmem:s24+$0xFFFFFE60] =	vst v17  }
0xd6: {  	v34 =	vadd.s32 $0x180, v12;
	v35 =	vadd.s32 $0x180, v13;
	v17 =	vld.idx.msk [tilespmem:v20+s3+$0x0], $0xffff;
	v20 =	vadd.s32 $0x180, v10;
	[tilespmem:s24+$0xFFFFFEF0] =	vst v21  }
0xd7: {  	v37 =	vadd.s32 $0x180, v15;
	v36 =	vadd.s32 $0x200, v7;
	v21 =	vadd.s32 $0x200, v28;
	[tilespmem:s24+$0xFFFFFE00] =	vst v8;
	v8 =	vld.idx.msk [tilespmem:v25+s3+$0x0], $0xffff  }
0xd8: {  	v39 =	vadd.s32 $0x200, v12;
	v38 =	vadd.s32 $0x200, v10;
	v25 =	vadd.s32 $0x200, v9;
	v16 =	vld.idx.msk [tilespmem:v16+s3+$0x0], $0xffff;
	[tilespmem:s23+$0x1B0] =	vst v6  }
0xd9: {  	v41 =	vadd.s32 $0x180, v5;
	v40 =	vadd.s32 $0x200, v15;
	v6 =	vld.idx.msk [tilespmem:v14+s3+$0x0], $0xffff;
	v14 =	vadd.s32 $0x200, v13;
	[tilespmem:s23+$0x1C0] =	vst v4  }
0xda: {  	v42 =	vadd.s32 $0x280, v28;
	v43 =	vadd.s32 $0x280, v7;
	v44 =	vadd.s32 $0x280, v9;
	v4 =	vld.idx.msk [tilespmem:v22+s3+$0x0], $0xffff;
	[tilespmem:s23+$0x1D0] =	vst v3  }
0xdb: {  	v45 =	vadd.s32 $0x280, v12;
	v22 =	vadd.s32 $0x280, v10;
	[tilespmem:s24+$0xFFFFFE90] =	vst v2;
	v2 =	vld.idx.msk [tilespmem:v23+s3+$0x0], $0xffff;
	v23 =	vadd.s32 $0x280, v13  }
0xdc: {  	v46 =	vadd.s32 $0x300, v28;
	v47 =	vadd.s32 $0x300, v7;
	[tilespmem:s24+$0xFFFFFEA0] =	vst v17;
	v17 =	vld.idx.msk [tilespmem:v19+s3+$0x0], $0xffff;
	v19 =	vadd.s32 $0x280, v15  }
0xdd: {  	v50 =	vadd.s32 $0x300, v12;
	v48 =	vadd.s32 $0x300, v9;
	v49 =	vadd.s32 $0x300, v10;
	v26 =	vld.idx.msk [tilespmem:v26+s3+$0x0], $0xffff;
	[tilespmem:s24+$0xFFFFFF70] =	vst v8  }
0xde: {  	v8 =	vadd.s32 $0x380, v28;
	v28 =	vadd.s32 $0x300, v15;
	[tilespmem:s24+$0xFFFFFE80] =	vst v16;
	v16 =	vadd.s32 $0x300, v13;
	v41 =	vld.idx.msk [tilespmem:v41+s3+$0x0], $0xffff  }
0xdf: {  	v51 =	vadd.s32 $0x380, v7;
	v7 =	vadd.s32 $0x380, v9;
	v24 =	vld.idx.msk [tilespmem:v24+s3+$0x0], $0xffff;
	[tilespmem:s24+$0xFFFFFEB0] =	vst v6;
	v6 =	vadd.s32 $0x380, v10  }
0xe0: {  	v3 =	vadd.s32 $0x380, v13;
	v10 =	vadd.s32 $0x200, v5;
	v9 =	vld.idx.msk [tilespmem:v27+s3+$0x0], $0xffff;
	[tilespmem:s24+$0xFFFFFEC0] =	vst v4;
	v4 =	vadd.s32 $0x380, v12  }
0xe1: {  	v12 =	vld.idx.msk [tilespmem:v29+s3+$0x0], $0xffff;
	[tilespmem:s24+$0xFFFFFED0] =	vst v2;
	v2 =	vadd.s32 $0x380, v15  }
0xe2: {  	v13 =	vld.idx.msk [tilespmem:v30+s3+$0x0], $0xffff;
	[tilespmem:s24+$0xFFFFFEE0] =	vst v17  }
0xe3: {  	[tilespmem:s24+$0xFFFFFF10] =	vst v26;
	v11 =	vld.idx.msk [tilespmem:v11+s3+$0x0], $0xffff  }
0xe4: {  	v15 =	vld.idx.msk [tilespmem:v31+s3+$0x0], $0xffff;
	[tilespmem:s24+$0xFFFFFFF0] =	vst v41  }
0xe5: {  	[tilespmem:s24+$0xFFFFFF00] =	vst v24;
	v10 =	vld.idx.msk [tilespmem:v10+s3+$0x0], $0xffff  }
0xe6: {  	v17 =	vld.idx.msk [tilespmem:v32+s3+$0x0], $0xffff;
	[tilespmem:s24+$0xFFFFFF20] =	vst v9  }
0xe7: {  	v9 =	vld.idx.msk [tilespmem:v18+s3+$0x0], $0xffff;
	[tilespmem:s24+$0xFFFFFF30] =	vst v12;
	v12 =	vadd.s32 $0x280, v5  }
0xe8: {  	v18 =	vld.idx.msk [tilespmem:v33+s3+$0x0], $0xffff;
	[tilespmem:s24+$0xFFFFFF40] =	vst v13  }
0xe9: {  	v13 =	vld.idx.msk [tilespmem:v20+s3+$0x0], $0xffff;
	[tilespmem:s24+$0xFFFFFF50] =	vst v11  }
0xea: {  	v11 =	vld.idx.msk [tilespmem:v34+s3+$0x0], $0xffff;
	[tilespmem:s24+$0xFFFFFF60] =	vst v15  }
0xeb: {  	v15 =	vld.idx.msk [tilespmem:v35+s3+$0x0], $0xffff;
	[tilespmem:s24+$0x70] =	vst v10  }
0xec: {  	[tilespmem:s24+$0xFFFFFF80] =	vst v17;
	v10 =	vld.idx.msk [tilespmem:v12+s3+$0x0], $0xffff  }
0xed: {  	[tilespmem:s24+$0xFFFFFF90] =	vst v9;
	v9 =	vld.idx.msk [tilespmem:v37+s3+$0x0], $0xffff  }
0xee: {  	v17 =	vadd.s32 $0x300, v5;
	v12 =	vld.idx.msk [tilespmem:v21+s3+$0x0], $0xffff;
	[tilespmem:s24+$0xFFFFFFA0] =	vst v18  }
0xef: {  	v18 =	vld.idx.msk [tilespmem:v36+s3+$0x0], $0xffff;
	[tilespmem:s24+$0xFFFFFFB0] =	vst v13  }
0xf0: {  	v13 =	vld.idx.msk [tilespmem:v25+s3+$0x0], $0xffff;
	[tilespmem:s24+$0xFFFFFFC0] =	vst v11  }
0xf1: {  	v11 =	vld.idx.msk [tilespmem:v38+s3+$0x0], $0xffff;
	[tilespmem:s24+$0xFFFFFFD0] =	vst v15  }
0xf2: {  	v15 =	vld.idx.msk [tilespmem:v39+s3+$0x0], $0xffff;
	[tilespmem:s24+$0xF0] =	vst v10  }
0xf3: {  	[tilespmem:s24+$0xFFFFFFE0] =	vst v9;
	v9 =	vld.idx.msk [tilespmem:v17+s3+$0x0], $0xffff  }
0xf4: {  	[tilespmem:s24+$0x0] =	vst v12;
	v10 =	vld.idx.msk [tilespmem:v14+s3+$0x0], $0xffff  }
0xf5: {  	v5 =	vadd.s32 $0x380, v5;
	[tilespmem:s24+$0x10] =	vst v18;
	v12 =	vld.idx.msk [tilespmem:v40+s3+$0x0], $0xffff  }
0xf6: {  	v14 =	vld.idx.msk [tilespmem:v42+s3+$0x0], $0xffff;
	[tilespmem:s24+$0x20] =	vst v13  }
0xf7: {  	v13 =	vld.idx.msk [tilespmem:v43+s3+$0x0], $0xffff;
	[tilespmem:s24+$0x30] =	vst v11  }
0xf8: {  	v11 =	vld.idx.msk [tilespmem:v44+s3+$0x0], $0xffff;
	[tilespmem:s24+$0x40] =	vst v15  }
0xf9: {  	v15 =	vld.idx.msk [tilespmem:v22+s3+$0x0], $0xffff;
	[tilespmem:s24+$0x170] =	vst v9  }
0xfa: {  	[tilespmem:s24+$0x50] =	vst v10;
	v5 =	vld.idx.msk [tilespmem:v5+s3+$0x0], $0xffff  }
0xfb: {  	v9 =	vld.idx.msk [tilespmem:v45+s3+$0x0], $0xffff;
	[tilespmem:s24+$0x60] =	vst v12  }
0xfc: {  	[tilespmem:s24+$0x80] =	vst v14;
	v12 =	vld.idx.msk [tilespmem:v23+s3+$0x0], $0xffff  }
0xfd: {  	[tilespmem:s24+$0x90] =	vst v13;
	v13 =	vld.idx.msk [tilespmem:v19+s3+$0x0], $0xffff  }
0xfe: {  	v14 =	vld.idx.msk [tilespmem:v46+s3+$0x0], $0xffff;
	[tilespmem:s24+$0xA0] =	vst v11  }
0xff: {  	v17 =	vld.idx.msk [tilespmem:v47+s3+$0x0], $0xffff;
	[tilespmem:s24+$0xB0] =	vst v15  }
0x100: {  	v15 =	vld.idx.msk [tilespmem:v48+s3+$0x0], $0xffff;
	[tilespmem:s24+$0x1F0] =	vst v5  }
0x101: {  	v10 =	vld.idx.msk [tilespmem:v49+s3+$0x0], $0xffff;
	[tilespmem:s24+$0xC0] =	vst v9  }
.Ltmp5:
0x102: {  	v11 =	vld.idx.msk [tilespmem:v50+s3+$0x0], $0xffff;
	[tilespmem:s24+$0xD0] =	vst v12;
	(pc) =	sbr.rel @p1 .LBB2_11-.Ltmp5, $4  }
0x103: {  	v12 =	vld.idx.msk [tilespmem:v16+s3+$0x0], $0xffff;
	[tilespmem:s24+$0xE0] =	vst v13  }
0x104: {  	[tilespmem:s24+$0x100] =	vst v14;
	v13 =	vld.idx.msk [tilespmem:v28+s3+$0x0], $0xffff  }
0x105: {  	v14 =	vld.idx.msk [tilespmem:v8+s3+$0x0], $0xffff;
	[tilespmem:s24+$0x110] =	vst v17  }
0x106: {  	s28 =	sadd.s32 $0x80, s28;
	v5 =	vld.idx.msk [tilespmem:v51+s3+$0x0], $0xffff;
	[tilespmem:s24+$0x120] =	vst v15  }
0x107: {  	_ =	sdelay $0x1  }
0x108: {  	[tilespmem:s24+$0x130] =	vst v10  }
0x109: {  	[tilespmem:s24+$0x140] =	vst v11  }
0x10a: {  	v0 =	vld.idx.msk [tilespmem:v7+s3+$0x0], $0xffff;
	[tilespmem:s23+$0x1E0] =	vst v1  }
0x10b: {  	[tilespmem:s24+$0x150] =	vst v12;
	v6 =	vld.idx.msk [tilespmem:v6+s3+$0x0], $0xffff  }
0x10c: {  	v4 =	vld.idx.msk [tilespmem:v4+s3+$0x0], $0xffff;
	[tilespmem:s24+$0x160] =	vst v13  }
0x10d: {  	v3 =	vld.idx.msk [tilespmem:v3+s3+$0x0], $0xffff;
	[tilespmem:s24+$0x180] =	vst v14  }
0x10e: {  	v1 =	vld.idx.msk [tilespmem:v2+s3+$0x0], $0xffff;
	[tilespmem:s24+$0x190] =	vst v5  }
0x10f: {  	[tilespmem:s24+$0x1A0] =	vst v0  }
0x110: {  	s29 =	sshll.u32 s21, $0x12;
	[tilespmem:s24+$0x1B0] =	vst v6  }
0x111: {  	s23 =	sadd.s32 s22, s29;
	[tilespmem:s24+$0x1C0] =	vst v4  }
0x112: {  	s23 =	sshrl.u32 s23, $0x3;
	[tilespmem:s24+$0x1D0] =	vst v3  }
0x113: {  	s23 =	sadd.s32 s2, s23;
	[tilespmem:s24+$0x1E0] =	vst v1  }
0x114: {  	[hbm4b:s23+s3] =	stream.linear.scatter [tilespmem:s13], [sflag:$0x3], $0x2000, $0x38;
	[tilespmem:$0x6800] =	vst v63  }
0x115: {  	s23 =	simm.s32 @!p0 $0x4  }
0x116: {  	_ =	swait.ge @!p0 [sflag:s23], $0x2000  }
0x117: {  	[sflag:s23] =	ssyncset.done @!p0 $0x0  }
0x118: {  	s30 =	simm.s32 $0x2440;
	[sflag:s23] =	ssyncadd.s32 @!p0 $0xFFFFE000  }
0x119: {  	v1 =	vld [tilespmem:s30+$0x30]  }
0x11a: {  	v2 =	vld [tilespmem:s30+$0xFFFFFFD0]  }
0x11b: {  	v3 =	vld [tilespmem:s30+$0xFFFFFFE0]  }
0x11c: {  	s23 =	sor.u32 $0x1, s25;
	v4 =	vld [tilespmem:s30+$0xFFFFFFF0]  }
0x11d: {  	s25 =	sshll.u32 s23, $0xA;
	v10 =	vld [tilespmem:s30+$0x10]  }
0x11e: {  	v5 =	vld [tilespmem:s30+$0x0];
	v0 =	vmov s25  }
0x11f: {  	v9 =	vld [tilespmem:s30+$0xFFFFFFC0];
	v6 =	vadd.s32 v0, v1  }
0x120: {  	v12 =	vld [tilespmem:s30+$0x20];
	v7 =	vadd.s32 v0, v2  }
0x121: {  	s31 =	simm.s32 $0x24C0;
	v11 =	vadd.s32 v0, v3  }
0x122: {  	v51 =	vld [tilespmem:s31+$0x0];
	v22 =	vadd.s32 v0, v10  }
0x123: {  	v52 =	vld [tilespmem:s31+$0x10];
	v13 =	vadd.s32 v0, v4;
	v1 =	vand.u32 $0x7, v1;
	v14 =	vadd.s32 v0, v5  }
0x124: {  	v3 =	vand.u32 $0x7, v3;
	v19 =	vadd.s32 v0, v9;
	v20 =	vand.u32 $0x7, v4;
	v15 =	vld.idx.msk [tilespmem:v6+s3+$0x0], $0xffff  }
0x125: {  	v23 =	vand.u32 $0x7, v5;
	v24 =	vadd.s32 v0, v12;
	v5 =	vand.u32 $0x7, v9;
	v18 =	vld.idx.msk [tilespmem:v7+s3+$0x0], $0xffff  }
0x126: {  	v12 =	vand.u32 $0x7, v12;
	v8 =	vand.u32 $0xFFFFFFF8, v6;
	v17 =	vand.u32 $0xFFFFFFF8, v11;
	v11 =	vld.idx.msk [tilespmem:v11+s3+$0x0], $0xffff  }
0x127: {  	v8 =	vor.u32 v1, v8;
	v1 =	vand.u32 $0x7, v2;
	v2 =	vand.u32 $0xFFFFFFF8, v7;
	v56 =	vld.idx.msk [tilespmem:v22+s3+$0x0], $0xffff  }
0x128: {  	v21 =	vand.u32 $0xFFFFFFF8, v13;
	v16 =	vadd.s32 $0x80, v8;
	v13 =	vld.idx.msk [tilespmem:v13+s3+$0x0], $0xffff;
	v6 =	vor.u32 v1, v2  }
0x129: {  	s24 =	simm.s32 $0x4A00;
	v4 =	vor.u32 v3, v17;
	v2 =	vand.u32 $0xFFFFFFF8, v19;
	v54 =	vld.idx.msk [tilespmem:v19+s3+$0x0], $0xffff;
	v3 =	vadd.s32 $0x80, v6  }
0x12a: {  	v9 =	vadd.s32 $0x80, v4;
	v1 =	vand.u32 $0xFFFFFFF8, v14;
	v14 =	vld.idx.msk [tilespmem:v14+s3+$0x0], $0xffff;
	v7 =	vor.u32 v5, v2;
	[tilespmem:s24+$0xFFFFFE70] =	vst v15  }
0x12b: {  	v5 =	vor.u32 v20, v21;
	v2 =	vand.u32 $0x7, v10;
	v10 =	vld.idx.msk [tilespmem:v24+s3+$0x0], $0xffff;
	v57 =	vadd.s32 $0x80, v7;
	[tilespmem:s24+$0xFFFFFE10] =	vst v18  }
0x12c: {  	v53 =	vand.u32 $0xFFFFFFF8, v22;
	v1 =	vor.u32 v23, v1;
	v58 =	vadd.s32 $0x80, v5;
	[tilespmem:s24+$0xFFFFFE50] =	vst v56;
	v56 =	vld [tilespmem:s31+$0xFFFFFFC0]  }
0x12d: {  	v25 =	vand.u32 $0xFFFFFFF8, v24;
	v2 =	vor.u32 v2, v53;
	[tilespmem:s24+$0xFFFFFE20] =	vst v11;
	v11 =	vadd.s32 $0x80, v1;
	v15 =	vld.idx.msk [tilespmem:v16+s3+$0x0], $0xffff  }
0x12e: {  	[tilespmem:s24+$0xFFFFFE00] =	vst v54;
	v59 =	vld.idx.msk [tilespmem:v3+s3+$0x0], $0xffff;
	v3 =	vor.u32 v12, v25;
	v12 =	vadd.s32 $0x80, v2  }
0x12f: {  	v55 =	vadd.s32 $0x100, v8;
	[tilespmem:s24+$0xFFFFFE30] =	vst v13;
	v9 =	vld.idx.msk [tilespmem:v9+s3+$0x0], $0xffff  }
0x130: {  	v13 =	vadd.s32 $0x100, v6;
	[tilespmem:s24+$0xFFFFFE40] =	vst v14;
	v61 =	vld.idx.msk [tilespmem:v57+s3+$0x0], $0xffff  }
0x131: {  	v24 =	vadd.s32 $0x100, v4;
	[tilespmem:s24+$0xFFFFFE60] =	vst v10;
	v14 =	vld.idx.msk [tilespmem:v58+s3+$0x0], $0xffff  }
0x132: {  	v63 =	vadd.s32 $0x100, v7;
	v11 =	vld.idx.msk [tilespmem:v11+s3+$0x0], $0xffff;
	[tilespmem:s24+$0xFFFFFEF0] =	vst v15  }
0x133: {  	v10 =	vld.idx.msk [tilespmem:v12+s3+$0x0], $0xffff;
	[tilespmem:s24+$0xFFFFFE90] =	vst v59  }
0x134: {  	v15 =	vadd.s32 $0x80, v3;
	[tilespmem:s24+$0xFFFFFEA0] =	vst v9;
	v60 =	vld.idx.msk [tilespmem:v55+s3+$0x0], $0xffff  }
0x135: {  	v12 =	vadd.s32 $0x100, v5;
	v13 =	vld.idx.msk [tilespmem:v13+s3+$0x0], $0xffff;
	[tilespmem:s24+$0xFFFFFE80] =	vst v61  }
0x136: {  	v25 =	vadd.s32 $0x100, v1;
	[tilespmem:s24+$0xFFFFFEB0] =	vst v14;
	v14 =	vld.idx.msk [tilespmem:v24+s3+$0x0], $0xffff  }
0x137: {  	v62 =	vadd.s32 $0x180, v8;
	v9 =	vld.idx.msk [tilespmem:v63+s3+$0x0], $0xffff  }
0x138: {  	v29 =	vadd.s32 $0x180, v7;
	v55 =	vld [tilespmem:s31+$0x20];
	[tilespmem:s24+$0xFFFFFEC0] =	vst v11  }
0x139: {  	v26 =	vadd.s32 $0x100, v2;
	v15 =	vld.idx.msk [tilespmem:v15+s3+$0x0], $0xffff;
	[tilespmem:s24+$0xFFFFFED0] =	vst v10  }
0x13a: {  	v11 =	vld.idx.msk [tilespmem:v12+s3+$0x0], $0xffff;
	v12 =	vadd.s32 $0x180, v6;
	[tilespmem:s24+$0xFFFFFF70] =	vst v60  }
0x13b: {  	v30 =	vadd.s32 $0x180, v4;
	v10 =	vld.idx.msk [tilespmem:v25+s3+$0x0], $0xffff;
	[tilespmem:s24+$0xFFFFFF10] =	vst v13  }
0x13c: {  	v27 =	vadd.s32 $0x100, v3;
	v18 =	vld.idx.msk [tilespmem:v62+s3+$0x0], $0xffff;
	[tilespmem:s24+$0xFFFFFF00] =	vst v9  }
0x13d: {  	v31 =	vadd.s32 $0x180, v5;
	[tilespmem:s24+$0xFFFFFF20] =	vst v14;
	v13 =	vld.idx.msk [tilespmem:v29+s3+$0x0], $0xffff  }
0x13e: {  	v28 =	vadd.s32 $0x200, v8;
	[tilespmem:s24+$0xFFFFFEE0] =	vst v15;
	v15 =	vld.idx.msk [tilespmem:v26+s3+$0x0], $0xffff  }
0x13f: {  	v32 =	vadd.s32 $0x180, v1;
	v12 =	vld.idx.msk [tilespmem:v12+s3+$0x0], $0xffff;
	[tilespmem:s24+$0xFFFFFF30] =	vst v11  }
0x140: {  	v35 =	vadd.s32 $0x200, v7;
	v11 =	vld.idx.msk [tilespmem:v30+s3+$0x0], $0xffff;
	[tilespmem:s24+$0xFFFFFF40] =	vst v10  }
0x141: {  	v33 =	vadd.s32 $0x180, v2;
	v19 =	vld.idx.msk [tilespmem:v27+s3+$0x0], $0xffff;
	[tilespmem:s24+$0xFFFFFFF0] =	vst v18  }
0x142: {  	v36 =	vadd.s32 $0x200, v6;
	v10 =	vld.idx.msk [tilespmem:v31+s3+$0x0], $0xffff;
	[tilespmem:s24+$0xFFFFFF80] =	vst v13  }
0x143: {  	v34 =	vadd.s32 $0x180, v3;
	v9 =	vld.idx.msk [tilespmem:v28+s3+$0x0], $0xffff;
	[tilespmem:s24+$0xFFFFFF50] =	vst v15  }
0x144: {  	v14 =	vadd.s32 $0x280, v8;
	v15 =	vld.idx.msk [tilespmem:v32+s3+$0x0], $0xffff;
	[tilespmem:s24+$0xFFFFFF90] =	vst v12  }
0x145: {  	v37 =	vadd.s32 $0x200, v4;
	v12 =	vld.idx.msk [tilespmem:v35+s3+$0x0], $0xffff;
	[tilespmem:s24+$0xFFFFFFA0] =	vst v11  }
0x146: {  	v38 =	vadd.s32 $0x200, v1;
	v20 =	vld.idx.msk [tilespmem:v33+s3+$0x0], $0xffff;
	[tilespmem:s24+$0xFFFFFF60] =	vst v19  }
0x147: {  	v42 =	vadd.s32 $0x280, v7;
	v11 =	vld.idx.msk [tilespmem:v36+s3+$0x0], $0xffff;
	[tilespmem:s24+$0xFFFFFFB0] =	vst v10  }
0x148: {  	v40 =	vadd.s32 $0x200, v2;
	v13 =	vld.idx.msk [tilespmem:v34+s3+$0x0], $0xffff;
	[tilespmem:s24+$0x70] =	vst v9  }
0x149: {  	v9 =	vadd.s32 $0x200, v5;
	v14 =	vld.idx.msk [tilespmem:v14+s3+$0x0], $0xffff;
	[tilespmem:s24+$0xFFFFFFC0] =	vst v15  }
0x14a: {  	v41 =	vadd.s32 $0x200, v3;
	v10 =	vld.idx.msk [tilespmem:v37+s3+$0x0], $0xffff;
	[tilespmem:s24+$0x0] =	vst v12  }
0x14b: {  	v39 =	vadd.s32 $0x300, v8;
	v19 =	vld.idx.msk [tilespmem:v38+s3+$0x0], $0xffff;
	[tilespmem:s24+$0xFFFFFFD0] =	vst v20  }
0x14c: {  	v15 =	vadd.s32 $0x280, v6;
	[tilespmem:s24+$0x10] =	vst v11;
	v11 =	vld.idx.msk [tilespmem:v42+s3+$0x0], $0xffff  }
0x14d: {  	v44 =	vadd.s32 $0x280, v1;
	[tilespmem:s24+$0xFFFFFFE0] =	vst v13;
	v13 =	vld.idx.msk [tilespmem:v40+s3+$0x0], $0xffff  }
0x14e: {  	v9 =	vld.idx.msk [tilespmem:v9+s3+$0x0], $0xffff;
	[tilespmem:s24+$0xF0] =	vst v14;
	v14 =	vadd.s32 $0x280, v4  }
0x14f: {  	v45 =	vadd.s32 $0x280, v2;
	v12 =	vld.idx.msk [tilespmem:v41+s3+$0x0], $0xffff  }
0x150: {  	v43 =	vadd.s32 $0x280, v5;
	[tilespmem:s24+$0x20] =	vst v10;
	v16 =	vld.idx.msk [tilespmem:v39+s3+$0x0], $0xffff  }
0x151: {  	v10 =	vld.idx.msk [tilespmem:v15+s3+$0x0], $0xffff;
	v15 =	vadd.s32 $0x280, v3;
	[tilespmem:s24+$0x40] =	vst v19  }
0x152: {  	v8 =	vadd.s32 $0x380, v8;
	[tilespmem:s24+$0x50] =	vst v13;
	v13 =	vld.idx.msk [tilespmem:v44+s3+$0x0], $0xffff  }
0x153: {  	[tilespmem:s24+$0x30] =	vst v9;
	v9 =	vld.idx.msk [tilespmem:v14+s3+$0x0], $0xffff;
	v14 =	vadd.s32 $0x300, v7  }
0x154: {  	v46 =	vadd.s32 $0x300, v6;
	[tilespmem:s24+$0x60] =	vst v12;
	v12 =	vld.idx.msk [tilespmem:v45+s3+$0x0], $0xffff  }
0x155: {  	v47 =	vadd.s32 $0x300, v4;
	[tilespmem:s24+$0x80] =	vst v11;
	v20 =	vld.idx.msk [tilespmem:v43+s3+$0x0], $0xffff  }
0x156: {  	v48 =	vadd.s32 $0x300, v5;
	[tilespmem:s24+$0x170] =	vst v16;
	v11 =	vld.idx.msk [tilespmem:v15+s3+$0x0], $0xffff  }
0x157: {  	v15 =	vadd.s32 $0x300, v2;
	v8 =	vld.idx.msk [tilespmem:v8+s3+$0x0], $0xffff  }
0x158: {  	[tilespmem:s24+$0x90] =	vst v10;
	v10 =	vld.idx.msk [tilespmem:v14+s3+$0x0], $0xffff  }
0x159: {  	[tilespmem:s24+$0xA0] =	vst v9;
	v9 =	vld.idx.msk [tilespmem:v46+s3+$0x0], $0xffff  }
0x15a: {  	v14 =	vadd.s32 $0x300, v3;
	[tilespmem:s24+$0xB0] =	vst v20;
	v50 =	vld.idx.msk [tilespmem:v47+s3+$0x0], $0xffff  }
0x15b: {  	[tilespmem:s24+$0xD0] =	vst v12;
	v17 =	vld.idx.msk [tilespmem:v48+s3+$0x0], $0xffff  }
0x15c: {  	v6 =	vadd.s32 $0x380, v6;
	v12 =	vld.idx.msk [tilespmem:v15+s3+$0x0], $0xffff  }
0x15d: {  	[tilespmem:s24+$0xE0] =	vst v11;
	v11 =	vld [tilespmem:s31+$0xFFFFFFD0]  }
0x15e: {  	v7 =	vadd.s32 $0x380, v7;
	v15 =	vld [tilespmem:s31+$0xFFFFFFF0]  }
0x15f: {  	v60 =	vadd.s32 v0, v55;
	[tilespmem:s24+$0x100] =	vst v10;
	v10 =	vld.idx.msk [tilespmem:v14+s3+$0x0], $0xffff  }
0x160: {  	v4 =	vadd.s32 $0x380, v4;
	[tilespmem:s24+$0x110] =	vst v9;
	v14 =	vld [tilespmem:s31+$0xFFFFFFE0]  }
0x161: {  	v49 =	vadd.s32 $0x300, v1;
	v9 =	vld.idx.msk [tilespmem:v6+s3+$0x0], $0xffff  }
0x162: {  	v5 =	vadd.s32 $0x380, v5;
	v6 =	vld [tilespmem:s31+$0x30]  }
0x163: {  	[tilespmem:s24+$0xC0] =	vst v13;
	v7 =	vld.idx.msk [tilespmem:v7+s3+$0x0], $0xffff;
	v54 =	vadd.s32 v0, v11  }
0x164: {  	v63 =	vld.idx.msk [tilespmem:v60+s3+$0x0], $0xffff;
	[tilespmem:s24+$0x120] =	vst v50;
	v58 =	vadd.s32 v0, v15  }
0x165: {  	[tilespmem:s24+$0x1F0] =	vst v8;
	v8 =	vadd.s32 v0, v51;
	v4 =	vld.idx.msk [tilespmem:v4+s3+$0x0], $0xffff  }
0x166: {  	v26 =	vadd.s32 $0x380, v2;
	v28 =	vadd.s32 $0x380, v3;
	v13 =	vld.idx.msk [tilespmem:v49+s3+$0x0], $0xffff;
	[tilespmem:s24+$0x130] =	vst v17;
	v57 =	vadd.s32 v0, v14  }
0x167: {  	[tilespmem:s24+$0x150] =	vst v12;
	v2 =	vand.u32 $0x7, v11;
	v59 =	vld.idx.msk [tilespmem:v5+s3+$0x0], $0xffff;
	v3 =	vand.u32 $0xFFFFFFF8, v54;
	v53 =	vadd.s32 v0, v6  }
0x168: {  	v15 =	vand.u32 $0x7, v15;
	v5 =	vadd.s32 v0, v52;
	v3 =	vor.u32 v2, v3;
	v12 =	vld.idx.msk [tilespmem:v54+s3+$0x0], $0xffff;
	[tilespmem:s24+$0x180] =	vst v7  }
0x169: {  	v11 =	vand.u32 $0x7, v14;
	v6 =	vand.u32 $0x7, v6;
	v7 =	vadd.s32 v0, v56;
	v27 =	vld.idx.msk [tilespmem:v58+s3+$0x0], $0xffff;
	[tilespmem:s24+$0x190] =	vst v9  }
0x16a: {  	v9 =	vld.idx.msk [tilespmem:v8+s3+$0x0], $0xffff;
	v14 =	vand.u32 $0xFFFFFFF8, v57;
	v20 =	vand.u32 $0xFFFFFFF8, v53;
	[tilespmem:s24+$0x1A0] =	vst v4;
	v4 =	vand.u32 $0xFFFFFFF8, v58  }
0x16b: {  	[tilespmem:s24+$0x160] =	vst v10;
	v2 =	vor.u32 v11, v14;
	v11 =	vadd.s32 $0x80, v3;
	v4 =	vor.u32 v15, v4;
	v10 =	vld.idx.msk [tilespmem:v57+s3+$0x0], $0xffff  }
0x16c: {  	s25 =	simm.s32 $0x4E00;
	[tilespmem:s24+$0x140] =	vst v13;
	v6 =	vor.u32 v6, v20;
	v33 =	vadd.s32 $0x80, v4;
	v13 =	vld.idx.msk [tilespmem:v53+s3+$0x0], $0xffff  }
0x16d: {  	v32 =	vld.idx.msk [tilespmem:v26+s3+$0x0], $0xffff;
	v20 =	vadd.s32 $0x80, v6;
	[tilespmem:s25+$0xFFFFFE10] =	vst v12  }
0x16e: {  	v61 =	vld.idx.msk [tilespmem:v5+s3+$0x0], $0xffff;
	v29 =	vadd.s32 $0x80, v2;
	[tilespmem:s25+$0xFFFFFE30] =	vst v27  }
0x16f: {  	v1 =	vadd.s32 $0x380, v1;
	v62 =	vand.u32 $0x7, v51;
	v30 =	vld.idx.msk [tilespmem:v7+s3+$0x0], $0xffff;
	[tilespmem:s25+$0xFFFFFE40] =	vst v9  }
0x170: {  	v8 =	vand.u32 $0xFFFFFFF8, v8;
	v9 =	vand.u32 $0x7, v52;
	v11 =	vld.idx.msk [tilespmem:v11+s3+$0x0], $0xffff;
	[tilespmem:s25+$0xFFFFFE20] =	vst v10;
	v10 =	vand.u32 $0xFFFFFFF8, v5  }
0x171: {  	v36 =	vadd.s32 $0x100, v3;
	v17 =	vld.idx.msk [tilespmem:v33+s3+$0x0], $0xffff;
	v5 =	vor.u32 v62, v8;
	[tilespmem:s25+$0xFFFFFE70] =	vst v13;
	v8 =	vor.u32 v9, v10  }
0x172: {  	[tilespmem:s25+$0xFFFFFE60] =	vst v63;
	v14 =	vand.u32 $0x7, v56;
	v13 =	vand.u32 $0xFFFFFFF8, v7;
	v12 =	vld.idx.msk [tilespmem:v20+s3+$0x0], $0xffff;
	v35 =	vadd.s32 $0x80, v8  }
0x173: {  	[tilespmem:s24+$0x1B0] =	vst v59;
	v16 =	vld.idx.msk [tilespmem:v29+s3+$0x0], $0xffff;
	v7 =	vor.u32 v14, v13;
	v13 =	vadd.s32 $0x100, v6  }
0x174: {  	[tilespmem:s25+$0xFFFFFE50] =	vst v61;
	v14 =	vld.idx.msk [tilespmem:v1+s3+$0x0], $0xffff;
	v15 =	vadd.s32 $0x80, v7  }
0x175: {  	v39 =	vadd.s32 $0x100, v4;
	v1 =	vld.idx.msk [tilespmem:v28+s3+$0x0], $0xffff;
	[tilespmem:s25+$0xFFFFFE90] =	vst v11  }
0x176: {  	v31 =	vand.u32 $0xFFFFFFF8, v60;
	v34 =	vand.u32 $0x7, v55;
	v10 =	vadd.s32 $0x80, v5;
	[tilespmem:s25+$0xFFFFFE00] =	vst v30;
	v19 =	vld.idx.msk [tilespmem:v36+s3+$0x0], $0xffff  }
0x177: {  	v38 =	vadd.s32 $0x100, v2;
	v9 =	vor.u32 v34, v31;
	[tilespmem:s25+$0xFFFFFEF0] =	vst v12;
	v11 =	vld.idx.msk [tilespmem:v35+s3+$0x0], $0xffff  }
0x178: {  	[tilespmem:s25+$0xFFFFFEB0] =	vst v17;
	v12 =	vadd.s32 $0x80, v9;
	v13 =	vld.idx.msk [tilespmem:v13+s3+$0x0], $0xffff  }
0x179: {  	v37 =	vadd.s32 $0x180, v6;
	[tilespmem:s25+$0xFFFFFEA0] =	vst v16;
	v15 =	vld.idx.msk [tilespmem:v15+s3+$0x0], $0xffff  }
0x17a: {  	v18 =	vld.idx.msk [tilespmem:v39+s3+$0x0], $0xffff;
	[tilespmem:s24+$0x1C0] =	vst v14;
	v14 =	vadd.s32 $0x100, v7  }
0x17b: {  	v44 =	vadd.s32 $0x180, v4;
	v10 =	vld.idx.msk [tilespmem:v10+s3+$0x0], $0xffff;
	[tilespmem:s25+$0xFFFFFF10] =	vst v19  }
0x17c: {  	v40 =	vadd.s32 $0x100, v5;
	v42 =	vld.idx.msk [tilespmem:v38+s3+$0x0], $0xffff;
	[tilespmem:s25+$0xFFFFFED0] =	vst v11  }
0x17d: {  	v12 =	vld.idx.msk [tilespmem:v12+s3+$0x0], $0xffff;
	v11 =	vadd.s32 $0x180, v3;
	[tilespmem:s25+$0xFFFFFF70] =	vst v13  }
0x17e: {  	v13 =	vadd.s32 $0x100, v8;
	[tilespmem:s25+$0xFFFFFE80] =	vst v15;
	v15 =	vld.idx.msk [tilespmem:v37+s3+$0x0], $0xffff  }
0x17f: {  	v41 =	vadd.s32 $0x100, v9;
	[tilespmem:s25+$0xFFFFFF30] =	vst v18;
	v14 =	vld.idx.msk [tilespmem:v14+s3+$0x0], $0xffff  }
0x180: {  	[tilespmem:s25+$0xFFFFFEC0] =	vst v10;
	v10 =	vadd.s32 $0x200, v6;
	v19 =	vld.idx.msk [tilespmem:v44+s3+$0x0], $0xffff  }
0x181: {  	[tilespmem:s24+$0x1D0] =	vst v32;
	v43 =	vadd.s32 $0x180, v7;
	v16 =	vld.idx.msk [tilespmem:v40+s3+$0x0], $0xffff  }
0x182: {  	[tilespmem:s25+$0xFFFFFEE0] =	vst v12;
	v12 =	vadd.s32 $0x180, v2;
	v11 =	vld.idx.msk [tilespmem:v11+s3+$0x0], $0xffff  }
0x183: {  	v13 =	vld.idx.msk [tilespmem:v13+s3+$0x0], $0xffff;
	[tilespmem:s25+$0xFFFFFFF0] =	vst v15;
	v15 =	vadd.s32 $0x180, v5  }
0x184: {  	v20 =	vld.idx.msk [tilespmem:v41+s3+$0x0], $0xffff;
	[tilespmem:s25+$0xFFFFFF00] =	vst v14;
	v14 =	vadd.s32 $0x180, v8  }
0x185: {  	v46 =	vadd.s32 $0x180, v9;
	[tilespmem:s25+$0xFFFFFF20] =	vst v42;
	v10 =	vld.idx.msk [tilespmem:v10+s3+$0x0], $0xffff  }
0x186: {  	v45 =	vadd.s32 $0x280, v6;
	[tilespmem:s25+$0xFFFFFF40] =	vst v16;
	v21 =	vld.idx.msk [tilespmem:v43+s3+$0x0], $0xffff  }
0x187: {  	v47 =	vadd.s32 $0x200, v7;
	v12 =	vld.idx.msk [tilespmem:v12+s3+$0x0], $0xffff;
	[tilespmem:s25+$0xFFFFFF90] =	vst v11  }
0x188: {  	[tilespmem:s25+$0xFFFFFF50] =	vst v13;
	v13 =	vadd.s32 $0x200, v3;
	v15 =	vld.idx.msk [tilespmem:v15+s3+$0x0], $0xffff  }
0x189: {  	v48 =	vadd.s32 $0x200, v2;
	[tilespmem:s25+$0xFFFFFF60] =	vst v20;
	v14 =	vld.idx.msk [tilespmem:v14+s3+$0x0], $0xffff  }
0x18a: {  	v11 =	vld.idx.msk [tilespmem:v46+s3+$0x0], $0xffff;
	[tilespmem:s25+$0x70] =	vst v10;
	v10 =	vadd.s32 $0x200, v4  }
0x18b: {  	v49 =	vadd.s32 $0x200, v5;
	[tilespmem:s25+$0xFFFFFF80] =	vst v21;
	v17 =	vld.idx.msk [tilespmem:v45+s3+$0x0], $0xffff  }
0x18c: {  	v50 =	vadd.s32 $0x200, v8;
	[tilespmem:s25+$0xFFFFFFB0] =	vst v19;
	v16 =	vld.idx.msk [tilespmem:v47+s3+$0x0], $0xffff  }
0x18d: {  	[tilespmem:s25+$0xFFFFFFA0] =	vst v12;
	v12 =	vadd.s32 $0x300, v6;
	v13 =	vld.idx.msk [tilespmem:v13+s3+$0x0], $0xffff  }
0x18e: {  	v51 =	vadd.s32 $0x200, v9;
	v20 =	vld.idx.msk [tilespmem:v48+s3+$0x0], $0xffff;
	[tilespmem:s25+$0xFFFFFFC0] =	vst v15  }
0x18f: {  	v15 =	vadd.s32 $0x280, v7;
	[tilespmem:s25+$0xFFFFFFD0] =	vst v14;
	v10 =	vld.idx.msk [tilespmem:v10+s3+$0x0], $0xffff  }
0x190: {  	v14 =	vadd.s32 $0x280, v3;
	[tilespmem:s25+$0xFFFFFFE0] =	vst v11;
	v21 =	vld.idx.msk [tilespmem:v49+s3+$0x0], $0xffff  }
0x191: {  	v52 =	vadd.s32 $0x280, v2;
	v53 =	vld.idx.msk [tilespmem:v50+s3+$0x0], $0xffff;
	[tilespmem:s25+$0xF0] =	vst v17  }
0x192: {  	v54 =	vadd.s32 $0x280, v5;
	[tilespmem:s25+$0x0] =	vst v16;
	v11 =	vld.idx.msk [tilespmem:v12+s3+$0x0], $0xffff  }
0x193: {  	v12 =	vadd.s32 $0x280, v4;
	[tilespmem:s25+$0x10] =	vst v13;
	v13 =	vld.idx.msk [tilespmem:v51+s3+$0x0], $0xffff  }
0x194: {  	v6 =	vadd.s32 $0x380, v6;
	[tilespmem:s25+$0x20] =	vst v20;
	v15 =	vld.idx.msk [tilespmem:v15+s3+$0x0], $0xffff  }
0x195: {  	v55 =	vadd.s32 $0x280, v8;
	v14 =	vld.idx.msk [tilespmem:v14+s3+$0x0], $0xffff;
	[tilespmem:s25+$0x30] =	vst v10  }
0x196: {  	v17 =	vld.idx.msk [tilespmem:v52+s3+$0x0], $0xffff;
	v10 =	vadd.s32 $0x280, v9;
	[tilespmem:s25+$0x40] =	vst v21  }
0x197: {  	v56 =	vadd.s32 $0x300, v7;
	[tilespmem:s25+$0x50] =	vst v53;
	v18 =	vld.idx.msk [tilespmem:v54+s3+$0x0], $0xffff  }
0x198: {  	v57 =	vadd.s32 $0x300, v2;
	v12 =	vld.idx.msk [tilespmem:v12+s3+$0x0], $0xffff;
	[tilespmem:s25+$0x170] =	vst v11  }
0x199: {  	v11 =	vadd.s32 $0x300, v3;
	v6 =	vld.idx.msk [tilespmem:v6+s3+$0x0], $0xffff;
	[tilespmem:s25+$0x60] =	vst v13  }
0x19a: {  	v58 =	vadd.s32 $0x300, v5;
	[tilespmem:s25+$0x80] =	vst v15;
	v15 =	vld.idx.msk [tilespmem:v55+s3+$0x0], $0xffff  }
0x19b: {  	v13 =	vadd.s32 $0x300, v4;
	[tilespmem:s25+$0x90] =	vst v14;
	v14 =	vld.idx.msk [tilespmem:v10+s3+$0x0], $0xffff  }
0x19c: {  	v59 =	vadd.s32 $0x300, v8;
	[tilespmem:s25+$0xA0] =	vst v17;
	v20 =	vld.idx.msk [tilespmem:v56+s3+$0x0], $0xffff  }
0x19d: {  	v60 =	vadd.s32 $0x300, v9;
	v16 =	vld.idx.msk [tilespmem:v57+s3+$0x0], $0xffff;
	[tilespmem:s25+$0xC0] =	vst v18  }
0x19e: {  	v62 =	vadd.s32 $0x380, v7;
	v61 =	vld.idx.msk [tilespmem:v11+s3+$0x0], $0xffff;
	[tilespmem:s25+$0xB0] =	vst v12  }
0x19f: {  	v63 =	vadd.s32 $0x380, v3;
	v11 =	vld.idx.msk [tilespmem:v58+s3+$0x0], $0xffff;
	[tilespmem:s25+$0x1F0] =	vst v6  }
0x1a0: {  	v10 =	vld.idx.msk [tilespmem:v13+s3+$0x0], $0xffff;
	[tilespmem:s25+$0xD0] =	vst v15  }
0x1a1: {  	v12 =	vld.idx.msk [tilespmem:v59+s3+$0x0], $0xffff;
	[tilespmem:s25+$0xE0] =	vst v14  }
0x1a2: {  	[tilespmem:s25+$0x100] =	vst v20;
	v13 =	vld.idx.msk [tilespmem:v60+s3+$0x0], $0xffff  }
0x1a3: {  	v7 =	vadd.s32 $0x380, v2;
	v2 =	vadd.s32 $0x380, v9;
	v14 =	vld.idx.msk [tilespmem:v62+s3+$0x0], $0xffff;
	[tilespmem:s25+$0x110] =	vst v61  }
0x1a4: {  	s26 =	simm.s32 $0x8;
	s28 =	simm.s32 $0x2540;
	v3 =	vadd.s32 $0x380, v8;
	v6 =	vadd.s32 $0x380, v4;
	v4 =	vadd.s32 $0x380, v5;
	[tilespmem:s25+$0x120] =	vst v16;
	v5 =	vld.idx.msk [tilespmem:v63+s3+$0x0], $0xffff  }
.LBB2_13:
0x1a5: {  	v8 =	vld [tilespmem:s28+$0x30];
	s26 =	sadd.s32 $0x8, s26;
	[tilespmem:s25+$0x130] =	vst v10  }
0x1a6: {  	v9 =	vld [tilespmem:s28+$0xFFFFFFD0];
	p0 =	slt.u32 s26, $0x38;
	[tilespmem:s25+$0x140] =	vst v11  }
0x1a7: {  	v10 =	vld [tilespmem:s28+$0xFFFFFFE0];
	[tilespmem:s25+$0x150] =	vst v12  }
0x1a8: {  	v11 =	vld [tilespmem:s28+$0xFFFFFFF0];
	[tilespmem:s25+$0x160] =	vst v13  }
0x1a9: {  	v12 =	vld [tilespmem:s28+$0x0];
	[tilespmem:s25+$0x180] =	vst v14  }
0x1aa: {  	v13 =	vld [tilespmem:s28+$0x10];
	v14 =	vadd.s32 v0, v8;
	[tilespmem:s25+$0x190] =	vst v5  }
0x1ab: {  	v5 =	vadd.s32 v0, v9;
	v9 =	vand.u32 $0x7, v9;
	v15 =	vld [tilespmem:s28+$0x20];
	[tilespmem:s24+$0x1E0] =	vst v1;
	s24 =	smov.u32 s25  }
0x1ac: {  	v1 =	vld [tilespmem:s28+$0xFFFFFFC0];
	v16 =	vand.u32 $0xFFFFFFF8, v5;
	v17 =	vadd.s32 v0, v10;
	v10 =	vand.u32 $0x7, v10  }
0x1ad: {  	v18 =	vand.u32 $0xFFFFFFF8, v17;
	v19 =	vadd.s32 v0, v11;
	v11 =	vand.u32 $0x7, v11;
	v7 =	vld.idx.msk [tilespmem:v7+s3+$0x0], $0xffff  }
0x1ae: {  	v20 =	vand.u32 $0xFFFFFFF8, v19;
	v21 =	vadd.s32 v0, v12;
	v12 =	vand.u32 $0x7, v12;
	v6 =	vld.idx.msk [tilespmem:v6+s3+$0x0], $0xffff  }
0x1af: {  	v8 =	vand.u32 $0x7, v8;
	v22 =	vadd.s32 v0, v13;
	v23 =	vld.idx.msk [tilespmem:v14+s3+$0x0], $0xffff;
	v14 =	vand.u32 $0xFFFFFFF8, v14  }
0x1b0: {  	v25 =	vand.u32 $0xFFFFFFF8, v21;
	v24 =	vld.idx.msk [tilespmem:v5+s3+$0x0], $0xffff;
	v26 =	vadd.s32 v0, v15;
	v5 =	vor.u32 v8, v14  }
0x1b1: {  	v8 =	vadd.s32 v0, v1;
	v14 =	vld.idx.msk [tilespmem:v17+s3+$0x0], $0xffff;
	v17 =	vand.u32 $0xFFFFFFF8, v22;
	v27 =	vadd.s32 $0x80, v5  }
0x1b2: {  	v1 =	vand.u32 $0x7, v1;
	v29 =	vand.u32 $0xFFFFFFF8, v26;
	v28 =	vand.u32 $0xFFFFFFF8, v8;
	v19 =	vld.idx.msk [tilespmem:v19+s3+$0x0], $0xffff  }
0x1b3: {  	v13 =	vand.u32 $0x7, v13;
	v15 =	vand.u32 $0x7, v15;
	v28 =	vor.u32 v1, v28;
	v1 =	vld.idx.msk [tilespmem:v21+s3+$0x0], $0xffff;
	[tilespmem:s25+$0x1A0] =	vst v7  }
0x1b4: {  	v7 =	vor.u32 v9, v16;
	v9 =	vor.u32 v10, v18;
	v10 =	vor.u32 v11, v20;
	s25 =	sadd.s32 $0x400, s25;
	v11 =	vld.idx.msk [tilespmem:v22+s3+$0x0], $0xffff  }
0x1b5: {  	v12 =	vor.u32 v12, v25;
	v13 =	vor.u32 v13, v17;
	v16 =	vadd.s32 $0x80, v28;
	v17 =	vld.idx.msk [tilespmem:v26+s3+$0x0], $0xffff;
	[tilespmem:s25+$0xFFFFFE70] =	vst v23  }
0x1b6: {  	v15 =	vor.u32 v15, v29;
	v18 =	vadd.s32 $0x80, v7;
	v20 =	vadd.s32 $0x80, v9;
	[tilespmem:s25+$0xFFFFFE10] =	vst v24;
	v21 =	vld.idx.msk [tilespmem:v27+s3+$0x0], $0xffff  }
0x1b7: {  	v22 =	vadd.s32 $0x80, v12;
	v23 =	vadd.s32 $0x80, v13;
	v8 =	vld.idx.msk [tilespmem:v8+s3+$0x0], $0xffff;
	[tilespmem:s25+$0xFFFFFE20] =	vst v14;
	v14 =	vadd.s32 $0x80, v10  }
0x1b8: {  	v25 =	vadd.s32 $0x100, v5;
	v24 =	vadd.s32 $0x100, v28;
	[tilespmem:s25+$0xFFFFFE30] =	vst v19;
	v19 =	vadd.s32 $0x80, v15;
	v4 =	vld.idx.msk [tilespmem:v4+s3+$0x0], $0xffff  }
0x1b9: {  	v29 =	vadd.s32 $0x100, v10;
	v26 =	vadd.s32 $0x100, v7;
	v27 =	vadd.s32 $0x100, v9;
	[tilespmem:s25+$0xFFFFFE40] =	vst v1;
	v3 =	vld.idx.msk [tilespmem:v3+s3+$0x0], $0xffff  }
0x1ba: {  	v30 =	vadd.s32 $0x100, v12;
	v31 =	vadd.s32 $0x100, v15;
	[tilespmem:s25+$0xFFFFFE50] =	vst v11;
	v11 =	vadd.s32 $0x100, v13;
	v1 =	vld.idx.msk [tilespmem:v2+s3+$0x0], $0xffff  }
0x1bb: {  	v32 =	vadd.s32 $0x180, v28;
	v33 =	vadd.s32 $0x180, v9;
	v2 =	vld.idx.msk [tilespmem:v18+s3+$0x0], $0xffff;
	v18 =	vadd.s32 $0x180, v7;
	[tilespmem:s25+$0xFFFFFE60] =	vst v17  }
0x1bc: {  	v34 =	vadd.s32 $0x180, v12;
	v35 =	vadd.s32 $0x180, v13;
	v17 =	vld.idx.msk [tilespmem:v20+s3+$0x0], $0xffff;
	v20 =	vadd.s32 $0x180, v10;
	[tilespmem:s25+$0xFFFFFEF0] =	vst v21  }
0x1bd: {  	v37 =	vadd.s32 $0x180, v15;
	v36 =	vadd.s32 $0x200, v7;
	v21 =	vadd.s32 $0x200, v28;
	[tilespmem:s25+$0xFFFFFE00] =	vst v8;
	v8 =	vld.idx.msk [tilespmem:v25+s3+$0x0], $0xffff  }
0x1be: {  	v39 =	vadd.s32 $0x200, v12;
	v38 =	vadd.s32 $0x200, v10;
	v25 =	vadd.s32 $0x200, v9;
	v16 =	vld.idx.msk [tilespmem:v16+s3+$0x0], $0xffff;
	[tilespmem:s24+$0x1B0] =	vst v6  }
0x1bf: {  	v41 =	vadd.s32 $0x180, v5;
	v40 =	vadd.s32 $0x200, v15;
	v6 =	vld.idx.msk [tilespmem:v14+s3+$0x0], $0xffff;
	v14 =	vadd.s32 $0x200, v13;
	[tilespmem:s24+$0x1C0] =	vst v4  }
0x1c0: {  	v42 =	vadd.s32 $0x280, v28;
	v43 =	vadd.s32 $0x280, v7;
	v44 =	vadd.s32 $0x280, v9;
	v4 =	vld.idx.msk [tilespmem:v22+s3+$0x0], $0xffff;
	[tilespmem:s24+$0x1D0] =	vst v3  }
0x1c1: {  	v45 =	vadd.s32 $0x280, v12;
	v22 =	vadd.s32 $0x280, v10;
	[tilespmem:s25+$0xFFFFFE90] =	vst v2;
	v2 =	vld.idx.msk [tilespmem:v23+s3+$0x0], $0xffff;
	v23 =	vadd.s32 $0x280, v13  }
0x1c2: {  	v46 =	vadd.s32 $0x300, v28;
	v47 =	vadd.s32 $0x300, v7;
	[tilespmem:s25+$0xFFFFFEA0] =	vst v17;
	v17 =	vld.idx.msk [tilespmem:v19+s3+$0x0], $0xffff;
	v19 =	vadd.s32 $0x280, v15  }
0x1c3: {  	v50 =	vadd.s32 $0x300, v12;
	v48 =	vadd.s32 $0x300, v9;
	v49 =	vadd.s32 $0x300, v10;
	v26 =	vld.idx.msk [tilespmem:v26+s3+$0x0], $0xffff;
	[tilespmem:s25+$0xFFFFFF70] =	vst v8  }
0x1c4: {  	v8 =	vadd.s32 $0x380, v28;
	v28 =	vadd.s32 $0x300, v15;
	[tilespmem:s25+$0xFFFFFE80] =	vst v16;
	v16 =	vadd.s32 $0x300, v13;
	v41 =	vld.idx.msk [tilespmem:v41+s3+$0x0], $0xffff  }
0x1c5: {  	v51 =	vadd.s32 $0x380, v7;
	v7 =	vadd.s32 $0x380, v9;
	v24 =	vld.idx.msk [tilespmem:v24+s3+$0x0], $0xffff;
	[tilespmem:s25+$0xFFFFFEB0] =	vst v6;
	v6 =	vadd.s32 $0x380, v10  }
0x1c6: {  	v3 =	vadd.s32 $0x380, v13;
	v10 =	vadd.s32 $0x200, v5;
	v9 =	vld.idx.msk [tilespmem:v27+s3+$0x0], $0xffff;
	[tilespmem:s25+$0xFFFFFEC0] =	vst v4;
	v4 =	vadd.s32 $0x380, v12  }
0x1c7: {  	v12 =	vld.idx.msk [tilespmem:v29+s3+$0x0], $0xffff;
	[tilespmem:s25+$0xFFFFFED0] =	vst v2;
	v2 =	vadd.s32 $0x380, v15  }
0x1c8: {  	v13 =	vld.idx.msk [tilespmem:v30+s3+$0x0], $0xffff;
	[tilespmem:s25+$0xFFFFFEE0] =	vst v17  }
0x1c9: {  	[tilespmem:s25+$0xFFFFFF10] =	vst v26;
	v11 =	vld.idx.msk [tilespmem:v11+s3+$0x0], $0xffff  }
0x1ca: {  	v15 =	vld.idx.msk [tilespmem:v31+s3+$0x0], $0xffff;
	[tilespmem:s25+$0xFFFFFFF0] =	vst v41  }
0x1cb: {  	[tilespmem:s25+$0xFFFFFF00] =	vst v24;
	v10 =	vld.idx.msk [tilespmem:v10+s3+$0x0], $0xffff  }
0x1cc: {  	v17 =	vld.idx.msk [tilespmem:v32+s3+$0x0], $0xffff;
	[tilespmem:s25+$0xFFFFFF20] =	vst v9  }
0x1cd: {  	v9 =	vld.idx.msk [tilespmem:v18+s3+$0x0], $0xffff;
	[tilespmem:s25+$0xFFFFFF30] =	vst v12;
	v12 =	vadd.s32 $0x280, v5  }
0x1ce: {  	v18 =	vld.idx.msk [tilespmem:v33+s3+$0x0], $0xffff;
	[tilespmem:s25+$0xFFFFFF40] =	vst v13  }
0x1cf: {  	v13 =	vld.idx.msk [tilespmem:v20+s3+$0x0], $0xffff;
	[tilespmem:s25+$0xFFFFFF50] =	vst v11  }
0x1d0: {  	v11 =	vld.idx.msk [tilespmem:v34+s3+$0x0], $0xffff;
	[tilespmem:s25+$0xFFFFFF60] =	vst v15  }
0x1d1: {  	v15 =	vld.idx.msk [tilespmem:v35+s3+$0x0], $0xffff;
	[tilespmem:s25+$0x70] =	vst v10  }
0x1d2: {  	[tilespmem:s25+$0xFFFFFF80] =	vst v17;
	v10 =	vld.idx.msk [tilespmem:v12+s3+$0x0], $0xffff  }
0x1d3: {  	[tilespmem:s25+$0xFFFFFF90] =	vst v9;
	v9 =	vld.idx.msk [tilespmem:v37+s3+$0x0], $0xffff  }
0x1d4: {  	v17 =	vadd.s32 $0x300, v5;
	v12 =	vld.idx.msk [tilespmem:v21+s3+$0x0], $0xffff;
	[tilespmem:s25+$0xFFFFFFA0] =	vst v18  }
0x1d5: {  	v18 =	vld.idx.msk [tilespmem:v36+s3+$0x0], $0xffff;
	[tilespmem:s25+$0xFFFFFFB0] =	vst v13  }
0x1d6: {  	v13 =	vld.idx.msk [tilespmem:v25+s3+$0x0], $0xffff;
	[tilespmem:s25+$0xFFFFFFC0] =	vst v11  }
0x1d7: {  	v11 =	vld.idx.msk [tilespmem:v38+s3+$0x0], $0xffff;
	[tilespmem:s25+$0xFFFFFFD0] =	vst v15  }
0x1d8: {  	v15 =	vld.idx.msk [tilespmem:v39+s3+$0x0], $0xffff;
	[tilespmem:s25+$0xF0] =	vst v10  }
0x1d9: {  	[tilespmem:s25+$0xFFFFFFE0] =	vst v9;
	v9 =	vld.idx.msk [tilespmem:v17+s3+$0x0], $0xffff  }
0x1da: {  	[tilespmem:s25+$0x0] =	vst v12;
	v10 =	vld.idx.msk [tilespmem:v14+s3+$0x0], $0xffff  }
0x1db: {  	v5 =	vadd.s32 $0x380, v5;
	[tilespmem:s25+$0x10] =	vst v18;
	v12 =	vld.idx.msk [tilespmem:v40+s3+$0x0], $0xffff  }
0x1dc: {  	v14 =	vld.idx.msk [tilespmem:v42+s3+$0x0], $0xffff;
	[tilespmem:s25+$0x20] =	vst v13  }
0x1dd: {  	v13 =	vld.idx.msk [tilespmem:v43+s3+$0x0], $0xffff;
	[tilespmem:s25+$0x30] =	vst v11  }
0x1de: {  	v11 =	vld.idx.msk [tilespmem:v44+s3+$0x0], $0xffff;
	[tilespmem:s25+$0x40] =	vst v15  }
0x1df: {  	v15 =	vld.idx.msk [tilespmem:v22+s3+$0x0], $0xffff;
	[tilespmem:s25+$0x170] =	vst v9  }
0x1e0: {  	[tilespmem:s25+$0x50] =	vst v10;
	v5 =	vld.idx.msk [tilespmem:v5+s3+$0x0], $0xffff  }
0x1e1: {  	v9 =	vld.idx.msk [tilespmem:v45+s3+$0x0], $0xffff;
	[tilespmem:s25+$0x60] =	vst v12  }
0x1e2: {  	[tilespmem:s25+$0x80] =	vst v14;
	v12 =	vld.idx.msk [tilespmem:v23+s3+$0x0], $0xffff  }
0x1e3: {  	[tilespmem:s25+$0x90] =	vst v13;
	v13 =	vld.idx.msk [tilespmem:v19+s3+$0x0], $0xffff  }
0x1e4: {  	v14 =	vld.idx.msk [tilespmem:v46+s3+$0x0], $0xffff;
	[tilespmem:s25+$0xA0] =	vst v11  }
0x1e5: {  	v17 =	vld.idx.msk [tilespmem:v47+s3+$0x0], $0xffff;
	[tilespmem:s25+$0xB0] =	vst v15  }
0x1e6: {  	v15 =	vld.idx.msk [tilespmem:v48+s3+$0x0], $0xffff;
	[tilespmem:s25+$0x1F0] =	vst v5  }
0x1e7: {  	v10 =	vld.idx.msk [tilespmem:v49+s3+$0x0], $0xffff;
	[tilespmem:s25+$0xC0] =	vst v9  }
.Ltmp6:
0x1e8: {  	v11 =	vld.idx.msk [tilespmem:v50+s3+$0x0], $0xffff;
	[tilespmem:s25+$0xD0] =	vst v12;
	(pc) =	sbr.rel @p0 .LBB2_13-.Ltmp6, $4  }
0x1e9: {  	v12 =	vld.idx.msk [tilespmem:v16+s3+$0x0], $0xffff;
	[tilespmem:s25+$0xE0] =	vst v13  }
0x1ea: {  	[tilespmem:s25+$0x100] =	vst v14;
	v13 =	vld.idx.msk [tilespmem:v28+s3+$0x0], $0xffff  }
0x1eb: {  	v14 =	vld.idx.msk [tilespmem:v8+s3+$0x0], $0xffff;
	[tilespmem:s25+$0x110] =	vst v17  }
0x1ec: {  	s28 =	sadd.s32 $0x80, s28;
	v5 =	vld.idx.msk [tilespmem:v51+s3+$0x0], $0xffff;
	[tilespmem:s25+$0x120] =	vst v15  }
0x1ed: {  	_ =	sdelay $0x1  }
0x1ee: {  	[tilespmem:s25+$0x130] =	vst v10  }
0x1ef: {  	[tilespmem:s25+$0x140] =	vst v11  }
0x1f0: {  	v0 =	vld.idx.msk [tilespmem:v7+s3+$0x0], $0xffff;
	[tilespmem:s24+$0x1E0] =	vst v1  }
0x1f1: {  	[tilespmem:s25+$0x150] =	vst v12;
	v6 =	vld.idx.msk [tilespmem:v6+s3+$0x0], $0xffff  }
0x1f2: {  	v4 =	vld.idx.msk [tilespmem:v4+s3+$0x0], $0xffff;
	[tilespmem:s25+$0x160] =	vst v13  }
0x1f3: {  	v3 =	vld.idx.msk [tilespmem:v3+s3+$0x0], $0xffff;
	[tilespmem:s25+$0x180] =	vst v14  }
0x1f4: {  	s21 =	sadd.s32 $0x1, s21;
	v63 =	vld.idx.msk [tilespmem:v2+s3+$0x0], $0xffff;
	[tilespmem:s25+$0x190] =	vst v5  }
0x1f5: {  	p0 =	sne.s32 s21, $0x4;
	[tilespmem:s25+$0x1A0] =	vst v0  }
.Ltmp7:
0x1f6: {  	s23 =	sshll.u32 s23, $0x11;
	[tilespmem:s25+$0x1B0] =	vst v6;
	(pc) =	sbr.rel @p0 .LBB2_10-.Ltmp7, $4  }
.Ltmp8:
0x1f7: {  	s23 =	sadd.s32 s22, s23;
	[tilespmem:s25+$0x1C0] =	vst v4;
	(pc) =	sbr.rel @!p0 .LBB2_15-.Ltmp8, $4  }
0x1f8: {  	s23 =	sshrl.u32 s23, $0x3;
	[tilespmem:s25+$0x1D0] =	vst v3  }
0x1f9: {  	s23 =	sadd.s32 s2, s23;
	[tilespmem:s25+$0x1E0] =	vst v63  }
0x1fa: {  	[hbm4b:s23+s3] =	stream.linear.scatter [tilespmem:s14], [sflag:$0x4], $0x2000, $0x38;
	[tilespmem:$0x6800] =	vst v63  }
0x1fb: {  	_ = 	snop  }
.LBB2_3:
0x1fc: {  	_ =	swait.ge [sflag:s17], $0x400  }
0x1fd: {  	s23 =	sand.u32 $0x1C000, s23;
	[sflag:s17] =	ssyncset.done $0x0  }
0x1fe: {  	s21 =	simm.s32 $0x0;
	s22 =	sor.u32 s23, s22;
	[sflag:s17] =	ssyncadd.s32 $0xFFFFFC00  }
0x1ff: {  	[tilespmem:s18], [sflag:$0x2] =	stream.linear.gather [hbm4b:s24+s21], $0x400, $0x38;
	[tilespmem:$0x6800] =	vst v63  }
.LBB2_4:
0x200: {  	s23 =	sor.u32 s20, s21  }
0x201: {  	p0 =	seq.s32 s23, $0x0  }
0x202: {  	s23 =	simm.s32 @!p0 $0x3  }
0x203: {  	_ =	swait.ge @!p0 [sflag:s23], $0x2000  }
0x204: {  	[sflag:s23] =	ssyncset.done @!p0 $0x0  }
0x205: {  	s30 =	simm.s32 $0x2040;
	[sflag:s23] =	ssyncadd.s32 @!p0 $0xFFFFE000  }
0x206: {  	v1 =	vld [tilespmem:s30+$0x30]  }
0x207: {  	v2 =	vld [tilespmem:s30+$0xFFFFFFD0]  }
0x208: {  	v3 =	vld [tilespmem:s30+$0xFFFFFFE0]  }
0x209: {  	v4 =	vld [tilespmem:s30+$0xFFFFFFF0]  }
0x20a: {  	s24 =	sshll.u32 s21, $0xB;
	v10 =	vld [tilespmem:s30+$0x10]  }
0x20b: {  	v0 =	vmov s24;
	v5 =	vld [tilespmem:s30+$0x0]  }
0x20c: {  	v9 =	vld [tilespmem:s30+$0xFFFFFFC0];
	v6 =	vadd.s32 v0, v1  }
0x20d: {  	v12 =	vld [tilespmem:s30+$0x20];
	v7 =	vadd.s32 v0, v2  }
0x20e: {  	s31 =	simm.s32 $0x20C0;
	v11 =	vadd.s32 v0, v3  }
0x20f: {  	v51 =	vld [tilespmem:s31+$0x0];
	v22 =	vadd.s32 v0, v10  }
0x210: {  	v52 =	vld [tilespmem:s31+$0x10];
	v13 =	vadd.s32 v0, v4;
	v1 =	vand.u32 $0x7, v1;
	v14 =	vadd.s32 v0, v5  }
0x211: {  	v3 =	vand.u32 $0x7, v3;
	v19 =	vadd.s32 v0, v9;
	v20 =	vand.u32 $0x7, v4;
	v15 =	vld.idx.msk [tilespmem:v6+s3+$0x0], $0xffff  }
0x212: {  	v23 =	vand.u32 $0x7, v5;
	v24 =	vadd.s32 v0, v12;
	v5 =	vand.u32 $0x7, v9;
	v18 =	vld.idx.msk [tilespmem:v7+s3+$0x0], $0xffff  }
0x213: {  	v12 =	vand.u32 $0x7, v12;
	v8 =	vand.u32 $0xFFFFFFF8, v6;
	v17 =	vand.u32 $0xFFFFFFF8, v11;
	v11 =	vld.idx.msk [tilespmem:v11+s3+$0x0], $0xffff  }
0x214: {  	v8 =	vor.u32 v1, v8;
	v1 =	vand.u32 $0x7, v2;
	v2 =	vand.u32 $0xFFFFFFF8, v7;
	v56 =	vld.idx.msk [tilespmem:v22+s3+$0x0], $0xffff  }
0x215: {  	v21 =	vand.u32 $0xFFFFFFF8, v13;
	v16 =	vadd.s32 $0x80, v8;
	v13 =	vld.idx.msk [tilespmem:v13+s3+$0x0], $0xffff;
	v6 =	vor.u32 v1, v2  }
0x216: {  	s23 =	simm.s32 $0x2A00;
	v4 =	vor.u32 v3, v17;
	v2 =	vand.u32 $0xFFFFFFF8, v19;
	v54 =	vld.idx.msk [tilespmem:v19+s3+$0x0], $0xffff;
	v3 =	vadd.s32 $0x80, v6  }
0x217: {  	v9 =	vadd.s32 $0x80, v4;
	v1 =	vand.u32 $0xFFFFFFF8, v14;
	v14 =	vld.idx.msk [tilespmem:v14+s3+$0x0], $0xffff;
	v7 =	vor.u32 v5, v2;
	[tilespmem:s23+$0xFFFFFE70] =	vst v15  }
0x218: {  	v5 =	vor.u32 v20, v21;
	v2 =	vand.u32 $0x7, v10;
	v10 =	vld.idx.msk [tilespmem:v24+s3+$0x0], $0xffff;
	v57 =	vadd.s32 $0x80, v7;
	[tilespmem:s23+$0xFFFFFE10] =	vst v18  }
0x219: {  	v53 =	vand.u32 $0xFFFFFFF8, v22;
	v1 =	vor.u32 v23, v1;
	v58 =	vadd.s32 $0x80, v5;
	[tilespmem:s23+$0xFFFFFE50] =	vst v56;
	v56 =	vld [tilespmem:s31+$0xFFFFFFC0]  }
0x21a: {  	v25 =	vand.u32 $0xFFFFFFF8, v24;
	v2 =	vor.u32 v2, v53;
	[tilespmem:s23+$0xFFFFFE20] =	vst v11;
	v11 =	vadd.s32 $0x80, v1;
	v15 =	vld.idx.msk [tilespmem:v16+s3+$0x0], $0xffff  }
0x21b: {  	[tilespmem:s23+$0xFFFFFE00] =	vst v54;
	v59 =	vld.idx.msk [tilespmem:v3+s3+$0x0], $0xffff;
	v3 =	vor.u32 v12, v25;
	v12 =	vadd.s32 $0x80, v2  }
0x21c: {  	v55 =	vadd.s32 $0x100, v8;
	[tilespmem:s23+$0xFFFFFE30] =	vst v13;
	v9 =	vld.idx.msk [tilespmem:v9+s3+$0x0], $0xffff  }
0x21d: {  	v13 =	vadd.s32 $0x100, v6;
	[tilespmem:s23+$0xFFFFFE40] =	vst v14;
	v61 =	vld.idx.msk [tilespmem:v57+s3+$0x0], $0xffff  }
0x21e: {  	v24 =	vadd.s32 $0x100, v4;
	[tilespmem:s23+$0xFFFFFE60] =	vst v10;
	v14 =	vld.idx.msk [tilespmem:v58+s3+$0x0], $0xffff  }
0x21f: {  	v63 =	vadd.s32 $0x100, v7;
	v11 =	vld.idx.msk [tilespmem:v11+s3+$0x0], $0xffff;
	[tilespmem:s23+$0xFFFFFEF0] =	vst v15  }
0x220: {  	v10 =	vld.idx.msk [tilespmem:v12+s3+$0x0], $0xffff;
	[tilespmem:s23+$0xFFFFFE90] =	vst v59  }
0x221: {  	v15 =	vadd.s32 $0x80, v3;
	[tilespmem:s23+$0xFFFFFEA0] =	vst v9;
	v60 =	vld.idx.msk [tilespmem:v55+s3+$0x0], $0xffff  }
0x222: {  	v12 =	vadd.s32 $0x100, v5;
	v13 =	vld.idx.msk [tilespmem:v13+s3+$0x0], $0xffff;
	[tilespmem:s23+$0xFFFFFE80] =	vst v61  }
0x223: {  	v25 =	vadd.s32 $0x100, v1;
	[tilespmem:s23+$0xFFFFFEB0] =	vst v14;
	v14 =	vld.idx.msk [tilespmem:v24+s3+$0x0], $0xffff  }
0x224: {  	v62 =	vadd.s32 $0x180, v8;
	v9 =	vld.idx.msk [tilespmem:v63+s3+$0x0], $0xffff  }
0x225: {  	v29 =	vadd.s32 $0x180, v7;
	v55 =	vld [tilespmem:s31+$0x20];
	[tilespmem:s23+$0xFFFFFEC0] =	vst v11  }
0x226: {  	v26 =	vadd.s32 $0x100, v2;
	v15 =	vld.idx.msk [tilespmem:v15+s3+$0x0], $0xffff;
	[tilespmem:s23+$0xFFFFFED0] =	vst v10  }
0x227: {  	v11 =	vld.idx.msk [tilespmem:v12+s3+$0x0], $0xffff;
	v12 =	vadd.s32 $0x180, v6;
	[tilespmem:s23+$0xFFFFFF70] =	vst v60  }
0x228: {  	v30 =	vadd.s32 $0x180, v4;
	v10 =	vld.idx.msk [tilespmem:v25+s3+$0x0], $0xffff;
	[tilespmem:s23+$0xFFFFFF10] =	vst v13  }
0x229: {  	v27 =	vadd.s32 $0x100, v3;
	v18 =	vld.idx.msk [tilespmem:v62+s3+$0x0], $0xffff;
	[tilespmem:s23+$0xFFFFFF00] =	vst v9  }
0x22a: {  	v31 =	vadd.s32 $0x180, v5;
	[tilespmem:s23+$0xFFFFFF20] =	vst v14;
	v13 =	vld.idx.msk [tilespmem:v29+s3+$0x0], $0xffff  }
0x22b: {  	v28 =	vadd.s32 $0x200, v8;
	[tilespmem:s23+$0xFFFFFEE0] =	vst v15;
	v15 =	vld.idx.msk [tilespmem:v26+s3+$0x0], $0xffff  }
0x22c: {  	v32 =	vadd.s32 $0x180, v1;
	v12 =	vld.idx.msk [tilespmem:v12+s3+$0x0], $0xffff;
	[tilespmem:s23+$0xFFFFFF30] =	vst v11  }
0x22d: {  	v35 =	vadd.s32 $0x200, v7;
	v11 =	vld.idx.msk [tilespmem:v30+s3+$0x0], $0xffff;
	[tilespmem:s23+$0xFFFFFF40] =	vst v10  }
0x22e: {  	v33 =	vadd.s32 $0x180, v2;
	v19 =	vld.idx.msk [tilespmem:v27+s3+$0x0], $0xffff;
	[tilespmem:s23+$0xFFFFFFF0] =	vst v18  }
0x22f: {  	v36 =	vadd.s32 $0x200, v6;
	v10 =	vld.idx.msk [tilespmem:v31+s3+$0x0], $0xffff;
	[tilespmem:s23+$0xFFFFFF80] =	vst v13  }
0x230: {  	v34 =	vadd.s32 $0x180, v3;
	v9 =	vld.idx.msk [tilespmem:v28+s3+$0x0], $0xffff;
	[tilespmem:s23+$0xFFFFFF50] =	vst v15  }
0x231: {  	v14 =	vadd.s32 $0x280, v8;
	v15 =	vld.idx.msk [tilespmem:v32+s3+$0x0], $0xffff;
	[tilespmem:s23+$0xFFFFFF90] =	vst v12  }
0x232: {  	v37 =	vadd.s32 $0x200, v4;
	v12 =	vld.idx.msk [tilespmem:v35+s3+$0x0], $0xffff;
	[tilespmem:s23+$0xFFFFFFA0] =	vst v11  }
0x233: {  	v38 =	vadd.s32 $0x200, v1;
	v20 =	vld.idx.msk [tilespmem:v33+s3+$0x0], $0xffff;
	[tilespmem:s23+$0xFFFFFF60] =	vst v19  }
0x234: {  	v42 =	vadd.s32 $0x280, v7;
	v11 =	vld.idx.msk [tilespmem:v36+s3+$0x0], $0xffff;
	[tilespmem:s23+$0xFFFFFFB0] =	vst v10  }
0x235: {  	v40 =	vadd.s32 $0x200, v2;
	v13 =	vld.idx.msk [tilespmem:v34+s3+$0x0], $0xffff;
	[tilespmem:s23+$0x70] =	vst v9  }
0x236: {  	v9 =	vadd.s32 $0x200, v5;
	v14 =	vld.idx.msk [tilespmem:v14+s3+$0x0], $0xffff;
	[tilespmem:s23+$0xFFFFFFC0] =	vst v15  }
0x237: {  	v41 =	vadd.s32 $0x200, v3;
	v10 =	vld.idx.msk [tilespmem:v37+s3+$0x0], $0xffff;
	[tilespmem:s23+$0x0] =	vst v12  }
0x238: {  	v39 =	vadd.s32 $0x300, v8;
	v19 =	vld.idx.msk [tilespmem:v38+s3+$0x0], $0xffff;
	[tilespmem:s23+$0xFFFFFFD0] =	vst v20  }
0x239: {  	v15 =	vadd.s32 $0x280, v6;
	[tilespmem:s23+$0x10] =	vst v11;
	v11 =	vld.idx.msk [tilespmem:v42+s3+$0x0], $0xffff  }
0x23a: {  	v44 =	vadd.s32 $0x280, v1;
	[tilespmem:s23+$0xFFFFFFE0] =	vst v13;
	v13 =	vld.idx.msk [tilespmem:v40+s3+$0x0], $0xffff  }
0x23b: {  	v9 =	vld.idx.msk [tilespmem:v9+s3+$0x0], $0xffff;
	[tilespmem:s23+$0xF0] =	vst v14;
	v14 =	vadd.s32 $0x280, v4  }
0x23c: {  	v45 =	vadd.s32 $0x280, v2;
	v12 =	vld.idx.msk [tilespmem:v41+s3+$0x0], $0xffff  }
0x23d: {  	v43 =	vadd.s32 $0x280, v5;
	[tilespmem:s23+$0x20] =	vst v10;
	v16 =	vld.idx.msk [tilespmem:v39+s3+$0x0], $0xffff  }
0x23e: {  	v10 =	vld.idx.msk [tilespmem:v15+s3+$0x0], $0xffff;
	v15 =	vadd.s32 $0x280, v3;
	[tilespmem:s23+$0x40] =	vst v19  }
0x23f: {  	v8 =	vadd.s32 $0x380, v8;
	[tilespmem:s23+$0x50] =	vst v13;
	v13 =	vld.idx.msk [tilespmem:v44+s3+$0x0], $0xffff  }
0x240: {  	[tilespmem:s23+$0x30] =	vst v9;
	v9 =	vld.idx.msk [tilespmem:v14+s3+$0x0], $0xffff;
	v14 =	vadd.s32 $0x300, v7  }
0x241: {  	v46 =	vadd.s32 $0x300, v6;
	[tilespmem:s23+$0x60] =	vst v12;
	v12 =	vld.idx.msk [tilespmem:v45+s3+$0x0], $0xffff  }
0x242: {  	v47 =	vadd.s32 $0x300, v4;
	[tilespmem:s23+$0x80] =	vst v11;
	v20 =	vld.idx.msk [tilespmem:v43+s3+$0x0], $0xffff  }
0x243: {  	v48 =	vadd.s32 $0x300, v5;
	[tilespmem:s23+$0x170] =	vst v16;
	v11 =	vld.idx.msk [tilespmem:v15+s3+$0x0], $0xffff  }
0x244: {  	v15 =	vadd.s32 $0x300, v2;
	v8 =	vld.idx.msk [tilespmem:v8+s3+$0x0], $0xffff  }
0x245: {  	[tilespmem:s23+$0x90] =	vst v10;
	v10 =	vld.idx.msk [tilespmem:v14+s3+$0x0], $0xffff  }
0x246: {  	[tilespmem:s23+$0xA0] =	vst v9;
	v9 =	vld.idx.msk [tilespmem:v46+s3+$0x0], $0xffff  }
0x247: {  	v14 =	vadd.s32 $0x300, v3;
	[tilespmem:s23+$0xB0] =	vst v20;
	v50 =	vld.idx.msk [tilespmem:v47+s3+$0x0], $0xffff  }
0x248: {  	[tilespmem:s23+$0xD0] =	vst v12;
	v17 =	vld.idx.msk [tilespmem:v48+s3+$0x0], $0xffff  }
0x249: {  	v6 =	vadd.s32 $0x380, v6;
	v12 =	vld.idx.msk [tilespmem:v15+s3+$0x0], $0xffff  }
0x24a: {  	[tilespmem:s23+$0xE0] =	vst v11;
	v11 =	vld [tilespmem:s31+$0xFFFFFFD0]  }
0x24b: {  	v7 =	vadd.s32 $0x380, v7;
	v15 =	vld [tilespmem:s31+$0xFFFFFFF0]  }
0x24c: {  	v60 =	vadd.s32 v0, v55;
	[tilespmem:s23+$0x100] =	vst v10;
	v10 =	vld.idx.msk [tilespmem:v14+s3+$0x0], $0xffff  }
0x24d: {  	v4 =	vadd.s32 $0x380, v4;
	[tilespmem:s23+$0x110] =	vst v9;
	v14 =	vld [tilespmem:s31+$0xFFFFFFE0]  }
0x24e: {  	v49 =	vadd.s32 $0x300, v1;
	v9 =	vld.idx.msk [tilespmem:v6+s3+$0x0], $0xffff  }
0x24f: {  	v5 =	vadd.s32 $0x380, v5;
	v6 =	vld [tilespmem:s31+$0x30]  }
0x250: {  	[tilespmem:s23+$0xC0] =	vst v13;
	v7 =	vld.idx.msk [tilespmem:v7+s3+$0x0], $0xffff;
	v54 =	vadd.s32 v0, v11  }
0x251: {  	v63 =	vld.idx.msk [tilespmem:v60+s3+$0x0], $0xffff;
	[tilespmem:s23+$0x120] =	vst v50;
	v58 =	vadd.s32 v0, v15  }
0x252: {  	[tilespmem:s23+$0x1F0] =	vst v8;
	v8 =	vadd.s32 v0, v51;
	v4 =	vld.idx.msk [tilespmem:v4+s3+$0x0], $0xffff  }
0x253: {  	v26 =	vadd.s32 $0x380, v2;
	v28 =	vadd.s32 $0x380, v3;
	v13 =	vld.idx.msk [tilespmem:v49+s3+$0x0], $0xffff;
	[tilespmem:s23+$0x130] =	vst v17;
	v57 =	vadd.s32 v0, v14  }
0x254: {  	[tilespmem:s23+$0x150] =	vst v12;
	v2 =	vand.u32 $0x7, v11;
	v59 =	vld.idx.msk [tilespmem:v5+s3+$0x0], $0xffff;
	v3 =	vand.u32 $0xFFFFFFF8, v54;
	v53 =	vadd.s32 v0, v6  }
0x255: {  	v15 =	vand.u32 $0x7, v15;
	v5 =	vadd.s32 v0, v52;
	v3 =	vor.u32 v2, v3;
	v12 =	vld.idx.msk [tilespmem:v54+s3+$0x0], $0xffff;
	[tilespmem:s23+$0x180] =	vst v7  }
0x256: {  	v11 =	vand.u32 $0x7, v14;
	v6 =	vand.u32 $0x7, v6;
	v7 =	vadd.s32 v0, v56;
	v27 =	vld.idx.msk [tilespmem:v58+s3+$0x0], $0xffff;
	[tilespmem:s23+$0x190] =	vst v9  }
0x257: {  	v9 =	vld.idx.msk [tilespmem:v8+s3+$0x0], $0xffff;
	v14 =	vand.u32 $0xFFFFFFF8, v57;
	v20 =	vand.u32 $0xFFFFFFF8, v53;
	[tilespmem:s23+$0x1A0] =	vst v4;
	v4 =	vand.u32 $0xFFFFFFF8, v58  }
0x258: {  	[tilespmem:s23+$0x160] =	vst v10;
	v2 =	vor.u32 v11, v14;
	v11 =	vadd.s32 $0x80, v3;
	v4 =	vor.u32 v15, v4;
	v10 =	vld.idx.msk [tilespmem:v57+s3+$0x0], $0xffff  }
0x259: {  	s24 =	simm.s32 $0x2E00;
	[tilespmem:s23+$0x140] =	vst v13;
	v6 =	vor.u32 v6, v20;
	v33 =	vadd.s32 $0x80, v4;
	v13 =	vld.idx.msk [tilespmem:v53+s3+$0x0], $0xffff  }
0x25a: {  	v32 =	vld.idx.msk [tilespmem:v26+s3+$0x0], $0xffff;
	v20 =	vadd.s32 $0x80, v6;
	[tilespmem:s24+$0xFFFFFE10] =	vst v12  }
0x25b: {  	v61 =	vld.idx.msk [tilespmem:v5+s3+$0x0], $0xffff;
	v29 =	vadd.s32 $0x80, v2;
	[tilespmem:s24+$0xFFFFFE30] =	vst v27  }
0x25c: {  	v1 =	vadd.s32 $0x380, v1;
	v62 =	vand.u32 $0x7, v51;
	v30 =	vld.idx.msk [tilespmem:v7+s3+$0x0], $0xffff;
	[tilespmem:s24+$0xFFFFFE40] =	vst v9  }
0x25d: {  	v8 =	vand.u32 $0xFFFFFFF8, v8;
	v9 =	vand.u32 $0x7, v52;
	v11 =	vld.idx.msk [tilespmem:v11+s3+$0x0], $0xffff;
	[tilespmem:s24+$0xFFFFFE20] =	vst v10;
	v10 =	vand.u32 $0xFFFFFFF8, v5  }
0x25e: {  	v36 =	vadd.s32 $0x100, v3;
	v17 =	vld.idx.msk [tilespmem:v33+s3+$0x0], $0xffff;
	v5 =	vor.u32 v62, v8;
	[tilespmem:s24+$0xFFFFFE70] =	vst v13;
	v8 =	vor.u32 v9, v10  }
0x25f: {  	[tilespmem:s24+$0xFFFFFE60] =	vst v63;
	v14 =	vand.u32 $0x7, v56;
	v13 =	vand.u32 $0xFFFFFFF8, v7;
	v12 =	vld.idx.msk [tilespmem:v20+s3+$0x0], $0xffff;
	v35 =	vadd.s32 $0x80, v8  }
0x260: {  	[tilespmem:s23+$0x1B0] =	vst v59;
	v16 =	vld.idx.msk [tilespmem:v29+s3+$0x0], $0xffff;
	v7 =	vor.u32 v14, v13;
	v13 =	vadd.s32 $0x100, v6  }
0x261: {  	[tilespmem:s24+$0xFFFFFE50] =	vst v61;
	v14 =	vld.idx.msk [tilespmem:v1+s3+$0x0], $0xffff;
	v15 =	vadd.s32 $0x80, v7  }
0x262: {  	v39 =	vadd.s32 $0x100, v4;
	v1 =	vld.idx.msk [tilespmem:v28+s3+$0x0], $0xffff;
	[tilespmem:s24+$0xFFFFFE90] =	vst v11  }
0x263: {  	v31 =	vand.u32 $0xFFFFFFF8, v60;
	v34 =	vand.u32 $0x7, v55;
	v10 =	vadd.s32 $0x80, v5;
	[tilespmem:s24+$0xFFFFFE00] =	vst v30;
	v19 =	vld.idx.msk [tilespmem:v36+s3+$0x0], $0xffff  }
0x264: {  	v38 =	vadd.s32 $0x100, v2;
	v9 =	vor.u32 v34, v31;
	[tilespmem:s24+$0xFFFFFEF0] =	vst v12;
	v11 =	vld.idx.msk [tilespmem:v35+s3+$0x0], $0xffff  }
0x265: {  	[tilespmem:s24+$0xFFFFFEB0] =	vst v17;
	v12 =	vadd.s32 $0x80, v9;
	v13 =	vld.idx.msk [tilespmem:v13+s3+$0x0], $0xffff  }
0x266: {  	v37 =	vadd.s32 $0x180, v6;
	[tilespmem:s24+$0xFFFFFEA0] =	vst v16;
	v15 =	vld.idx.msk [tilespmem:v15+s3+$0x0], $0xffff  }
0x267: {  	v18 =	vld.idx.msk [tilespmem:v39+s3+$0x0], $0xffff;
	[tilespmem:s23+$0x1C0] =	vst v14;
	v14 =	vadd.s32 $0x100, v7  }
0x268: {  	v44 =	vadd.s32 $0x180, v4;
	v10 =	vld.idx.msk [tilespmem:v10+s3+$0x0], $0xffff;
	[tilespmem:s24+$0xFFFFFF10] =	vst v19  }
0x269: {  	v40 =	vadd.s32 $0x100, v5;
	v42 =	vld.idx.msk [tilespmem:v38+s3+$0x0], $0xffff;
	[tilespmem:s24+$0xFFFFFED0] =	vst v11  }
0x26a: {  	v12 =	vld.idx.msk [tilespmem:v12+s3+$0x0], $0xffff;
	v11 =	vadd.s32 $0x180, v3;
	[tilespmem:s24+$0xFFFFFF70] =	vst v13  }
0x26b: {  	v13 =	vadd.s32 $0x100, v8;
	[tilespmem:s24+$0xFFFFFE80] =	vst v15;
	v15 =	vld.idx.msk [tilespmem:v37+s3+$0x0], $0xffff  }
0x26c: {  	v41 =	vadd.s32 $0x100, v9;
	[tilespmem:s24+$0xFFFFFF30] =	vst v18;
	v14 =	vld.idx.msk [tilespmem:v14+s3+$0x0], $0xffff  }
0x26d: {  	[tilespmem:s24+$0xFFFFFEC0] =	vst v10;
	v10 =	vadd.s32 $0x200, v6;
	v19 =	vld.idx.msk [tilespmem:v44+s3+$0x0], $0xffff  }
0x26e: {  	[tilespmem:s23+$0x1D0] =	vst v32;
	v43 =	vadd.s32 $0x180, v7;
	v16 =	vld.idx.msk [tilespmem:v40+s3+$0x0], $0xffff  }
0x26f: {  	[tilespmem:s24+$0xFFFFFEE0] =	vst v12;
	v12 =	vadd.s32 $0x180, v2;
	v11 =	vld.idx.msk [tilespmem:v11+s3+$0x0], $0xffff  }
0x270: {  	v13 =	vld.idx.msk [tilespmem:v13+s3+$0x0], $0xffff;
	[tilespmem:s24+$0xFFFFFFF0] =	vst v15;
	v15 =	vadd.s32 $0x180, v5  }
0x271: {  	v20 =	vld.idx.msk [tilespmem:v41+s3+$0x0], $0xffff;
	[tilespmem:s24+$0xFFFFFF00] =	vst v14;
	v14 =	vadd.s32 $0x180, v8  }
0x272: {  	v46 =	vadd.s32 $0x180, v9;
	[tilespmem:s24+$0xFFFFFF20] =	vst v42;
	v10 =	vld.idx.msk [tilespmem:v10+s3+$0x0], $0xffff  }
0x273: {  	v45 =	vadd.s32 $0x280, v6;
	[tilespmem:s24+$0xFFFFFF40] =	vst v16;
	v21 =	vld.idx.msk [tilespmem:v43+s3+$0x0], $0xffff  }
0x274: {  	v47 =	vadd.s32 $0x200, v7;
	v12 =	vld.idx.msk [tilespmem:v12+s3+$0x0], $0xffff;
	[tilespmem:s24+$0xFFFFFF90] =	vst v11  }
0x275: {  	[tilespmem:s24+$0xFFFFFF50] =	vst v13;
	v13 =	vadd.s32 $0x200, v3;
	v15 =	vld.idx.msk [tilespmem:v15+s3+$0x0], $0xffff  }
0x276: {  	v48 =	vadd.s32 $0x200, v2;
	[tilespmem:s24+$0xFFFFFF60] =	vst v20;
	v14 =	vld.idx.msk [tilespmem:v14+s3+$0x0], $0xffff  }
0x277: {  	v11 =	vld.idx.msk [tilespmem:v46+s3+$0x0], $0xffff;
	[tilespmem:s24+$0x70] =	vst v10;
	v10 =	vadd.s32 $0x200, v4  }
0x278: {  	v49 =	vadd.s32 $0x200, v5;
	[tilespmem:s24+$0xFFFFFF80] =	vst v21;
	v17 =	vld.idx.msk [tilespmem:v45+s3+$0x0], $0xffff  }
0x279: {  	v50 =	vadd.s32 $0x200, v8;
	[tilespmem:s24+$0xFFFFFFB0] =	vst v19;
	v16 =	vld.idx.msk [tilespmem:v47+s3+$0x0], $0xffff  }
0x27a: {  	[tilespmem:s24+$0xFFFFFFA0] =	vst v12;
	v12 =	vadd.s32 $0x300, v6;
	v13 =	vld.idx.msk [tilespmem:v13+s3+$0x0], $0xffff  }
0x27b: {  	v51 =	vadd.s32 $0x200, v9;
	v20 =	vld.idx.msk [tilespmem:v48+s3+$0x0], $0xffff;
	[tilespmem:s24+$0xFFFFFFC0] =	vst v15  }
0x27c: {  	v15 =	vadd.s32 $0x280, v7;
	[tilespmem:s24+$0xFFFFFFD0] =	vst v14;
	v10 =	vld.idx.msk [tilespmem:v10+s3+$0x0], $0xffff  }
0x27d: {  	v14 =	vadd.s32 $0x280, v3;
	[tilespmem:s24+$0xFFFFFFE0] =	vst v11;
	v21 =	vld.idx.msk [tilespmem:v49+s3+$0x0], $0xffff  }
0x27e: {  	v52 =	vadd.s32 $0x280, v2;
	v53 =	vld.idx.msk [tilespmem:v50+s3+$0x0], $0xffff;
	[tilespmem:s24+$0xF0] =	vst v17  }
0x27f: {  	v54 =	vadd.s32 $0x280, v5;
	[tilespmem:s24+$0x0] =	vst v16;
	v11 =	vld.idx.msk [tilespmem:v12+s3+$0x0], $0xffff  }
0x280: {  	v12 =	vadd.s32 $0x280, v4;
	[tilespmem:s24+$0x10] =	vst v13;
	v13 =	vld.idx.msk [tilespmem:v51+s3+$0x0], $0xffff  }
0x281: {  	v6 =	vadd.s32 $0x380, v6;
	[tilespmem:s24+$0x20] =	vst v20;
	v15 =	vld.idx.msk [tilespmem:v15+s3+$0x0], $0xffff  }
0x282: {  	v55 =	vadd.s32 $0x280, v8;
	v14 =	vld.idx.msk [tilespmem:v14+s3+$0x0], $0xffff;
	[tilespmem:s24+$0x30] =	vst v10  }
0x283: {  	v17 =	vld.idx.msk [tilespmem:v52+s3+$0x0], $0xffff;
	v10 =	vadd.s32 $0x280, v9;
	[tilespmem:s24+$0x40] =	vst v21  }
0x284: {  	v56 =	vadd.s32 $0x300, v7;
	[tilespmem:s24+$0x50] =	vst v53;
	v18 =	vld.idx.msk [tilespmem:v54+s3+$0x0], $0xffff  }
0x285: {  	v57 =	vadd.s32 $0x300, v2;
	v12 =	vld.idx.msk [tilespmem:v12+s3+$0x0], $0xffff;
	[tilespmem:s24+$0x170] =	vst v11  }
0x286: {  	v11 =	vadd.s32 $0x300, v3;
	v6 =	vld.idx.msk [tilespmem:v6+s3+$0x0], $0xffff;
	[tilespmem:s24+$0x60] =	vst v13  }
0x287: {  	v58 =	vadd.s32 $0x300, v5;
	[tilespmem:s24+$0x80] =	vst v15;
	v15 =	vld.idx.msk [tilespmem:v55+s3+$0x0], $0xffff  }
0x288: {  	v13 =	vadd.s32 $0x300, v4;
	[tilespmem:s24+$0x90] =	vst v14;
	v14 =	vld.idx.msk [tilespmem:v10+s3+$0x0], $0xffff  }
0x289: {  	v59 =	vadd.s32 $0x300, v8;
	[tilespmem:s24+$0xA0] =	vst v17;
	v20 =	vld.idx.msk [tilespmem:v56+s3+$0x0], $0xffff  }
0x28a: {  	v60 =	vadd.s32 $0x300, v9;
	v16 =	vld.idx.msk [tilespmem:v57+s3+$0x0], $0xffff;
	[tilespmem:s24+$0xC0] =	vst v18  }
0x28b: {  	v62 =	vadd.s32 $0x380, v7;
	v61 =	vld.idx.msk [tilespmem:v11+s3+$0x0], $0xffff;
	[tilespmem:s24+$0xB0] =	vst v12  }
0x28c: {  	v63 =	vadd.s32 $0x380, v3;
	v11 =	vld.idx.msk [tilespmem:v58+s3+$0x0], $0xffff;
	[tilespmem:s24+$0x1F0] =	vst v6  }
0x28d: {  	v10 =	vld.idx.msk [tilespmem:v13+s3+$0x0], $0xffff;
	[tilespmem:s24+$0xD0] =	vst v15  }
0x28e: {  	v12 =	vld.idx.msk [tilespmem:v59+s3+$0x0], $0xffff;
	[tilespmem:s24+$0xE0] =	vst v14  }
0x28f: {  	[tilespmem:s24+$0x100] =	vst v20;
	v13 =	vld.idx.msk [tilespmem:v60+s3+$0x0], $0xffff  }
0x290: {  	v7 =	vadd.s32 $0x380, v2;
	v2 =	vadd.s32 $0x380, v9;
	v14 =	vld.idx.msk [tilespmem:v62+s3+$0x0], $0xffff;
	[tilespmem:s24+$0x110] =	vst v61  }
0x291: {  	s25 =	sshll.u32 s21, $0x1;
	s26 =	simm.s32 $0x8;
	s28 =	simm.s32 $0x2140;
	v3 =	vadd.s32 $0x380, v8;
	v6 =	vadd.s32 $0x380, v4;
	v4 =	vadd.s32 $0x380, v5;
	[tilespmem:s24+$0x120] =	vst v16;
	v5 =	vld.idx.msk [tilespmem:v63+s3+$0x0], $0xffff  }
.LBB2_5:
0x292: {  	v8 =	vld [tilespmem:s28+$0x30];
	s26 =	sadd.s32 $0x8, s26;
	[tilespmem:s24+$0x130] =	vst v10  }
0x293: {  	v9 =	vld [tilespmem:s28+$0xFFFFFFD0];
	p1 =	slt.u32 s26, $0x38;
	[tilespmem:s24+$0x140] =	vst v11  }
0x294: {  	v10 =	vld [tilespmem:s28+$0xFFFFFFE0];
	[tilespmem:s24+$0x150] =	vst v12  }
0x295: {  	v11 =	vld [tilespmem:s28+$0xFFFFFFF0];
	[tilespmem:s24+$0x160] =	vst v13  }
0x296: {  	v12 =	vld [tilespmem:s28+$0x0];
	[tilespmem:s24+$0x180] =	vst v14  }
0x297: {  	v13 =	vld [tilespmem:s28+$0x10];
	v14 =	vadd.s32 v0, v8;
	[tilespmem:s24+$0x190] =	vst v5  }
0x298: {  	v5 =	vadd.s32 v0, v9;
	v9 =	vand.u32 $0x7, v9;
	v15 =	vld [tilespmem:s28+$0x20];
	[tilespmem:s23+$0x1E0] =	vst v1;
	s23 =	smov.u32 s24  }
0x299: {  	v1 =	vld [tilespmem:s28+$0xFFFFFFC0];
	v16 =	vand.u32 $0xFFFFFFF8, v5;
	v17 =	vadd.s32 v0, v10;
	v10 =	vand.u32 $0x7, v10  }
0x29a: {  	v18 =	vand.u32 $0xFFFFFFF8, v17;
	v19 =	vadd.s32 v0, v11;
	v11 =	vand.u32 $0x7, v11;
	v7 =	vld.idx.msk [tilespmem:v7+s3+$0x0], $0xffff  }
0x29b: {  	v20 =	vand.u32 $0xFFFFFFF8, v19;
	v21 =	vadd.s32 v0, v12;
	v12 =	vand.u32 $0x7, v12;
	v6 =	vld.idx.msk [tilespmem:v6+s3+$0x0], $0xffff  }
0x29c: {  	v8 =	vand.u32 $0x7, v8;
	v22 =	vadd.s32 v0, v13;
	v23 =	vld.idx.msk [tilespmem:v14+s3+$0x0], $0xffff;
	v14 =	vand.u32 $0xFFFFFFF8, v14  }
0x29d: {  	v25 =	vand.u32 $0xFFFFFFF8, v21;
	v24 =	vld.idx.msk [tilespmem:v5+s3+$0x0], $0xffff;
	v26 =	vadd.s32 v0, v15;
	v5 =	vor.u32 v8, v14  }
0x29e: {  	v8 =	vadd.s32 v0, v1;
	v14 =	vld.idx.msk [tilespmem:v17+s3+$0x0], $0xffff;
	v17 =	vand.u32 $0xFFFFFFF8, v22;
	v27 =	vadd.s32 $0x80, v5  }
0x29f: {  	v1 =	vand.u32 $0x7, v1;
	v29 =	vand.u32 $0xFFFFFFF8, v26;
	v28 =	vand.u32 $0xFFFFFFF8, v8;
	v19 =	vld.idx.msk [tilespmem:v19+s3+$0x0], $0xffff  }
0x2a0: {  	v13 =	vand.u32 $0x7, v13;
	v15 =	vand.u32 $0x7, v15;
	v28 =	vor.u32 v1, v28;
	v1 =	vld.idx.msk [tilespmem:v21+s3+$0x0], $0xffff;
	[tilespmem:s24+$0x1A0] =	vst v7  }
0x2a1: {  	v7 =	vor.u32 v9, v16;
	v9 =	vor.u32 v10, v18;
	v10 =	vor.u32 v11, v20;
	s24 =	sadd.s32 $0x400, s24;
	v11 =	vld.idx.msk [tilespmem:v22+s3+$0x0], $0xffff  }
0x2a2: {  	v12 =	vor.u32 v12, v25;
	v13 =	vor.u32 v13, v17;
	v16 =	vadd.s32 $0x80, v28;
	v17 =	vld.idx.msk [tilespmem:v26+s3+$0x0], $0xffff;
	[tilespmem:s24+$0xFFFFFE70] =	vst v23  }
0x2a3: {  	v15 =	vor.u32 v15, v29;
	v18 =	vadd.s32 $0x80, v7;
	v20 =	vadd.s32 $0x80, v9;
	[tilespmem:s24+$0xFFFFFE10] =	vst v24;
	v21 =	vld.idx.msk [tilespmem:v27+s3+$0x0], $0xffff  }
0x2a4: {  	v22 =	vadd.s32 $0x80, v12;
	v23 =	vadd.s32 $0x80, v13;
	v8 =	vld.idx.msk [tilespmem:v8+s3+$0x0], $0xffff;
	[tilespmem:s24+$0xFFFFFE20] =	vst v14;
	v14 =	vadd.s32 $0x80, v10  }
0x2a5: {  	v25 =	vadd.s32 $0x100, v5;
	v24 =	vadd.s32 $0x100, v28;
	[tilespmem:s24+$0xFFFFFE30] =	vst v19;
	v19 =	vadd.s32 $0x80, v15;
	v4 =	vld.idx.msk [tilespmem:v4+s3+$0x0], $0xffff  }
0x2a6: {  	v29 =	vadd.s32 $0x100, v10;
	v26 =	vadd.s32 $0x100, v7;
	v27 =	vadd.s32 $0x100, v9;
	[tilespmem:s24+$0xFFFFFE40] =	vst v1;
	v3 =	vld.idx.msk [tilespmem:v3+s3+$0x0], $0xffff  }
0x2a7: {  	v30 =	vadd.s32 $0x100, v12;
	v31 =	vadd.s32 $0x100, v15;
	[tilespmem:s24+$0xFFFFFE50] =	vst v11;
	v11 =	vadd.s32 $0x100, v13;
	v1 =	vld.idx.msk [tilespmem:v2+s3+$0x0], $0xffff  }
0x2a8: {  	v32 =	vadd.s32 $0x180, v28;
	v33 =	vadd.s32 $0x180, v9;
	v2 =	vld.idx.msk [tilespmem:v18+s3+$0x0], $0xffff;
	v18 =	vadd.s32 $0x180, v7;
	[tilespmem:s24+$0xFFFFFE60] =	vst v17  }
0x2a9: {  	v34 =	vadd.s32 $0x180, v12;
	v35 =	vadd.s32 $0x180, v13;
	v17 =	vld.idx.msk [tilespmem:v20+s3+$0x0], $0xffff;
	v20 =	vadd.s32 $0x180, v10;
	[tilespmem:s24+$0xFFFFFEF0] =	vst v21  }
0x2aa: {  	v37 =	vadd.s32 $0x180, v15;
	v36 =	vadd.s32 $0x200, v7;
	v21 =	vadd.s32 $0x200, v28;
	[tilespmem:s24+$0xFFFFFE00] =	vst v8;
	v8 =	vld.idx.msk [tilespmem:v25+s3+$0x0], $0xffff  }
0x2ab: {  	v39 =	vadd.s32 $0x200, v12;
	v38 =	vadd.s32 $0x200, v10;
	v25 =	vadd.s32 $0x200, v9;
	v16 =	vld.idx.msk [tilespmem:v16+s3+$0x0], $0xffff;
	[tilespmem:s23+$0x1B0] =	vst v6  }
0x2ac: {  	v41 =	vadd.s32 $0x180, v5;
	v40 =	vadd.s32 $0x200, v15;
	v6 =	vld.idx.msk [tilespmem:v14+s3+$0x0], $0xffff;
	v14 =	vadd.s32 $0x200, v13;
	[tilespmem:s23+$0x1C0] =	vst v4  }
0x2ad: {  	v42 =	vadd.s32 $0x280, v28;
	v43 =	vadd.s32 $0x280, v7;
	v44 =	vadd.s32 $0x280, v9;
	v4 =	vld.idx.msk [tilespmem:v22+s3+$0x0], $0xffff;
	[tilespmem:s23+$0x1D0] =	vst v3  }
0x2ae: {  	v45 =	vadd.s32 $0x280, v12;
	v22 =	vadd.s32 $0x280, v10;
	[tilespmem:s24+$0xFFFFFE90] =	vst v2;
	v2 =	vld.idx.msk [tilespmem:v23+s3+$0x0], $0xffff;
	v23 =	vadd.s32 $0x280, v13  }
0x2af: {  	v46 =	vadd.s32 $0x300, v28;
	v47 =	vadd.s32 $0x300, v7;
	[tilespmem:s24+$0xFFFFFEA0] =	vst v17;
	v17 =	vld.idx.msk [tilespmem:v19+s3+$0x0], $0xffff;
	v19 =	vadd.s32 $0x280, v15  }
0x2b0: {  	v50 =	vadd.s32 $0x300, v12;
	v48 =	vadd.s32 $0x300, v9;
	v49 =	vadd.s32 $0x300, v10;
	v26 =	vld.idx.msk [tilespmem:v26+s3+$0x0], $0xffff;
	[tilespmem:s24+$0xFFFFFF70] =	vst v8  }
0x2b1: {  	v8 =	vadd.s32 $0x380, v28;
	v28 =	vadd.s32 $0x300, v15;
	[tilespmem:s24+$0xFFFFFE80] =	vst v16;
	v16 =	vadd.s32 $0x300, v13;
	v41 =	vld.idx.msk [tilespmem:v41+s3+$0x0], $0xffff  }
0x2b2: {  	v51 =	vadd.s32 $0x380, v7;
	v7 =	vadd.s32 $0x380, v9;
	v24 =	vld.idx.msk [tilespmem:v24+s3+$0x0], $0xffff;
	[tilespmem:s24+$0xFFFFFEB0] =	vst v6;
	v6 =	vadd.s32 $0x380, v10  }
0x2b3: {  	v3 =	vadd.s32 $0x380, v13;
	v10 =	vadd.s32 $0x200, v5;
	v9 =	vld.idx.msk [tilespmem:v27+s3+$0x0], $0xffff;
	[tilespmem:s24+$0xFFFFFEC0] =	vst v4;
	v4 =	vadd.s32 $0x380, v12  }
0x2b4: {  	v12 =	vld.idx.msk [tilespmem:v29+s3+$0x0], $0xffff;
	[tilespmem:s24+$0xFFFFFED0] =	vst v2;
	v2 =	vadd.s32 $0x380, v15  }
0x2b5: {  	v13 =	vld.idx.msk [tilespmem:v30+s3+$0x0], $0xffff;
	[tilespmem:s24+$0xFFFFFEE0] =	vst v17  }
0x2b6: {  	[tilespmem:s24+$0xFFFFFF10] =	vst v26;
	v11 =	vld.idx.msk [tilespmem:v11+s3+$0x0], $0xffff  }
0x2b7: {  	v15 =	vld.idx.msk [tilespmem:v31+s3+$0x0], $0xffff;
	[tilespmem:s24+$0xFFFFFFF0] =	vst v41  }
0x2b8: {  	[tilespmem:s24+$0xFFFFFF00] =	vst v24;
	v10 =	vld.idx.msk [tilespmem:v10+s3+$0x0], $0xffff  }
0x2b9: {  	v17 =	vld.idx.msk [tilespmem:v32+s3+$0x0], $0xffff;
	[tilespmem:s24+$0xFFFFFF20] =	vst v9  }
0x2ba: {  	v9 =	vld.idx.msk [tilespmem:v18+s3+$0x0], $0xffff;
	[tilespmem:s24+$0xFFFFFF30] =	vst v12;
	v12 =	vadd.s32 $0x280, v5  }
0x2bb: {  	v18 =	vld.idx.msk [tilespmem:v33+s3+$0x0], $0xffff;
	[tilespmem:s24+$0xFFFFFF40] =	vst v13  }
0x2bc: {  	v13 =	vld.idx.msk [tilespmem:v20+s3+$0x0], $0xffff;
	[tilespmem:s24+$0xFFFFFF50] =	vst v11  }
0x2bd: {  	v11 =	vld.idx.msk [tilespmem:v34+s3+$0x0], $0xffff;
	[tilespmem:s24+$0xFFFFFF60] =	vst v15  }
0x2be: {  	v15 =	vld.idx.msk [tilespmem:v35+s3+$0x0], $0xffff;
	[tilespmem:s24+$0x70] =	vst v10  }
0x2bf: {  	[tilespmem:s24+$0xFFFFFF80] =	vst v17;
	v10 =	vld.idx.msk [tilespmem:v12+s3+$0x0], $0xffff  }
0x2c0: {  	[tilespmem:s24+$0xFFFFFF90] =	vst v9;
	v9 =	vld.idx.msk [tilespmem:v37+s3+$0x0], $0xffff  }
0x2c1: {  	v17 =	vadd.s32 $0x300, v5;
	v12 =	vld.idx.msk [tilespmem:v21+s3+$0x0], $0xffff;
	[tilespmem:s24+$0xFFFFFFA0] =	vst v18  }
0x2c2: {  	v18 =	vld.idx.msk [tilespmem:v36+s3+$0x0], $0xffff;
	[tilespmem:s24+$0xFFFFFFB0] =	vst v13  }
0x2c3: {  	v13 =	vld.idx.msk [tilespmem:v25+s3+$0x0], $0xffff;
	[tilespmem:s24+$0xFFFFFFC0] =	vst v11  }
0x2c4: {  	v11 =	vld.idx.msk [tilespmem:v38+s3+$0x0], $0xffff;
	[tilespmem:s24+$0xFFFFFFD0] =	vst v15  }
0x2c5: {  	v15 =	vld.idx.msk [tilespmem:v39+s3+$0x0], $0xffff;
	[tilespmem:s24+$0xF0] =	vst v10  }
0x2c6: {  	[tilespmem:s24+$0xFFFFFFE0] =	vst v9;
	v9 =	vld.idx.msk [tilespmem:v17+s3+$0x0], $0xffff  }
0x2c7: {  	[tilespmem:s24+$0x0] =	vst v12;
	v10 =	vld.idx.msk [tilespmem:v14+s3+$0x0], $0xffff  }
0x2c8: {  	v5 =	vadd.s32 $0x380, v5;
	[tilespmem:s24+$0x10] =	vst v18;
	v12 =	vld.idx.msk [tilespmem:v40+s3+$0x0], $0xffff  }
0x2c9: {  	v14 =	vld.idx.msk [tilespmem:v42+s3+$0x0], $0xffff;
	[tilespmem:s24+$0x20] =	vst v13  }
0x2ca: {  	v13 =	vld.idx.msk [tilespmem:v43+s3+$0x0], $0xffff;
	[tilespmem:s24+$0x30] =	vst v11  }
0x2cb: {  	v11 =	vld.idx.msk [tilespmem:v44+s3+$0x0], $0xffff;
	[tilespmem:s24+$0x40] =	vst v15  }
0x2cc: {  	v15 =	vld.idx.msk [tilespmem:v22+s3+$0x0], $0xffff;
	[tilespmem:s24+$0x170] =	vst v9  }
0x2cd: {  	[tilespmem:s24+$0x50] =	vst v10;
	v5 =	vld.idx.msk [tilespmem:v5+s3+$0x0], $0xffff  }
0x2ce: {  	v9 =	vld.idx.msk [tilespmem:v45+s3+$0x0], $0xffff;
	[tilespmem:s24+$0x60] =	vst v12  }
0x2cf: {  	[tilespmem:s24+$0x80] =	vst v14;
	v12 =	vld.idx.msk [tilespmem:v23+s3+$0x0], $0xffff  }
0x2d0: {  	[tilespmem:s24+$0x90] =	vst v13;
	v13 =	vld.idx.msk [tilespmem:v19+s3+$0x0], $0xffff  }
0x2d1: {  	v14 =	vld.idx.msk [tilespmem:v46+s3+$0x0], $0xffff;
	[tilespmem:s24+$0xA0] =	vst v11  }
0x2d2: {  	v17 =	vld.idx.msk [tilespmem:v47+s3+$0x0], $0xffff;
	[tilespmem:s24+$0xB0] =	vst v15  }
0x2d3: {  	v15 =	vld.idx.msk [tilespmem:v48+s3+$0x0], $0xffff;
	[tilespmem:s24+$0x1F0] =	vst v5  }
0x2d4: {  	v10 =	vld.idx.msk [tilespmem:v49+s3+$0x0], $0xffff;
	[tilespmem:s24+$0xC0] =	vst v9  }
.Ltmp9:
0x2d5: {  	v11 =	vld.idx.msk [tilespmem:v50+s3+$0x0], $0xffff;
	[tilespmem:s24+$0xD0] =	vst v12;
	(pc) =	sbr.rel @p1 .LBB2_5-.Ltmp9, $4  }
0x2d6: {  	v12 =	vld.idx.msk [tilespmem:v16+s3+$0x0], $0xffff;
	[tilespmem:s24+$0xE0] =	vst v13  }
0x2d7: {  	[tilespmem:s24+$0x100] =	vst v14;
	v13 =	vld.idx.msk [tilespmem:v28+s3+$0x0], $0xffff  }
0x2d8: {  	v14 =	vld.idx.msk [tilespmem:v8+s3+$0x0], $0xffff;
	[tilespmem:s24+$0x110] =	vst v17  }
0x2d9: {  	s28 =	sadd.s32 $0x80, s28;
	v5 =	vld.idx.msk [tilespmem:v51+s3+$0x0], $0xffff;
	[tilespmem:s24+$0x120] =	vst v15  }
0x2da: {  	_ =	sdelay $0x1  }
0x2db: {  	[tilespmem:s24+$0x130] =	vst v10  }
0x2dc: {  	[tilespmem:s24+$0x140] =	vst v11  }
0x2dd: {  	v0 =	vld.idx.msk [tilespmem:v7+s3+$0x0], $0xffff;
	[tilespmem:s23+$0x1E0] =	vst v1  }
0x2de: {  	[tilespmem:s24+$0x150] =	vst v12;
	v6 =	vld.idx.msk [tilespmem:v6+s3+$0x0], $0xffff  }
0x2df: {  	v4 =	vld.idx.msk [tilespmem:v4+s3+$0x0], $0xffff;
	[tilespmem:s24+$0x160] =	vst v13  }
0x2e0: {  	v3 =	vld.idx.msk [tilespmem:v3+s3+$0x0], $0xffff;
	[tilespmem:s24+$0x180] =	vst v14  }
0x2e1: {  	v1 =	vld.idx.msk [tilespmem:v2+s3+$0x0], $0xffff;
	[tilespmem:s24+$0x190] =	vst v5  }
0x2e2: {  	[tilespmem:s24+$0x1A0] =	vst v0  }
0x2e3: {  	s29 =	sshll.u32 s21, $0x12;
	[tilespmem:s24+$0x1B0] =	vst v6  }
0x2e4: {  	s23 =	sadd.s32 s22, s29;
	[tilespmem:s24+$0x1C0] =	vst v4  }
0x2e5: {  	s23 =	sshrl.u32 s23, $0x3;
	[tilespmem:s24+$0x1D0] =	vst v3  }
0x2e6: {  	s23 =	sadd.s32 s2, s23;
	[tilespmem:s24+$0x1E0] =	vst v1  }
0x2e7: {  	[hbm4b:s23+s3] =	stream.linear.scatter [tilespmem:s13], [sflag:$0x3], $0x2000, $0x38;
	[tilespmem:$0x6800] =	vst v63  }
0x2e8: {  	s23 =	simm.s32 @!p0 $0x4  }
0x2e9: {  	_ =	swait.ge @!p0 [sflag:s23], $0x2000  }
0x2ea: {  	[sflag:s23] =	ssyncset.done @!p0 $0x0  }
0x2eb: {  	s30 =	simm.s32 $0x2040;
	[sflag:s23] =	ssyncadd.s32 @!p0 $0xFFFFE000  }
0x2ec: {  	v1 =	vld [tilespmem:s30+$0x30]  }
0x2ed: {  	v2 =	vld [tilespmem:s30+$0xFFFFFFD0]  }
0x2ee: {  	v3 =	vld [tilespmem:s30+$0xFFFFFFE0]  }
0x2ef: {  	s23 =	sor.u32 $0x1, s25;
	v4 =	vld [tilespmem:s30+$0xFFFFFFF0]  }
0x2f0: {  	s25 =	sshll.u32 s23, $0xA;
	v10 =	vld [tilespmem:s30+$0x10]  }
0x2f1: {  	v5 =	vld [tilespmem:s30+$0x0];
	v0 =	vmov s25  }
0x2f2: {  	v9 =	vld [tilespmem:s30+$0xFFFFFFC0];
	v6 =	vadd.s32 v0, v1  }
0x2f3: {  	v12 =	vld [tilespmem:s30+$0x20];
	v7 =	vadd.s32 v0, v2  }
0x2f4: {  	s31 =	simm.s32 $0x20C0;
	v11 =	vadd.s32 v0, v3  }
0x2f5: {  	v51 =	vld [tilespmem:s31+$0x0];
	v22 =	vadd.s32 v0, v10  }
0x2f6: {  	v52 =	vld [tilespmem:s31+$0x10];
	v13 =	vadd.s32 v0, v4;
	v1 =	vand.u32 $0x7, v1;
	v14 =	vadd.s32 v0, v5  }
0x2f7: {  	v3 =	vand.u32 $0x7, v3;
	v19 =	vadd.s32 v0, v9;
	v20 =	vand.u32 $0x7, v4;
	v15 =	vld.idx.msk [tilespmem:v6+s3+$0x0], $0xffff  }
0x2f8: {  	v23 =	vand.u32 $0x7, v5;
	v24 =	vadd.s32 v0, v12;
	v5 =	vand.u32 $0x7, v9;
	v18 =	vld.idx.msk [tilespmem:v7+s3+$0x0], $0xffff  }
0x2f9: {  	v12 =	vand.u32 $0x7, v12;
	v8 =	vand.u32 $0xFFFFFFF8, v6;
	v17 =	vand.u32 $0xFFFFFFF8, v11;
	v11 =	vld.idx.msk [tilespmem:v11+s3+$0x0], $0xffff  }
0x2fa: {  	v8 =	vor.u32 v1, v8;
	v1 =	vand.u32 $0x7, v2;
	v2 =	vand.u32 $0xFFFFFFF8, v7;
	v56 =	vld.idx.msk [tilespmem:v22+s3+$0x0], $0xffff  }
0x2fb: {  	v21 =	vand.u32 $0xFFFFFFF8, v13;
	v16 =	vadd.s32 $0x80, v8;
	v13 =	vld.idx.msk [tilespmem:v13+s3+$0x0], $0xffff;
	v6 =	vor.u32 v1, v2  }
0x2fc: {  	s24 =	simm.s32 $0x4A00;
	v4 =	vor.u32 v3, v17;
	v2 =	vand.u32 $0xFFFFFFF8, v19;
	v54 =	vld.idx.msk [tilespmem:v19+s3+$0x0], $0xffff;
	v3 =	vadd.s32 $0x80, v6  }
0x2fd: {  	v9 =	vadd.s32 $0x80, v4;
	v1 =	vand.u32 $0xFFFFFFF8, v14;
	v14 =	vld.idx.msk [tilespmem:v14+s3+$0x0], $0xffff;
	v7 =	vor.u32 v5, v2;
	[tilespmem:s24+$0xFFFFFE70] =	vst v15  }
0x2fe: {  	v5 =	vor.u32 v20, v21;
	v2 =	vand.u32 $0x7, v10;
	v10 =	vld.idx.msk [tilespmem:v24+s3+$0x0], $0xffff;
	v57 =	vadd.s32 $0x80, v7;
	[tilespmem:s24+$0xFFFFFE10] =	vst v18  }
0x2ff: {  	v53 =	vand.u32 $0xFFFFFFF8, v22;
	v1 =	vor.u32 v23, v1;
	v58 =	vadd.s32 $0x80, v5;
	[tilespmem:s24+$0xFFFFFE50] =	vst v56;
	v56 =	vld [tilespmem:s31+$0xFFFFFFC0]  }
0x300: {  	v25 =	vand.u32 $0xFFFFFFF8, v24;
	v2 =	vor.u32 v2, v53;
	[tilespmem:s24+$0xFFFFFE20] =	vst v11;
	v11 =	vadd.s32 $0x80, v1;
	v15 =	vld.idx.msk [tilespmem:v16+s3+$0x0], $0xffff  }
0x301: {  	[tilespmem:s24+$0xFFFFFE00] =	vst v54;
	v59 =	vld.idx.msk [tilespmem:v3+s3+$0x0], $0xffff;
	v3 =	vor.u32 v12, v25;
	v12 =	vadd.s32 $0x80, v2  }
0x302: {  	v55 =	vadd.s32 $0x100, v8;
	[tilespmem:s24+$0xFFFFFE30] =	vst v13;
	v9 =	vld.idx.msk [tilespmem:v9+s3+$0x0], $0xffff  }
0x303: {  	v13 =	vadd.s32 $0x100, v6;
	[tilespmem:s24+$0xFFFFFE40] =	vst v14;
	v61 =	vld.idx.msk [tilespmem:v57+s3+$0x0], $0xffff  }
0x304: {  	v24 =	vadd.s32 $0x100, v4;
	[tilespmem:s24+$0xFFFFFE60] =	vst v10;
	v14 =	vld.idx.msk [tilespmem:v58+s3+$0x0], $0xffff  }
0x305: {  	v63 =	vadd.s32 $0x100, v7;
	v11 =	vld.idx.msk [tilespmem:v11+s3+$0x0], $0xffff;
	[tilespmem:s24+$0xFFFFFEF0] =	vst v15  }
0x306: {  	v10 =	vld.idx.msk [tilespmem:v12+s3+$0x0], $0xffff;
	[tilespmem:s24+$0xFFFFFE90] =	vst v59  }
0x307: {  	v15 =	vadd.s32 $0x80, v3;
	[tilespmem:s24+$0xFFFFFEA0] =	vst v9;
	v60 =	vld.idx.msk [tilespmem:v55+s3+$0x0], $0xffff  }
0x308: {  	v12 =	vadd.s32 $0x100, v5;
	v13 =	vld.idx.msk [tilespmem:v13+s3+$0x0], $0xffff;
	[tilespmem:s24+$0xFFFFFE80] =	vst v61  }
0x309: {  	v25 =	vadd.s32 $0x100, v1;
	[tilespmem:s24+$0xFFFFFEB0] =	vst v14;
	v14 =	vld.idx.msk [tilespmem:v24+s3+$0x0], $0xffff  }
0x30a: {  	v62 =	vadd.s32 $0x180, v8;
	v9 =	vld.idx.msk [tilespmem:v63+s3+$0x0], $0xffff  }
0x30b: {  	v29 =	vadd.s32 $0x180, v7;
	v55 =	vld [tilespmem:s31+$0x20];
	[tilespmem:s24+$0xFFFFFEC0] =	vst v11  }
0x30c: {  	v26 =	vadd.s32 $0x100, v2;
	v15 =	vld.idx.msk [tilespmem:v15+s3+$0x0], $0xffff;
	[tilespmem:s24+$0xFFFFFED0] =	vst v10  }
0x30d: {  	v11 =	vld.idx.msk [tilespmem:v12+s3+$0x0], $0xffff;
	v12 =	vadd.s32 $0x180, v6;
	[tilespmem:s24+$0xFFFFFF70] =	vst v60  }
0x30e: {  	v30 =	vadd.s32 $0x180, v4;
	v10 =	vld.idx.msk [tilespmem:v25+s3+$0x0], $0xffff;
	[tilespmem:s24+$0xFFFFFF10] =	vst v13  }
0x30f: {  	v27 =	vadd.s32 $0x100, v3;
	v18 =	vld.idx.msk [tilespmem:v62+s3+$0x0], $0xffff;
	[tilespmem:s24+$0xFFFFFF00] =	vst v9  }
0x310: {  	v31 =	vadd.s32 $0x180, v5;
	[tilespmem:s24+$0xFFFFFF20] =	vst v14;
	v13 =	vld.idx.msk [tilespmem:v29+s3+$0x0], $0xffff  }
0x311: {  	v28 =	vadd.s32 $0x200, v8;
	[tilespmem:s24+$0xFFFFFEE0] =	vst v15;
	v15 =	vld.idx.msk [tilespmem:v26+s3+$0x0], $0xffff  }
0x312: {  	v32 =	vadd.s32 $0x180, v1;
	v12 =	vld.idx.msk [tilespmem:v12+s3+$0x0], $0xffff;
	[tilespmem:s24+$0xFFFFFF30] =	vst v11  }
0x313: {  	v35 =	vadd.s32 $0x200, v7;
	v11 =	vld.idx.msk [tilespmem:v30+s3+$0x0], $0xffff;
	[tilespmem:s24+$0xFFFFFF40] =	vst v10  }
0x314: {  	v33 =	vadd.s32 $0x180, v2;
	v19 =	vld.idx.msk [tilespmem:v27+s3+$0x0], $0xffff;
	[tilespmem:s24+$0xFFFFFFF0] =	vst v18  }
0x315: {  	v36 =	vadd.s32 $0x200, v6;
	v10 =	vld.idx.msk [tilespmem:v31+s3+$0x0], $0xffff;
	[tilespmem:s24+$0xFFFFFF80] =	vst v13  }
0x316: {  	v34 =	vadd.s32 $0x180, v3;
	v9 =	vld.idx.msk [tilespmem:v28+s3+$0x0], $0xffff;
	[tilespmem:s24+$0xFFFFFF50] =	vst v15  }
0x317: {  	v14 =	vadd.s32 $0x280, v8;
	v15 =	vld.idx.msk [tilespmem:v32+s3+$0x0], $0xffff;
	[tilespmem:s24+$0xFFFFFF90] =	vst v12  }
0x318: {  	v37 =	vadd.s32 $0x200, v4;
	v12 =	vld.idx.msk [tilespmem:v35+s3+$0x0], $0xffff;
	[tilespmem:s24+$0xFFFFFFA0] =	vst v11  }
0x319: {  	v38 =	vadd.s32 $0x200, v1;
	v20 =	vld.idx.msk [tilespmem:v33+s3+$0x0], $0xffff;
	[tilespmem:s24+$0xFFFFFF60] =	vst v19  }
0x31a: {  	v42 =	vadd.s32 $0x280, v7;
	v11 =	vld.idx.msk [tilespmem:v36+s3+$0x0], $0xffff;
	[tilespmem:s24+$0xFFFFFFB0] =	vst v10  }
0x31b: {  	v40 =	vadd.s32 $0x200, v2;
	v13 =	vld.idx.msk [tilespmem:v34+s3+$0x0], $0xffff;
	[tilespmem:s24+$0x70] =	vst v9  }
0x31c: {  	v9 =	vadd.s32 $0x200, v5;
	v14 =	vld.idx.msk [tilespmem:v14+s3+$0x0], $0xffff;
	[tilespmem:s24+$0xFFFFFFC0] =	vst v15  }
0x31d: {  	v41 =	vadd.s32 $0x200, v3;
	v10 =	vld.idx.msk [tilespmem:v37+s3+$0x0], $0xffff;
	[tilespmem:s24+$0x0] =	vst v12  }
0x31e: {  	v39 =	vadd.s32 $0x300, v8;
	v19 =	vld.idx.msk [tilespmem:v38+s3+$0x0], $0xffff;
	[tilespmem:s24+$0xFFFFFFD0] =	vst v20  }
0x31f: {  	v15 =	vadd.s32 $0x280, v6;
	[tilespmem:s24+$0x10] =	vst v11;
	v11 =	vld.idx.msk [tilespmem:v42+s3+$0x0], $0xffff  }
0x320: {  	v44 =	vadd.s32 $0x280, v1;
	[tilespmem:s24+$0xFFFFFFE0] =	vst v13;
	v13 =	vld.idx.msk [tilespmem:v40+s3+$0x0], $0xffff  }
0x321: {  	v9 =	vld.idx.msk [tilespmem:v9+s3+$0x0], $0xffff;
	[tilespmem:s24+$0xF0] =	vst v14;
	v14 =	vadd.s32 $0x280, v4  }
0x322: {  	v45 =	vadd.s32 $0x280, v2;
	v12 =	vld.idx.msk [tilespmem:v41+s3+$0x0], $0xffff  }
0x323: {  	v43 =	vadd.s32 $0x280, v5;
	[tilespmem:s24+$0x20] =	vst v10;
	v16 =	vld.idx.msk [tilespmem:v39+s3+$0x0], $0xffff  }
0x324: {  	v10 =	vld.idx.msk [tilespmem:v15+s3+$0x0], $0xffff;
	v15 =	vadd.s32 $0x280, v3;
	[tilespmem:s24+$0x40] =	vst v19  }
0x325: {  	v8 =	vadd.s32 $0x380, v8;
	[tilespmem:s24+$0x50] =	vst v13;
	v13 =	vld.idx.msk [tilespmem:v44+s3+$0x0], $0xffff  }
0x326: {  	[tilespmem:s24+$0x30] =	vst v9;
	v9 =	vld.idx.msk [tilespmem:v14+s3+$0x0], $0xffff;
	v14 =	vadd.s32 $0x300, v7  }
0x327: {  	v46 =	vadd.s32 $0x300, v6;
	[tilespmem:s24+$0x60] =	vst v12;
	v12 =	vld.idx.msk [tilespmem:v45+s3+$0x0], $0xffff  }
0x328: {  	v47 =	vadd.s32 $0x300, v4;
	[tilespmem:s24+$0x80] =	vst v11;
	v20 =	vld.idx.msk [tilespmem:v43+s3+$0x0], $0xffff  }
0x329: {  	v48 =	vadd.s32 $0x300, v5;
	[tilespmem:s24+$0x170] =	vst v16;
	v11 =	vld.idx.msk [tilespmem:v15+s3+$0x0], $0xffff  }
0x32a: {  	v15 =	vadd.s32 $0x300, v2;
	v8 =	vld.idx.msk [tilespmem:v8+s3+$0x0], $0xffff  }
0x32b: {  	[tilespmem:s24+$0x90] =	vst v10;
	v10 =	vld.idx.msk [tilespmem:v14+s3+$0x0], $0xffff  }
0x32c: {  	[tilespmem:s24+$0xA0] =	vst v9;
	v9 =	vld.idx.msk [tilespmem:v46+s3+$0x0], $0xffff  }
0x32d: {  	v14 =	vadd.s32 $0x300, v3;
	[tilespmem:s24+$0xB0] =	vst v20;
	v50 =	vld.idx.msk [tilespmem:v47+s3+$0x0], $0xffff  }
0x32e: {  	[tilespmem:s24+$0xD0] =	vst v12;
	v17 =	vld.idx.msk [tilespmem:v48+s3+$0x0], $0xffff  }
0x32f: {  	v6 =	vadd.s32 $0x380, v6;
	v12 =	vld.idx.msk [tilespmem:v15+s3+$0x0], $0xffff  }
0x330: {  	[tilespmem:s24+$0xE0] =	vst v11;
	v11 =	vld [tilespmem:s31+$0xFFFFFFD0]  }
0x331: {  	v7 =	vadd.s32 $0x380, v7;
	v15 =	vld [tilespmem:s31+$0xFFFFFFF0]  }
0x332: {  	v60 =	vadd.s32 v0, v55;
	[tilespmem:s24+$0x100] =	vst v10;
	v10 =	vld.idx.msk [tilespmem:v14+s3+$0x0], $0xffff  }
0x333: {  	v4 =	vadd.s32 $0x380, v4;
	[tilespmem:s24+$0x110] =	vst v9;
	v14 =	vld [tilespmem:s31+$0xFFFFFFE0]  }
0x334: {  	v49 =	vadd.s32 $0x300, v1;
	v9 =	vld.idx.msk [tilespmem:v6+s3+$0x0], $0xffff  }
0x335: {  	v5 =	vadd.s32 $0x380, v5;
	v6 =	vld [tilespmem:s31+$0x30]  }
0x336: {  	[tilespmem:s24+$0xC0] =	vst v13;
	v7 =	vld.idx.msk [tilespmem:v7+s3+$0x0], $0xffff;
	v54 =	vadd.s32 v0, v11  }
0x337: {  	v63 =	vld.idx.msk [tilespmem:v60+s3+$0x0], $0xffff;
	[tilespmem:s24+$0x120] =	vst v50;
	v58 =	vadd.s32 v0, v15  }
0x338: {  	[tilespmem:s24+$0x1F0] =	vst v8;
	v8 =	vadd.s32 v0, v51;
	v4 =	vld.idx.msk [tilespmem:v4+s3+$0x0], $0xffff  }
0x339: {  	v26 =	vadd.s32 $0x380, v2;
	v28 =	vadd.s32 $0x380, v3;
	v13 =	vld.idx.msk [tilespmem:v49+s3+$0x0], $0xffff;
	[tilespmem:s24+$0x130] =	vst v17;
	v57 =	vadd.s32 v0, v14  }
0x33a: {  	[tilespmem:s24+$0x150] =	vst v12;
	v2 =	vand.u32 $0x7, v11;
	v59 =	vld.idx.msk [tilespmem:v5+s3+$0x0], $0xffff;
	v3 =	vand.u32 $0xFFFFFFF8, v54;
	v53 =	vadd.s32 v0, v6  }
0x33b: {  	v15 =	vand.u32 $0x7, v15;
	v5 =	vadd.s32 v0, v52;
	v3 =	vor.u32 v2, v3;
	v12 =	vld.idx.msk [tilespmem:v54+s3+$0x0], $0xffff;
	[tilespmem:s24+$0x180] =	vst v7  }
0x33c: {  	v11 =	vand.u32 $0x7, v14;
	v6 =	vand.u32 $0x7, v6;
	v7 =	vadd.s32 v0, v56;
	v27 =	vld.idx.msk [tilespmem:v58+s3+$0x0], $0xffff;
	[tilespmem:s24+$0x190] =	vst v9  }
0x33d: {  	v9 =	vld.idx.msk [tilespmem:v8+s3+$0x0], $0xffff;
	v14 =	vand.u32 $0xFFFFFFF8, v57;
	v20 =	vand.u32 $0xFFFFFFF8, v53;
	[tilespmem:s24+$0x1A0] =	vst v4;
	v4 =	vand.u32 $0xFFFFFFF8, v58  }
0x33e: {  	[tilespmem:s24+$0x160] =	vst v10;
	v2 =	vor.u32 v11, v14;
	v11 =	vadd.s32 $0x80, v3;
	v4 =	vor.u32 v15, v4;
	v10 =	vld.idx.msk [tilespmem:v57+s3+$0x0], $0xffff  }
0x33f: {  	s25 =	simm.s32 $0x4E00;
	[tilespmem:s24+$0x140] =	vst v13;
	v6 =	vor.u32 v6, v20;
	v33 =	vadd.s32 $0x80, v4;
	v13 =	vld.idx.msk [tilespmem:v53+s3+$0x0], $0xffff  }
0x340: {  	v32 =	vld.idx.msk [tilespmem:v26+s3+$0x0], $0xffff;
	v20 =	vadd.s32 $0x80, v6;
	[tilespmem:s25+$0xFFFFFE10] =	vst v12  }
0x341: {  	v61 =	vld.idx.msk [tilespmem:v5+s3+$0x0], $0xffff;
	v29 =	vadd.s32 $0x80, v2;
	[tilespmem:s25+$0xFFFFFE30] =	vst v27  }
0x342: {  	v1 =	vadd.s32 $0x380, v1;
	v62 =	vand.u32 $0x7, v51;
	v30 =	vld.idx.msk [tilespmem:v7+s3+$0x0], $0xffff;
	[tilespmem:s25+$0xFFFFFE40] =	vst v9  }
0x343: {  	v8 =	vand.u32 $0xFFFFFFF8, v8;
	v9 =	vand.u32 $0x7, v52;
	v11 =	vld.idx.msk [tilespmem:v11+s3+$0x0], $0xffff;
	[tilespmem:s25+$0xFFFFFE20] =	vst v10;
	v10 =	vand.u32 $0xFFFFFFF8, v5  }
0x344: {  	v36 =	vadd.s32 $0x100, v3;
	v17 =	vld.idx.msk [tilespmem:v33+s3+$0x0], $0xffff;
	v5 =	vor.u32 v62, v8;
	[tilespmem:s25+$0xFFFFFE70] =	vst v13;
	v8 =	vor.u32 v9, v10  }
0x345: {  	[tilespmem:s25+$0xFFFFFE60] =	vst v63;
	v14 =	vand.u32 $0x7, v56;
	v13 =	vand.u32 $0xFFFFFFF8, v7;
	v12 =	vld.idx.msk [tilespmem:v20+s3+$0x0], $0xffff;
	v35 =	vadd.s32 $0x80, v8  }
0x346: {  	[tilespmem:s24+$0x1B0] =	vst v59;
	v16 =	vld.idx.msk [tilespmem:v29+s3+$0x0], $0xffff;
	v7 =	vor.u32 v14, v13;
	v13 =	vadd.s32 $0x100, v6  }
0x347: {  	[tilespmem:s25+$0xFFFFFE50] =	vst v61;
	v14 =	vld.idx.msk [tilespmem:v1+s3+$0x0], $0xffff;
	v15 =	vadd.s32 $0x80, v7  }
0x348: {  	v39 =	vadd.s32 $0x100, v4;
	v1 =	vld.idx.msk [tilespmem:v28+s3+$0x0], $0xffff;
	[tilespmem:s25+$0xFFFFFE90] =	vst v11  }
0x349: {  	v31 =	vand.u32 $0xFFFFFFF8, v60;
	v34 =	vand.u32 $0x7, v55;
	v10 =	vadd.s32 $0x80, v5;
	[tilespmem:s25+$0xFFFFFE00] =	vst v30;
	v19 =	vld.idx.msk [tilespmem:v36+s3+$0x0], $0xffff  }
0x34a: {  	v38 =	vadd.s32 $0x100, v2;
	v9 =	vor.u32 v34, v31;
	[tilespmem:s25+$0xFFFFFEF0] =	vst v12;
	v11 =	vld.idx.msk [tilespmem:v35+s3+$0x0], $0xffff  }
0x34b: {  	[tilespmem:s25+$0xFFFFFEB0] =	vst v17;
	v12 =	vadd.s32 $0x80, v9;
	v13 =	vld.idx.msk [tilespmem:v13+s3+$0x0], $0xffff  }
0x34c: {  	v37 =	vadd.s32 $0x180, v6;
	[tilespmem:s25+$0xFFFFFEA0] =	vst v16;
	v15 =	vld.idx.msk [tilespmem:v15+s3+$0x0], $0xffff  }
0x34d: {  	v18 =	vld.idx.msk [tilespmem:v39+s3+$0x0], $0xffff;
	[tilespmem:s24+$0x1C0] =	vst v14;
	v14 =	vadd.s32 $0x100, v7  }
0x34e: {  	v44 =	vadd.s32 $0x180, v4;
	v10 =	vld.idx.msk [tilespmem:v10+s3+$0x0], $0xffff;
	[tilespmem:s25+$0xFFFFFF10] =	vst v19  }
0x34f: {  	v40 =	vadd.s32 $0x100, v5;
	v42 =	vld.idx.msk [tilespmem:v38+s3+$0x0], $0xffff;
	[tilespmem:s25+$0xFFFFFED0] =	vst v11  }
0x350: {  	v12 =	vld.idx.msk [tilespmem:v12+s3+$0x0], $0xffff;
	v11 =	vadd.s32 $0x180, v3;
	[tilespmem:s25+$0xFFFFFF70] =	vst v13  }
0x351: {  	v13 =	vadd.s32 $0x100, v8;
	[tilespmem:s25+$0xFFFFFE80] =	vst v15;
	v15 =	vld.idx.msk [tilespmem:v37+s3+$0x0], $0xffff  }
0x352: {  	v41 =	vadd.s32 $0x100, v9;
	[tilespmem:s25+$0xFFFFFF30] =	vst v18;
	v14 =	vld.idx.msk [tilespmem:v14+s3+$0x0], $0xffff  }
0x353: {  	[tilespmem:s25+$0xFFFFFEC0] =	vst v10;
	v10 =	vadd.s32 $0x200, v6;
	v19 =	vld.idx.msk [tilespmem:v44+s3+$0x0], $0xffff  }
0x354: {  	[tilespmem:s24+$0x1D0] =	vst v32;
	v43 =	vadd.s32 $0x180, v7;
	v16 =	vld.idx.msk [tilespmem:v40+s3+$0x0], $0xffff  }
0x355: {  	[tilespmem:s25+$0xFFFFFEE0] =	vst v12;
	v12 =	vadd.s32 $0x180, v2;
	v11 =	vld.idx.msk [tilespmem:v11+s3+$0x0], $0xffff  }
0x356: {  	v13 =	vld.idx.msk [tilespmem:v13+s3+$0x0], $0xffff;
	[tilespmem:s25+$0xFFFFFFF0] =	vst v15;
	v15 =	vadd.s32 $0x180, v5  }
0x357: {  	v20 =	vld.idx.msk [tilespmem:v41+s3+$0x0], $0xffff;
	[tilespmem:s25+$0xFFFFFF00] =	vst v14;
	v14 =	vadd.s32 $0x180, v8  }
0x358: {  	v46 =	vadd.s32 $0x180, v9;
	[tilespmem:s25+$0xFFFFFF20] =	vst v42;
	v10 =	vld.idx.msk [tilespmem:v10+s3+$0x0], $0xffff  }
0x359: {  	v45 =	vadd.s32 $0x280, v6;
	[tilespmem:s25+$0xFFFFFF40] =	vst v16;
	v21 =	vld.idx.msk [tilespmem:v43+s3+$0x0], $0xffff  }
0x35a: {  	v47 =	vadd.s32 $0x200, v7;
	v12 =	vld.idx.msk [tilespmem:v12+s3+$0x0], $0xffff;
	[tilespmem:s25+$0xFFFFFF90] =	vst v11  }
0x35b: {  	[tilespmem:s25+$0xFFFFFF50] =	vst v13;
	v13 =	vadd.s32 $0x200, v3;
	v15 =	vld.idx.msk [tilespmem:v15+s3+$0x0], $0xffff  }
0x35c: {  	v48 =	vadd.s32 $0x200, v2;
	[tilespmem:s25+$0xFFFFFF60] =	vst v20;
	v14 =	vld.idx.msk [tilespmem:v14+s3+$0x0], $0xffff  }
0x35d: {  	v11 =	vld.idx.msk [tilespmem:v46+s3+$0x0], $0xffff;
	[tilespmem:s25+$0x70] =	vst v10;
	v10 =	vadd.s32 $0x200, v4  }
0x35e: {  	v49 =	vadd.s32 $0x200, v5;
	[tilespmem:s25+$0xFFFFFF80] =	vst v21;
	v17 =	vld.idx.msk [tilespmem:v45+s3+$0x0], $0xffff  }
0x35f: {  	v50 =	vadd.s32 $0x200, v8;
	[tilespmem:s25+$0xFFFFFFB0] =	vst v19;
	v16 =	vld.idx.msk [tilespmem:v47+s3+$0x0], $0xffff  }
0x360: {  	[tilespmem:s25+$0xFFFFFFA0] =	vst v12;
	v12 =	vadd.s32 $0x300, v6;
	v13 =	vld.idx.msk [tilespmem:v13+s3+$0x0], $0xffff  }
0x361: {  	v51 =	vadd.s32 $0x200, v9;
	v20 =	vld.idx.msk [tilespmem:v48+s3+$0x0], $0xffff;
	[tilespmem:s25+$0xFFFFFFC0] =	vst v15  }
0x362: {  	v15 =	vadd.s32 $0x280, v7;
	[tilespmem:s25+$0xFFFFFFD0] =	vst v14;
	v10 =	vld.idx.msk [tilespmem:v10+s3+$0x0], $0xffff  }
0x363: {  	v14 =	vadd.s32 $0x280, v3;
	[tilespmem:s25+$0xFFFFFFE0] =	vst v11;
	v21 =	vld.idx.msk [tilespmem:v49+s3+$0x0], $0xffff  }
0x364: {  	v52 =	vadd.s32 $0x280, v2;
	v53 =	vld.idx.msk [tilespmem:v50+s3+$0x0], $0xffff;
	[tilespmem:s25+$0xF0] =	vst v17  }
0x365: {  	v54 =	vadd.s32 $0x280, v5;
	[tilespmem:s25+$0x0] =	vst v16;
	v11 =	vld.idx.msk [tilespmem:v12+s3+$0x0], $0xffff  }
0x366: {  	v12 =	vadd.s32 $0x280, v4;
	[tilespmem:s25+$0x10] =	vst v13;
	v13 =	vld.idx.msk [tilespmem:v51+s3+$0x0], $0xffff  }
0x367: {  	v6 =	vadd.s32 $0x380, v6;
	[tilespmem:s25+$0x20] =	vst v20;
	v15 =	vld.idx.msk [tilespmem:v15+s3+$0x0], $0xffff  }
0x368: {  	v55 =	vadd.s32 $0x280, v8;
	v14 =	vld.idx.msk [tilespmem:v14+s3+$0x0], $0xffff;
	[tilespmem:s25+$0x30] =	vst v10  }
0x369: {  	v17 =	vld.idx.msk [tilespmem:v52+s3+$0x0], $0xffff;
	v10 =	vadd.s32 $0x280, v9;
	[tilespmem:s25+$0x40] =	vst v21  }
0x36a: {  	v56 =	vadd.s32 $0x300, v7;
	[tilespmem:s25+$0x50] =	vst v53;
	v18 =	vld.idx.msk [tilespmem:v54+s3+$0x0], $0xffff  }
0x36b: {  	v57 =	vadd.s32 $0x300, v2;
	v12 =	vld.idx.msk [tilespmem:v12+s3+$0x0], $0xffff;
	[tilespmem:s25+$0x170] =	vst v11  }
0x36c: {  	v11 =	vadd.s32 $0x300, v3;
	v6 =	vld.idx.msk [tilespmem:v6+s3+$0x0], $0xffff;
	[tilespmem:s25+$0x60] =	vst v13  }
0x36d: {  	v58 =	vadd.s32 $0x300, v5;
	[tilespmem:s25+$0x80] =	vst v15;
	v15 =	vld.idx.msk [tilespmem:v55+s3+$0x0], $0xffff  }
0x36e: {  	v13 =	vadd.s32 $0x300, v4;
	[tilespmem:s25+$0x90] =	vst v14;
	v14 =	vld.idx.msk [tilespmem:v10+s3+$0x0], $0xffff  }
0x36f: {  	v59 =	vadd.s32 $0x300, v8;
	[tilespmem:s25+$0xA0] =	vst v17;
	v20 =	vld.idx.msk [tilespmem:v56+s3+$0x0], $0xffff  }
0x370: {  	v60 =	vadd.s32 $0x300, v9;
	v16 =	vld.idx.msk [tilespmem:v57+s3+$0x0], $0xffff;
	[tilespmem:s25+$0xC0] =	vst v18  }
0x371: {  	v62 =	vadd.s32 $0x380, v7;
	v61 =	vld.idx.msk [tilespmem:v11+s3+$0x0], $0xffff;
	[tilespmem:s25+$0xB0] =	vst v12  }
0x372: {  	v63 =	vadd.s32 $0x380, v3;
	v11 =	vld.idx.msk [tilespmem:v58+s3+$0x0], $0xffff;
	[tilespmem:s25+$0x1F0] =	vst v6  }
0x373: {  	v10 =	vld.idx.msk [tilespmem:v13+s3+$0x0], $0xffff;
	[tilespmem:s25+$0xD0] =	vst v15  }
0x374: {  	v12 =	vld.idx.msk [tilespmem:v59+s3+$0x0], $0xffff;
	[tilespmem:s25+$0xE0] =	vst v14  }
0x375: {  	[tilespmem:s25+$0x100] =	vst v20;
	v13 =	vld.idx.msk [tilespmem:v60+s3+$0x0], $0xffff  }
0x376: {  	v7 =	vadd.s32 $0x380, v2;
	v2 =	vadd.s32 $0x380, v9;
	v14 =	vld.idx.msk [tilespmem:v62+s3+$0x0], $0xffff;
	[tilespmem:s25+$0x110] =	vst v61  }
0x377: {  	s26 =	simm.s32 $0x8;
	s28 =	simm.s32 $0x2140;
	v3 =	vadd.s32 $0x380, v8;
	v6 =	vadd.s32 $0x380, v4;
	v4 =	vadd.s32 $0x380, v5;
	[tilespmem:s25+$0x120] =	vst v16;
	v5 =	vld.idx.msk [tilespmem:v63+s3+$0x0], $0xffff  }
.LBB2_7:
0x378: {  	v8 =	vld [tilespmem:s28+$0x30];
	s26 =	sadd.s32 $0x8, s26;
	[tilespmem:s25+$0x130] =	vst v10  }
0x379: {  	v9 =	vld [tilespmem:s28+$0xFFFFFFD0];
	p0 =	slt.u32 s26, $0x38;
	[tilespmem:s25+$0x140] =	vst v11  }
0x37a: {  	v10 =	vld [tilespmem:s28+$0xFFFFFFE0];
	[tilespmem:s25+$0x150] =	vst v12  }
0x37b: {  	v11 =	vld [tilespmem:s28+$0xFFFFFFF0];
	[tilespmem:s25+$0x160] =	vst v13  }
0x37c: {  	v12 =	vld [tilespmem:s28+$0x0];
	[tilespmem:s25+$0x180] =	vst v14  }
0x37d: {  	v13 =	vld [tilespmem:s28+$0x10];
	v14 =	vadd.s32 v0, v8;
	[tilespmem:s25+$0x190] =	vst v5  }
0x37e: {  	v5 =	vadd.s32 v0, v9;
	v9 =	vand.u32 $0x7, v9;
	v15 =	vld [tilespmem:s28+$0x20];
	[tilespmem:s24+$0x1E0] =	vst v1;
	s24 =	smov.u32 s25  }
0x37f: {  	v1 =	vld [tilespmem:s28+$0xFFFFFFC0];
	v16 =	vand.u32 $0xFFFFFFF8, v5;
	v17 =	vadd.s32 v0, v10;
	v10 =	vand.u32 $0x7, v10  }
0x380: {  	v18 =	vand.u32 $0xFFFFFFF8, v17;
	v19 =	vadd.s32 v0, v11;
	v11 =	vand.u32 $0x7, v11;
	v7 =	vld.idx.msk [tilespmem:v7+s3+$0x0], $0xffff  }
0x381: {  	v20 =	vand.u32 $0xFFFFFFF8, v19;
	v21 =	vadd.s32 v0, v12;
	v12 =	vand.u32 $0x7, v12;
	v6 =	vld.idx.msk [tilespmem:v6+s3+$0x0], $0xffff  }
0x382: {  	v8 =	vand.u32 $0x7, v8;
	v22 =	vadd.s32 v0, v13;
	v23 =	vld.idx.msk [tilespmem:v14+s3+$0x0], $0xffff;
	v14 =	vand.u32 $0xFFFFFFF8, v14  }
0x383: {  	v25 =	vand.u32 $0xFFFFFFF8, v21;
	v24 =	vld.idx.msk [tilespmem:v5+s3+$0x0], $0xffff;
	v26 =	vadd.s32 v0, v15;
	v5 =	vor.u32 v8, v14  }
0x384: {  	v8 =	vadd.s32 v0, v1;
	v14 =	vld.idx.msk [tilespmem:v17+s3+$0x0], $0xffff;
	v17 =	vand.u32 $0xFFFFFFF8, v22;
	v27 =	vadd.s32 $0x80, v5  }
0x385: {  	v1 =	vand.u32 $0x7, v1;
	v29 =	vand.u32 $0xFFFFFFF8, v26;
	v28 =	vand.u32 $0xFFFFFFF8, v8;
	v19 =	vld.idx.msk [tilespmem:v19+s3+$0x0], $0xffff  }
0x386: {  	v13 =	vand.u32 $0x7, v13;
	v15 =	vand.u32 $0x7, v15;
	v28 =	vor.u32 v1, v28;
	v1 =	vld.idx.msk [tilespmem:v21+s3+$0x0], $0xffff;
	[tilespmem:s25+$0x1A0] =	vst v7  }
0x387: {  	v7 =	vor.u32 v9, v16;
	v9 =	vor.u32 v10, v18;
	v10 =	vor.u32 v11, v20;
	s25 =	sadd.s32 $0x400, s25;
	v11 =	vld.idx.msk [tilespmem:v22+s3+$0x0], $0xffff  }
0x388: {  	v12 =	vor.u32 v12, v25;
	v13 =	vor.u32 v13, v17;
	v16 =	vadd.s32 $0x80, v28;
	v17 =	vld.idx.msk [tilespmem:v26+s3+$0x0], $0xffff;
	[tilespmem:s25+$0xFFFFFE70] =	vst v23  }
0x389: {  	v15 =	vor.u32 v15, v29;
	v18 =	vadd.s32 $0x80, v7;
	v20 =	vadd.s32 $0x80, v9;
	[tilespmem:s25+$0xFFFFFE10] =	vst v24;
	v21 =	vld.idx.msk [tilespmem:v27+s3+$0x0], $0xffff  }
0x38a: {  	v22 =	vadd.s32 $0x80, v12;
	v23 =	vadd.s32 $0x80, v13;
	v8 =	vld.idx.msk [tilespmem:v8+s3+$0x0], $0xffff;
	[tilespmem:s25+$0xFFFFFE20] =	vst v14;
	v14 =	vadd.s32 $0x80, v10  }
0x38b: {  	v25 =	vadd.s32 $0x100, v5;
	v24 =	vadd.s32 $0x100, v28;
	[tilespmem:s25+$0xFFFFFE30] =	vst v19;
	v19 =	vadd.s32 $0x80, v15;
	v4 =	vld.idx.msk [tilespmem:v4+s3+$0x0], $0xffff  }
0x38c: {  	v29 =	vadd.s32 $0x100, v10;
	v26 =	vadd.s32 $0x100, v7;
	v27 =	vadd.s32 $0x100, v9;
	[tilespmem:s25+$0xFFFFFE40] =	vst v1;
	v3 =	vld.idx.msk [tilespmem:v3+s3+$0x0], $0xffff  }
0x38d: {  	v30 =	vadd.s32 $0x100, v12;
	v31 =	vadd.s32 $0x100, v15;
	[tilespmem:s25+$0xFFFFFE50] =	vst v11;
	v11 =	vadd.s32 $0x100, v13;
	v1 =	vld.idx.msk [tilespmem:v2+s3+$0x0], $0xffff  }
0x38e: {  	v32 =	vadd.s32 $0x180, v28;
	v33 =	vadd.s32 $0x180, v9;
	v2 =	vld.idx.msk [tilespmem:v18+s3+$0x0], $0xffff;
	v18 =	vadd.s32 $0x180, v7;
	[tilespmem:s25+$0xFFFFFE60] =	vst v17  }
0x38f: {  	v34 =	vadd.s32 $0x180, v12;
	v35 =	vadd.s32 $0x180, v13;
	v17 =	vld.idx.msk [tilespmem:v20+s3+$0x0], $0xffff;
	v20 =	vadd.s32 $0x180, v10;
	[tilespmem:s25+$0xFFFFFEF0] =	vst v21  }
0x390: {  	v37 =	vadd.s32 $0x180, v15;
	v36 =	vadd.s32 $0x200, v7;
	v21 =	vadd.s32 $0x200, v28;
	[tilespmem:s25+$0xFFFFFE00] =	vst v8;
	v8 =	vld.idx.msk [tilespmem:v25+s3+$0x0], $0xffff  }
0x391: {  	v39 =	vadd.s32 $0x200, v12;
	v38 =	vadd.s32 $0x200, v10;
	v25 =	vadd.s32 $0x200, v9;
	v16 =	vld.idx.msk [tilespmem:v16+s3+$0x0], $0xffff;
	[tilespmem:s24+$0x1B0] =	vst v6  }
0x392: {  	v41 =	vadd.s32 $0x180, v5;
	v40 =	vadd.s32 $0x200, v15;
	v6 =	vld.idx.msk [tilespmem:v14+s3+$0x0], $0xffff;
	v14 =	vadd.s32 $0x200, v13;
	[tilespmem:s24+$0x1C0] =	vst v4  }
0x393: {  	v42 =	vadd.s32 $0x280, v28;
	v43 =	vadd.s32 $0x280, v7;
	v44 =	vadd.s32 $0x280, v9;
	v4 =	vld.idx.msk [tilespmem:v22+s3+$0x0], $0xffff;
	[tilespmem:s24+$0x1D0] =	vst v3  }
0x394: {  	v45 =	vadd.s32 $0x280, v12;
	v22 =	vadd.s32 $0x280, v10;
	[tilespmem:s25+$0xFFFFFE90] =	vst v2;
	v2 =	vld.idx.msk [tilespmem:v23+s3+$0x0], $0xffff;
	v23 =	vadd.s32 $0x280, v13  }
0x395: {  	v46 =	vadd.s32 $0x300, v28;
	v47 =	vadd.s32 $0x300, v7;
	[tilespmem:s25+$0xFFFFFEA0] =	vst v17;
	v17 =	vld.idx.msk [tilespmem:v19+s3+$0x0], $0xffff;
	v19 =	vadd.s32 $0x280, v15  }
0x396: {  	v50 =	vadd.s32 $0x300, v12;
	v48 =	vadd.s32 $0x300, v9;
	v49 =	vadd.s32 $0x300, v10;
	v26 =	vld.idx.msk [tilespmem:v26+s3+$0x0], $0xffff;
	[tilespmem:s25+$0xFFFFFF70] =	vst v8  }
0x397: {  	v8 =	vadd.s32 $0x380, v28;
	v28 =	vadd.s32 $0x300, v15;
	[tilespmem:s25+$0xFFFFFE80] =	vst v16;
	v16 =	vadd.s32 $0x300, v13;
	v41 =	vld.idx.msk [tilespmem:v41+s3+$0x0], $0xffff  }
0x398: {  	v51 =	vadd.s32 $0x380, v7;
	v7 =	vadd.s32 $0x380, v9;
	v24 =	vld.idx.msk [tilespmem:v24+s3+$0x0], $0xffff;
	[tilespmem:s25+$0xFFFFFEB0] =	vst v6;
	v6 =	vadd.s32 $0x380, v10  }
0x399: {  	v3 =	vadd.s32 $0x380, v13;
	v10 =	vadd.s32 $0x200, v5;
	v9 =	vld.idx.msk [tilespmem:v27+s3+$0x0], $0xffff;
	[tilespmem:s25+$0xFFFFFEC0] =	vst v4;
	v4 =	vadd.s32 $0x380, v12  }
0x39a: {  	v12 =	vld.idx.msk [tilespmem:v29+s3+$0x0], $0xffff;
	[tilespmem:s25+$0xFFFFFED0] =	vst v2;
	v2 =	vadd.s32 $0x380, v15  }
0x39b: {  	v13 =	vld.idx.msk [tilespmem:v30+s3+$0x0], $0xffff;
	[tilespmem:s25+$0xFFFFFEE0] =	vst v17  }
0x39c: {  	[tilespmem:s25+$0xFFFFFF10] =	vst v26;
	v11 =	vld.idx.msk [tilespmem:v11+s3+$0x0], $0xffff  }
0x39d: {  	v15 =	vld.idx.msk [tilespmem:v31+s3+$0x0], $0xffff;
	[tilespmem:s25+$0xFFFFFFF0] =	vst v41  }
0x39e: {  	[tilespmem:s25+$0xFFFFFF00] =	vst v24;
	v10 =	vld.idx.msk [tilespmem:v10+s3+$0x0], $0xffff  }
0x39f: {  	v17 =	vld.idx.msk [tilespmem:v32+s3+$0x0], $0xffff;
	[tilespmem:s25+$0xFFFFFF20] =	vst v9  }
0x3a0: {  	v9 =	vld.idx.msk [tilespmem:v18+s3+$0x0], $0xffff;
	[tilespmem:s25+$0xFFFFFF30] =	vst v12;
	v12 =	vadd.s32 $0x280, v5  }
0x3a1: {  	v18 =	vld.idx.msk [tilespmem:v33+s3+$0x0], $0xffff;
	[tilespmem:s25+$0xFFFFFF40] =	vst v13  }
0x3a2: {  	v13 =	vld.idx.msk [tilespmem:v20+s3+$0x0], $0xffff;
	[tilespmem:s25+$0xFFFFFF50] =	vst v11  }
0x3a3: {  	v11 =	vld.idx.msk [tilespmem:v34+s3+$0x0], $0xffff;
	[tilespmem:s25+$0xFFFFFF60] =	vst v15  }
0x3a4: {  	v15 =	vld.idx.msk [tilespmem:v35+s3+$0x0], $0xffff;
	[tilespmem:s25+$0x70] =	vst v10  }
0x3a5: {  	[tilespmem:s25+$0xFFFFFF80] =	vst v17;
	v10 =	vld.idx.msk [tilespmem:v12+s3+$0x0], $0xffff  }
0x3a6: {  	[tilespmem:s25+$0xFFFFFF90] =	vst v9;
	v9 =	vld.idx.msk [tilespmem:v37+s3+$0x0], $0xffff  }
0x3a7: {  	v17 =	vadd.s32 $0x300, v5;
	v12 =	vld.idx.msk [tilespmem:v21+s3+$0x0], $0xffff;
	[tilespmem:s25+$0xFFFFFFA0] =	vst v18  }
0x3a8: {  	v18 =	vld.idx.msk [tilespmem:v36+s3+$0x0], $0xffff;
	[tilespmem:s25+$0xFFFFFFB0] =	vst v13  }
0x3a9: {  	v13 =	vld.idx.msk [tilespmem:v25+s3+$0x0], $0xffff;
	[tilespmem:s25+$0xFFFFFFC0] =	vst v11  }
0x3aa: {  	v11 =	vld.idx.msk [tilespmem:v38+s3+$0x0], $0xffff;
	[tilespmem:s25+$0xFFFFFFD0] =	vst v15  }
0x3ab: {  	v15 =	vld.idx.msk [tilespmem:v39+s3+$0x0], $0xffff;
	[tilespmem:s25+$0xF0] =	vst v10  }
0x3ac: {  	[tilespmem:s25+$0xFFFFFFE0] =	vst v9;
	v9 =	vld.idx.msk [tilespmem:v17+s3+$0x0], $0xffff  }
0x3ad: {  	[tilespmem:s25+$0x0] =	vst v12;
	v10 =	vld.idx.msk [tilespmem:v14+s3+$0x0], $0xffff  }
0x3ae: {  	v5 =	vadd.s32 $0x380, v5;
	[tilespmem:s25+$0x10] =	vst v18;
	v12 =	vld.idx.msk [tilespmem:v40+s3+$0x0], $0xffff  }
0x3af: {  	v14 =	vld.idx.msk [tilespmem:v42+s3+$0x0], $0xffff;
	[tilespmem:s25+$0x20] =	vst v13  }
0x3b0: {  	v13 =	vld.idx.msk [tilespmem:v43+s3+$0x0], $0xffff;
	[tilespmem:s25+$0x30] =	vst v11  }
0x3b1: {  	v11 =	vld.idx.msk [tilespmem:v44+s3+$0x0], $0xffff;
	[tilespmem:s25+$0x40] =	vst v15  }
0x3b2: {  	v15 =	vld.idx.msk [tilespmem:v22+s3+$0x0], $0xffff;
	[tilespmem:s25+$0x170] =	vst v9  }
0x3b3: {  	[tilespmem:s25+$0x50] =	vst v10;
	v5 =	vld.idx.msk [tilespmem:v5+s3+$0x0], $0xffff  }
0x3b4: {  	v9 =	vld.idx.msk [tilespmem:v45+s3+$0x0], $0xffff;
	[tilespmem:s25+$0x60] =	vst v12  }
0x3b5: {  	[tilespmem:s25+$0x80] =	vst v14;
	v12 =	vld.idx.msk [tilespmem:v23+s3+$0x0], $0xffff  }
0x3b6: {  	[tilespmem:s25+$0x90] =	vst v13;
	v13 =	vld.idx.msk [tilespmem:v19+s3+$0x0], $0xffff  }
0x3b7: {  	v14 =	vld.idx.msk [tilespmem:v46+s3+$0x0], $0xffff;
	[tilespmem:s25+$0xA0] =	vst v11  }
0x3b8: {  	v17 =	vld.idx.msk [tilespmem:v47+s3+$0x0], $0xffff;
	[tilespmem:s25+$0xB0] =	vst v15  }
0x3b9: {  	v15 =	vld.idx.msk [tilespmem:v48+s3+$0x0], $0xffff;
	[tilespmem:s25+$0x1F0] =	vst v5  }
0x3ba: {  	v10 =	vld.idx.msk [tilespmem:v49+s3+$0x0], $0xffff;
	[tilespmem:s25+$0xC0] =	vst v9  }
.Ltmp10:
0x3bb: {  	v11 =	vld.idx.msk [tilespmem:v50+s3+$0x0], $0xffff;
	[tilespmem:s25+$0xD0] =	vst v12;
	(pc) =	sbr.rel @p0 .LBB2_7-.Ltmp10, $4  }
0x3bc: {  	v12 =	vld.idx.msk [tilespmem:v16+s3+$0x0], $0xffff;
	[tilespmem:s25+$0xE0] =	vst v13  }
0x3bd: {  	[tilespmem:s25+$0x100] =	vst v14;
	v13 =	vld.idx.msk [tilespmem:v28+s3+$0x0], $0xffff  }
0x3be: {  	v14 =	vld.idx.msk [tilespmem:v8+s3+$0x0], $0xffff;
	[tilespmem:s25+$0x110] =	vst v17  }
0x3bf: {  	s28 =	sadd.s32 $0x80, s28;
	v5 =	vld.idx.msk [tilespmem:v51+s3+$0x0], $0xffff;
	[tilespmem:s25+$0x120] =	vst v15  }
0x3c0: {  	_ =	sdelay $0x1  }
0x3c1: {  	[tilespmem:s25+$0x130] =	vst v10  }
0x3c2: {  	[tilespmem:s25+$0x140] =	vst v11  }
0x3c3: {  	v0 =	vld.idx.msk [tilespmem:v7+s3+$0x0], $0xffff;
	[tilespmem:s24+$0x1E0] =	vst v1  }
0x3c4: {  	[tilespmem:s25+$0x150] =	vst v12;
	v6 =	vld.idx.msk [tilespmem:v6+s3+$0x0], $0xffff  }
0x3c5: {  	v4 =	vld.idx.msk [tilespmem:v4+s3+$0x0], $0xffff;
	[tilespmem:s25+$0x160] =	vst v13  }
0x3c6: {  	v3 =	vld.idx.msk [tilespmem:v3+s3+$0x0], $0xffff;
	[tilespmem:s25+$0x180] =	vst v14  }
0x3c7: {  	s21 =	sadd.s32 $0x1, s21;
	v63 =	vld.idx.msk [tilespmem:v2+s3+$0x0], $0xffff;
	[tilespmem:s25+$0x190] =	vst v5  }
0x3c8: {  	p0 =	seq.s32 s21, $0x4;
	[tilespmem:s25+$0x1A0] =	vst v0  }
.Ltmp11:
0x3c9: {  	s23 =	sshll.u32 s23, $0x11;
	[tilespmem:s25+$0x1B0] =	vst v6;
	(pc) =	sbr.rel @!p0 .LBB2_4-.Ltmp11, $4  }
.Ltmp12:
0x3ca: {  	s23 =	sadd.s32 s22, s23;
	[tilespmem:s25+$0x1C0] =	vst v4;
	(pc) =	sbr.rel @p0 .LBB2_15-.Ltmp12, $4  }
0x3cb: {  	s23 =	sshrl.u32 s23, $0x3;
	[tilespmem:s25+$0x1D0] =	vst v3  }
0x3cc: {  	s23 =	sadd.s32 s2, s23;
	[tilespmem:s25+$0x1E0] =	vst v63  }
0x3cd: {  	[hbm4b:s23+s3] =	stream.linear.scatter [tilespmem:s14], [sflag:$0x4], $0x2000, $0x38;
	[tilespmem:$0x6800] =	vst v63  }
0x3ce: {  	_ = 	snop  }
.LBB2_17:
0x3cf: {  	_ =	sfence.sel $0x180000  }
0x3d0: {  	[bflag:$0x0] =	sbarrier.arrive $0xFFFF  }
0x3d1: {  	p0 =	sne.s32 s0, $0x0;
	_ =	strace $0x90000047  }
0x3d2: {  	s0 =	sadd.s32 @!p0 $0x100000, s1;
	[bflag:$0x2] =	sbarrier.arrive $0xFFFF  }
0x3d3: {  	[sflag:s0] =	ssyncadd.tile.s32 @!p0 $0x1;
	_ =	shalt  }
.Lfunc_end2:
_tile_overlayer_lowered:
.L_overlay_start_2:
0x3d4: {  	(tag) =	ssettag $0x2  }
0x3d5: {  	s0 =	rddreg [dreg:$0x0];
	s2 =	stileid.u32  }
0x3d6: {  	s1 =	rddreg [dreg:$0x1];
	p0 =	sne.s32 s2, $0x0  }
0x3d7: {  	s3 =	rddreg [dreg:$0x2];
	[bflag:$0x3] =	sbarrier.arrive $0xFFFF;
	s2 =	simm.s32 @!p0 $0x1C05  }
0x3d8: {  	[timem:s3], [sflag:s2] =	dma.local @!p0 [hbm:s0], s1  }
0x3d9: {  	s0 =	simm.s32 @!p0 $0x5  }
0x3da: {  	_ =	swait.ge @!p0 [sflag:s0], s1  }
0x3db: {  	s1 =	ssub.s32 @!p0 $0x0, s1;
	[sflag:s0] =	ssyncset.done @!p0 $0x0  }
0x3dc: {  	[sflag:s0] =	ssyncadd.s32 @!p0 s1  }
0x3dd: {  	[bflag:$0x3] =	sbarrier.arrive $0xFFFF  }
0x3de: {  	_ =	shalt  }

</sc_bundles>
